<compile_context>
chip_gen: v7x
topology: tpu7x:2x2x1
jax: 0.10.2.dev20260603
libtpu: 0.0.44.dev20260713+nightly
codegen_flags: <defaults>
</compile_context>

<pallas_src>
import dataclasses
import functools

import jax
import jax.numpy as jnp
from jax import lax
from jax.experimental import pallas as pl
from jax.experimental.pallas import tpu as pltpu
from jax.experimental.pallas import tpu_sc as plsc

INPUT_SIZE = 65536
SIZE = 128
STRIDE = 16
NPZ = 64
K = 8
NUM_ZONES = (INPUT_SIZE - (SIZE - 1)) // STRIDE

NEG_INF = float("-inf")


ZB = 128
TCZ = 3584
NB = TCZ // ZB
XROWS = INPUT_SIZE // SIZE


def _tc_body(xm_ref, xh_ref, w_ref, out_ref):
    xa = jnp.concatenate([xm_ref[...], xh_ref[...]], axis=0)
    b = jnp.roll(xa, -1, axis=0)
    lane = lax.broadcasted_iota(jnp.int32, (ZB // 8 + 8, SIZE), 1)
    rows = []
    for r in range(8):
        if r == 0:
            rr = xa
        else:
            rl = jnp.roll(xa, -16 * r, axis=1)
            rlb = jnp.roll(b, -16 * r, axis=1)
            rr = jnp.where(lane < SIZE - 16 * r, rl, rlb)
        rows.append(rr[:ZB // 8])
    win = jnp.stack(rows, axis=1).reshape(ZB, SIZE)
    win = win.astype(jnp.bfloat16)
    resp = lax.dot_general(w_ref[...].astype(jnp.bfloat16), win,
                           (((2,), (1,)), ((0,), (0,))),
                           preferred_element_type=jnp.float32)
    respT = resp.T
    work = respT
    for _ in range(K - 1):
        m = jnp.max(work, axis=0, keepdims=True)
        work = jnp.where(work == m, NEG_INF, work)
    thresh = jnp.max(work, axis=0, keepdims=True)
    outT = jnp.where(respT >= thresh, respT, jnp.zeros_like(respT))
    out_ref[...] = outT.T


def _tc_part(x, W):
    xs = jnp.reshape(x, (XROWS, SIZE))
    return pl.pallas_call(
        _tc_body,
        grid=(NB,),
        in_specs=[
            pl.BlockSpec((ZB // 8, SIZE), lambda i: (i, 0)),
            pl.BlockSpec((8, SIZE),
                         lambda i: (jnp.minimum((ZB // 64) * (i + 1),
                                                XROWS // 8 - 1), 0)),
            pl.BlockSpec((ZB, NPZ, SIZE), lambda i: (i, 0, 0)),
        ],
        out_specs=pl.BlockSpec((ZB, NPZ), lambda i: (i, 0)),
        out_shape=jax.ShapeDtypeStruct((TCZ, NPZ), jnp.float32),
    )(xs, xs, W)



NSC = NUM_ZONES - TCZ
NW = 32
ZPW = 16
XSLAB = ZPW * STRIDE + SIZE
WZ = NPZ * SIZE
UNROLL = 8


def _round_bf16(v):
    u = plsc.bitcast(v, jnp.int32)
    r = u + jnp.int32(0x7FFF) + ((u >> 16) & jnp.int32(1))
    return plsc.bitcast(r & jnp.int32(-65536), jnp.float32)


def _tec_body(x_hbm, w_hbm, o_hbm, xbuf, wbuf, obuf, sx, s0, s1, so):
    wid = lax.axis_index("s") * 2 + lax.axis_index("c")
    z0 = TCZ + jnp.minimum(wid * ZPW, NSC - ZPW)

    cpx = pltpu.make_async_copy(
        x_hbm.at[pl.ds(z0 * STRIDE, XSLAB)], xbuf, sx)
    cpx.start()
    cpx.wait()

    @pl.loop(0, XSLAB, step=16)
    def _(c):
        xbuf[pl.ds(c, 16)] = _round_bf16(xbuf[pl.ds(c, 16)])

    lane = lax.broadcasted_iota(jnp.int32, (16,), 0)
    gidx = [lane + 16 * g for g in range(NPZ // 16)]

    def fire(k, b, sem):
        pltpu.make_async_copy(
            w_hbm.at[z0 + k], wbuf.at[b], sem).start()

    def wait(b, sem):
        pltpu.make_async_copy(
            w_hbm.at[0], wbuf.at[b], sem).wait()

    def compute_zone(k, b):
        xvec = jnp.full((16,), k * STRIDE, jnp.int32)
        bvec = jnp.full((16,), b, jnp.int32)

        def sbody(j, accs):
            s0_ = j * UNROLL
            new = list(accs)
            for u in range(UNROLL):
                s = s0_ + u
                ws = plsc.load_gather(xbuf, [xvec + s])
                svec = jnp.full((16,), s, jnp.int32)
                for g in range(NPZ // 16):
                    gv = plsc.load_gather(wbuf, [bvec, gidx[g], svec])
                    h = (u & 1) * (NPZ // 16)
                    new[g + h] = new[g + h] + _round_bf16(gv) * ws
            return tuple(new)

        zero = jnp.zeros((16,), jnp.float32)
        parts = plsc.parallel_loop(
            0, SIZE // UNROLL, carry=(zero,) * (NPZ // 8))(sbody)
        accs = [parts[g] + parts[g + NPZ // 16] for g in range(NPZ // 16)]

        work = list(accs)
        thresh = jnp.float32(0)
        for it in range(K):
            m01 = jnp.maximum(work[0], work[1])
            m23 = jnp.maximum(work[2], work[3])
            hm = jnp.max(jnp.maximum(m01, m23))
            if it == K - 1:
                thresh = hm
            else:
                work = [jnp.where(w == hm, NEG_INF, w) for w in work]
        for g in range(NPZ // 16):
            a = accs[g]
            obuf[k, pl.ds(16 * g, 16)] = jnp.where(
                a >= thresh, a, jnp.zeros((16,), jnp.float32))

    fire(0, 0, s0)

    @pl.loop(0, ZPW // 2)
    def _(k2):
        k = 2 * k2
        fire(k + 1, 1, s1)
        wait(0, s0)
        compute_zone(k, 0)

        @pl.when(k + 2 < ZPW)
        def _():
            fire(k + 2, 0, s0)

        wait(1, s1)
        compute_zone(k + 1, 1)

    cpo = pltpu.make_async_copy(
        obuf, o_hbm.at[pl.ds(z0 - TCZ, ZPW)], so)
    cpo.start()
    cpo.wait()


def _sc_part(x, W):
    xf = jnp.reshape(x, (-1,))
    mesh = plsc.VectorSubcoreMesh(core_axis_name="c", subcore_axis_name="s")
    cp = pltpu.CompilerParams()
    if "needs_layout_passes" in pltpu.CompilerParams.__dataclass_fields__:
        cp = dataclasses.replace(cp, needs_layout_passes=False)
    sck = functools.partial(
        pl.kernel,
        mesh=mesh,
        compiler_params=cp,
        out_type=jax.ShapeDtypeStruct((NSC, NPZ), jnp.float32),
        scratch_types=[
            pltpu.VMEM((XSLAB,), jnp.float32),
            pltpu.VMEM((2, NPZ, SIZE), jnp.float32),
            pltpu.VMEM((ZPW, NPZ), jnp.float32),
            pltpu.SemaphoreType.DMA,
            pltpu.SemaphoreType.DMA,
            pltpu.SemaphoreType.DMA,
            pltpu.SemaphoreType.DMA,
        ],
    )(_tec_body)
    return sck(xf, W)


def kernel(x, W):
    out_tc = _tc_part(x, W)
    out_sc = _sc_part(x, W)
    return jnp.concatenate([out_tc, out_sc], axis=0)

# --- scband reference (transcript-rebuilt; emitter-appended) ---
"""Pipeline reference for scband-topk-layer1d-83434034692100 (READ-ONLY COPY).

The authoritative reference and input builder live on the scoring server;
editing this copy changes nothing except your own understanding.
"""

import jax, jax.numpy as jnp
import numpy as np

INPUT_SIZE = 65536
SIZE = 128
STRIDE = 16
NPZ = 64
K = 8
NUM_ZONES = (INPUT_SIZE - (SIZE - 1)) // STRIDE


def setup_inputs(seed: int = 0) -> dict:
    key = jax.random.key(seed)
    k1, k2 = jax.random.split(key)
    x = jax.random.normal(k1, (INPUT_SIZE,), dtype=jnp.float32)
    # One CompetitionZone per zone: each zone has its own linear weights [NPZ, SIZE]
    W = jax.random.normal(k2, (NUM_ZONES, NPZ, SIZE), dtype=jnp.float32) * 0.05
    return {"x": x, "W": W}


def reference(x, W):
    # torch.flatten(x)
    xf = jnp.reshape(x, (-1,))
    # strided window gather: zone i sees x[stride*i : stride*i + size]
    idx = jnp.arange(NUM_ZONES)[:, None] * STRIDE + jnp.arange(SIZE)[None, :]
    windows = jnp.take(xf, idx, axis=0)  # [Z, SIZE]
    # CompetitionZone: per-zone linear response followed by top-k competition
    resp = jnp.einsum('zns,zs->zn', W, windows)  # [Z, NPZ]
    vals = jax.lax.top_k(resp, K)[0]  # [Z, K]
    thresh = vals[:, K - 1:K]  # k-th largest per zone
    responses = jnp.where(resp >= thresh, resp, jnp.zeros_like(resp))
    return responses

if __name__ == "__main__":
    import jax
    _d = setup_inputs()
    print(jax.jit(kernel)(*tuple(_d.values())))

</pallas_src>

<mosaic_0001>
#map = affine_map<(d0, d1) -> (0)>
#map1 = affine_map<(d0, d1) -> (0, 0, 0)>
#map2 = affine_map<(d0, d1) -> (0, 0)>
module attributes {stable_mosaic.version = 14 : i64} {
  func.func @_tec_body(%arg0: i32, %arg1: i32, %arg2: memref<65536xf32, #tpu.memory_space<hbm>>, %arg3: memref<4088x64x128xf32, #tpu.memory_space<hbm>>, %arg4: memref<504x64xf32, #tpu.memory_space<hbm>>, %arg5: memref<384xf32, #tpu.memory_space<vmem>>, %arg6: memref<2x64x128xf32, #tpu.memory_space<vmem>>, %arg7: memref<16x64xf32, #tpu.memory_space<vmem>>, %arg8: memref<!tpu.dma_semaphore, #tpu.memory_space<semaphore_mem>>, %arg9: memref<!tpu.dma_semaphore, #tpu.memory_space<semaphore_mem>>, %arg10: memref<!tpu.dma_semaphore, #tpu.memory_space<semaphore_mem>>, %arg11: memref<!tpu.dma_semaphore, #tpu.memory_space<semaphore_mem>>) attributes {dimension_semantics = [#tpu.dimension_semantics<core_parallel>, #tpu.dimension_semantics<subcore_parallel>], iteration_bounds = array<i64: 2, 16>, scalar_prefetch = 0 : i64, scratch_operands = 7 : i64, tpu.core_type = #tpu.core_type<sc_vector_subcore>, window_params = [{transform_indices = #map}, {transform_indices = #map1}, {transform_indices = #map2}]} {
    %mul3A = arith.constant 2 : i32
    %mul3A_0 = arith.muli %arg1, %mul3A : i32
    %add3A = arith.addi %mul3A_0, %arg0 : i32
    %mul3A_1 = arith.constant 16 : i32
    %mul3A_2 = arith.muli %add3A, %mul3A_1 : i32
    %min3A = arith.constant 488 : i32
    %min3A_3 = arith.minsi %mul3A_2, %min3A : i32
    %add3A_4 = arith.constant 3584 : i32
    %add3A_5 = arith.addi %add3A_4, %min3A_3 : i32
    %mul3A_6 = arith.constant 16 : i32
    %mul3A_7 = arith.muli %add3A_5, %mul3A_6 : i32
    %dma_start3A = tpu.memref_slice %arg2[%mul3A_7] : memref<65536xf32, #tpu.memory_space<hbm>> -> memref<384xf32, #tpu.memory_space<hbm>>
    %dma_start3A_8 = tpu.memref_slice %arg2[%mul3A_7] : memref<65536xf32, #tpu.memory_space<hbm>> -> memref<384xf32, #tpu.memory_space<hbm>>
    tpu.enqueue_dma source(%dma_start3A_8 : memref<384xf32, #tpu.memory_space<hbm>>) target(%arg5 : memref<384xf32, #tpu.memory_space<vmem>>) target_semaphore(%arg8 : memref<!tpu.dma_semaphore, #tpu.memory_space<semaphore_mem>>)
    %dma_wait3A = tpu.memref_slice %arg2[%mul3A_7] : memref<65536xf32, #tpu.memory_space<hbm>> -> memref<384xf32, #tpu.memory_space<hbm>>
    %dma_wait3A_9 = tpu.memref_slice %arg2[%mul3A_7] : memref<65536xf32, #tpu.memory_space<hbm>> -> memref<384xf32, #tpu.memory_space<hbm>>
    tpu.wait_dma2 semaphore(%arg8 : memref<!tpu.dma_semaphore, #tpu.memory_space<semaphore_mem>>) src(%dma_wait3A_9 : memref<384xf32, #tpu.memory_space<hbm>>) dst(%arg5 : memref<384xf32, #tpu.memory_space<vmem>>)
    %scan3A = arith.constant 0 : i32
    %scan3A_10 = arith.constant 24 : i32
    %scan3A_11 = arith.addi %scan3A, %scan3A_10 : i32
    %scan3A_12 = arith.constant 1 : i32
    scf.for %scan3A_59 = %scan3A to %scan3A_11 step %scan3A_12  : i32 {
      %mul3A_60 = arith.constant 16 : i32
      %mul3A_61 = arith.muli %scan3A_59, %mul3A_60 : i32
      %add3A_62 = arith.constant 0 : i32
      %add3A_63 = arith.addi %add3A_62, %mul3A_61 : i32
      %get3A = arith.index_cast %add3A_63 : i32 to index
      %get3A_64 = tpu.vector_load %arg5[%get3A] {strides = array<i32>} : memref<384xf32, #tpu.memory_space<vmem>>, vector<16xf32>,
      %bitcast3A = vector.bitcast %get3A_64 : vector<16xf32> to vector<16xi32>
      %add3A_65 = arith.constant 32767 : i32
      %add3A_66 = vector.broadcast %add3A_65 : i32 to vector<16xi32>
      %add3A_67 = arith.addi %bitcast3A, %add3A_66 : vector<16xi32>
      %shift_right_arithmetic3A = arith.constant 16 : i32
      %shift_right_arithmetic3A_68 = vector.broadcast %shift_right_arithmetic3A : i32 to vector<16xi32>
      %shift_right_arithmetic3A_69 = arith.shrsi %bitcast3A, %shift_right_arithmetic3A_68 : vector<16xi32>
      %and3A = arith.constant 1 : i32
      %and3A_70 = vector.broadcast %and3A : i32 to vector<16xi32>
      %and3A_71 = arith.andi %shift_right_arithmetic3A_69, %and3A_70 : vector<16xi32>
      %add3A_72 = arith.addi %add3A_67, %and3A_71 : vector<16xi32>
      %and3A_73 = arith.constant -65536 : i32
      %and3A_74 = vector.broadcast %and3A_73 : i32 to vector<16xi32>
      %and3A_75 = arith.andi %add3A_72, %and3A_74 : vector<16xi32>
      %bitcast3A_76 = vector.bitcast %and3A_75 : vector<16xi32> to vector<16xf32>
      %swap3A = arith.index_cast %add3A_63 : i32 to index
      %swap3A_77 = tpu.vector_load %arg5[%swap3A] {strides = array<i32>} : memref<384xf32, #tpu.memory_space<vmem>>, vector<16xf32>,
      tpu.vector_store %arg5[%swap3A], %bitcast3A_76 {strides = array<i32>} : memref<384xf32, #tpu.memory_space<vmem>>, vector<16xf32>,
    }
    %scan3A_13 = arith.constant 24 : i32
    %iota3A = tpu.iota {dimensions = array<i32: 0>} : vector<16xi32>
    %add3A_14 = arith.constant 0 : i32
    %add3A_15 = vector.broadcast %add3A_14 : i32 to vector<16xi32>
    %add3A_16 = arith.addi %iota3A, %add3A_15 : vector<16xi32>
    %add3A_17 = arith.constant 16 : i32
    %add3A_18 = vector.broadcast %add3A_17 : i32 to vector<16xi32>
    %add3A_19 = arith.addi %iota3A, %add3A_18 : vector<16xi32>
    %add3A_20 = arith.constant 32 : i32
    %add3A_21 = vector.broadcast %add3A_20 : i32 to vector<16xi32>
    %add3A_22 = arith.addi %iota3A, %add3A_21 : vector<16xi32>
    %add3A_23 = arith.constant 48 : i32
    %add3A_24 = vector.broadcast %add3A_23 : i32 to vector<16xi32>
    %add3A_25 = arith.addi %iota3A, %add3A_24 : vector<16xi32>
    %add3A_26 = arith.constant 0 : i32
    %add3A_27 = arith.addi %add3A_5, %add3A_26 : i32
    %dma_start3A_28 = arith.constant 0 : i32
    %dma_start3A_29 = arith.constant 0 : i32
    %dma_start3A_30 = arith.constant 0 : i32
    %dma_start3A_31 = tpu.memref_slice %arg6[%dma_start3A_28, %dma_start3A_29, %dma_start3A_30] : memref<2x64x128xf32, #tpu.memory_space<vmem>> -> memref<1x64x128xf32, #tpu.memory_space<vmem>>
    %dma_start3A_32 = tpu.memref_squeeze %dma_start3A_31 : memref<1x64x128xf32, #tpu.memory_space<vmem>> -> memref<64x128xf32, #tpu.memory_space<vmem>>
    %dma_start3A_33 = arith.constant 0 : i32
    %dma_start3A_34 = arith.constant 0 : i32
    %dma_start3A_35 = tpu.memref_slice %arg3[%add3A_27, %dma_start3A_33, %dma_start3A_34] : memref<4088x64x128xf32, #tpu.memory_space<hbm>> -> memref<1x64x128xf32, #tpu.memory_space<hbm>>
    %dma_start3A_36 = tpu.memref_squeeze %dma_start3A_35 : memref<1x64x128xf32, #tpu.memory_space<hbm>> -> memref<64x128xf32, #tpu.memory_space<hbm>>
    %dma_start3A_37 = arith.constant 0 : i32
    %dma_start3A_38 = arith.constant 0 : i32
    %dma_start3A_39 = tpu.memref_slice %arg6[%dma_start3A_28, %dma_start3A_37, %dma_start3A_38] : memref<2x64x128xf32, #tpu.memory_space<vmem>> -> memref<1x64x128xf32, #tpu.memory_space<vmem>>
    %dma_start3A_40 = tpu.memref_squeeze %dma_start3A_39 : memref<1x64x128xf32, #tpu.memory_space<vmem>> -> memref<64x128xf32, #tpu.memory_space<vmem>>
    %dma_start3A_41 = arith.constant 0 : i32
    %dma_start3A_42 = arith.constant 0 : i32
    %dma_start3A_43 = tpu.memref_slice %arg3[%add3A_27, %dma_start3A_41, %dma_start3A_42] : memref<4088x64x128xf32, #tpu.memory_space<hbm>> -> memref<1x64x128xf32, #tpu.memory_space<hbm>>
    %dma_start3A_44 = tpu.memref_squeeze %dma_start3A_43 : memref<1x64x128xf32, #tpu.memory_space<hbm>> -> memref<64x128xf32, #tpu.memory_space<hbm>>
    tpu.enqueue_dma source(%dma_start3A_44 : memref<64x128xf32, #tpu.memory_space<hbm>>) target(%dma_start3A_40 : memref<64x128xf32, #tpu.memory_space<vmem>>) target_semaphore(%arg9 : memref<!tpu.dma_semaphore, #tpu.memory_space<semaphore_mem>>)
    %scan3A_45 = arith.constant 0 : i32
    %scan3A_46 = arith.constant 8 : i32
    %scan3A_47 = arith.addi %scan3A_45, %scan3A_46 : i32
    %scan3A_48 = arith.constant 1 : i32
    scf.for %scan3A_59 = %scan3A_45 to %scan3A_47 step %scan3A_48  : i32 {
      %mul3A_60 = arith.constant 1 : i32
      %mul3A_61 = arith.muli %scan3A_59, %mul3A_60 : i32
      %add3A_62 = arith.constant 0 : i32
      %add3A_63 = arith.addi %add3A_62, %mul3A_61 : i32
      %mul3A_64 = arith.constant 2 : i32
      %mul3A_65 = arith.muli %mul3A_64, %add3A_63 : i32
      %add3A_66 = arith.constant 1 : i32
      %add3A_67 = arith.addi %mul3A_65, %add3A_66 : i32
      %add3A_68 = arith.addi %add3A_5, %add3A_67 : i32
      %dma_start3A_69 = arith.constant 1 : i32
      %dma_start3A_70 = arith.constant 0 : i32
      %dma_start3A_71 = arith.constant 0 : i32
      %dma_start3A_72 = tpu.memref_slice %arg6[%dma_start3A_69, %dma_start3A_70, %dma_start3A_71] : memref<2x64x128xf32, #tpu.memory_space<vmem>> -> memref<1x64x128xf32, #tpu.memory_space<vmem>>
      %dma_start3A_73 = tpu.memref_squeeze %dma_start3A_72 : memref<1x64x128xf32, #tpu.memory_space<vmem>> -> memref<64x128xf32, #tpu.memory_space<vmem>>
      %dma_start3A_74 = arith.constant 0 : i32
      %dma_start3A_75 = arith.constant 0 : i32
      %dma_start3A_76 = tpu.memref_slice %arg3[%add3A_68, %dma_start3A_74, %dma_start3A_75] : memref<4088x64x128xf32, #tpu.memory_space<hbm>> -> memref<1x64x128xf32, #tpu.memory_space<hbm>>
      %dma_start3A_77 = tpu.memref_squeeze %dma_start3A_76 : memref<1x64x128xf32, #tpu.memory_space<hbm>> -> memref<64x128xf32, #tpu.memory_space<hbm>>
      %dma_start3A_78 = arith.constant 0 : i32
      %dma_start3A_79 = arith.constant 0 : i32
      %dma_start3A_80 = tpu.memref_slice %arg6[%dma_start3A_69, %dma_start3A_78, %dma_start3A_79] : memref<2x64x128xf32, #tpu.memory_space<vmem>> -> memref<1x64x128xf32, #tpu.memory_space<vmem>>
      %dma_start3A_81 = tpu.memref_squeeze %dma_start3A_80 : memref<1x64x128xf32, #tpu.memory_space<vmem>> -> memref<64x128xf32, #tpu.memory_space<vmem>>
      %dma_start3A_82 = arith.constant 0 : i32
      %dma_start3A_83 = arith.constant 0 : i32
      %dma_start3A_84 = tpu.memref_slice %arg3[%add3A_68, %dma_start3A_82, %dma_start3A_83] : memref<4088x64x128xf32, #tpu.memory_space<hbm>> -> memref<1x64x128xf32, #tpu.memory_space<hbm>>
      %dma_start3A_85 = tpu.memref_squeeze %dma_start3A_84 : memref<1x64x128xf32, #tpu.memory_space<hbm>> -> memref<64x128xf32, #tpu.memory_space<hbm>>
      tpu.enqueue_dma source(%dma_start3A_85 : memref<64x128xf32, #tpu.memory_space<hbm>>) target(%dma_start3A_81 : memref<64x128xf32, #tpu.memory_space<vmem>>) target_semaphore(%arg10 : memref<!tpu.dma_semaphore, #tpu.memory_space<semaphore_mem>>)
      %dma_wait3A_86 = arith.constant 0 : i32
      %dma_wait3A_87 = arith.constant 0 : i32
      %dma_wait3A_88 = arith.constant 0 : i32
      %dma_wait3A_89 = arith.constant 0 : i32
      %dma_wait3A_90 = tpu.memref_slice %arg6[%dma_wait3A_87, %dma_wait3A_88, %dma_wait3A_89] : memref<2x64x128xf32, #tpu.memory_space<vmem>> -> memref<1x64x128xf32, #tpu.memory_space<vmem>>
      %dma_wait3A_91 = tpu.memref_squeeze %dma_wait3A_90 : memref<1x64x128xf32, #tpu.memory_space<vmem>> -> memref<64x128xf32, #tpu.memory_space<vmem>>
      %dma_wait3A_92 = arith.constant 0 : i32
      %dma_wait3A_93 = arith.constant 0 : i32
      %dma_wait3A_94 = tpu.memref_slice %arg3[%dma_wait3A_86, %dma_wait3A_92, %dma_wait3A_93] : memref<4088x64x128xf32, #tpu.memory_space<hbm>> -> memref<1x64x128xf32, #tpu.memory_space<hbm>>
      %dma_wait3A_95 = tpu.memref_squeeze %dma_wait3A_94 : memref<1x64x128xf32, #tpu.memory_space<hbm>> -> memref<64x128xf32, #tpu.memory_space<hbm>>
      %dma_wait3A_96 = arith.constant 0 : i32
      %dma_wait3A_97 = arith.constant 0 : i32
      %dma_wait3A_98 = tpu.memref_slice %arg6[%dma_wait3A_87, %dma_wait3A_96, %dma_wait3A_97] : memref<2x64x128xf32, #tpu.memory_space<vmem>> -> memref<1x64x128xf32, #tpu.memory_space<vmem>>
      %dma_wait3A_99 = tpu.memref_squeeze %dma_wait3A_98 : memref<1x64x128xf32, #tpu.memory_space<vmem>> -> memref<64x128xf32, #tpu.memory_space<vmem>>
      %dma_wait3A_100 = arith.constant 0 : i32
      %dma_wait3A_101 = arith.constant 0 : i32
      %dma_wait3A_102 = tpu.memref_slice %arg3[%dma_wait3A_86, %dma_wait3A_100, %dma_wait3A_101] : memref<4088x64x128xf32, #tpu.memory_space<hbm>> -> memref<1x64x128xf32, #tpu.memory_space<hbm>>
      %dma_wait3A_103 = tpu.memref_squeeze %dma_wait3A_102 : memref<1x64x128xf32, #tpu.memory_space<hbm>> -> memref<64x128xf32, #tpu.memory_space<hbm>>
      tpu.wait_dma2 semaphore(%arg9 : memref<!tpu.dma_semaphore, #tpu.memory_space<semaphore_mem>>) src(%dma_wait3A_103 : memref<64x128xf32, #tpu.memory_space<hbm>>) dst(%dma_wait3A_99 : memref<64x128xf32, #tpu.memory_space<vmem>>)
      %mul3A_104 = arith.constant 16 : i32
      %mul3A_105 = arith.muli %mul3A_65, %mul3A_104 : i32
      %broadcast_in_dim3A = vector.broadcast %mul3A_105 : i32 to vector<16xi32>
      %broadcast_in_dim3A_106 = arith.constant 0 : i32
      %broadcast_in_dim3A_107 = vector.broadcast %broadcast_in_dim3A_106 : i32 to vector<16xi32>
      %broadcast_in_dim3A_108 = arith.constant 0.000000e+00 : f32
      %broadcast_in_dim3A_109 = vector.broadcast %broadcast_in_dim3A_108 : f32 to vector<16xf32>
      %parallel_loop3A = arith.constant 0 : i32
      %parallel_loop3A_110 = arith.constant 16 : i32
      %parallel_loop3A_111 = arith.constant 1 : i32
      %parallel_loop3A_112:8 = scf.for %parallel_loop3A_605 = %parallel_loop3A to %parallel_loop3A_110 step %parallel_loop3A_111 iter_args(%parallel_loop3A_606 = %broadcast_in_dim3A_109, %parallel_loop3A_607 = %broadcast_in_dim3A_109, %parallel_loop3A_608 = %broadcast_in_dim3A_109, %parallel_loop3A_609 = %broadcast_in_dim3A_109, %parallel_loop3A_610 = %broadcast_in_dim3A_109, %parallel_loop3A_611 = %broadcast_in_dim3A_109, %parallel_loop3A_612 = %broadcast_in_dim3A_109, %parallel_loop3A_613 = %broadcast_in_dim3A_109) -> (vector<16xf32>, vector<16xf32>, vector<16xf32>, vector<16xf32>, vector<16xf32>, vector<16xf32>, vector<16xf32>, vector<16xf32>)  : i32 {
        %parallel_loop3A_614 = arith.constant 8 : i32
        %parallel_loop3A_615 = arith.muli %parallel_loop3A_605, %parallel_loop3A_614 : i32
        %parallel_loop3A_616 = arith.constant 0 : i32
        %parallel_loop3A_617 = arith.addi %parallel_loop3A_615, %parallel_loop3A_616 : i32
        %parallel_loop3A_618 = vector.broadcast %parallel_loop3A_617 : i32 to vector<16xi32>
        %parallel_loop3A_619 = arith.addi %broadcast_in_dim3A, %parallel_loop3A_618 : vector<16xi32>
        %parallel_loop3A_620 = tpu.vector_load_idx %arg5[%parallel_loop3A_619] : memref<384xf32, #tpu.memory_space<vmem>>[vector<16xi32>], vector<16xf32>,
        %parallel_loop3A_621 = vector.broadcast %parallel_loop3A_617 : i32 to vector<16xi32>
        %parallel_loop3A_622 = tpu.vector_load_idx %arg6[%broadcast_in_dim3A_107, %add3A_16, %parallel_loop3A_621] : memref<2x64x128xf32, #tpu.memory_space<vmem>>[vector<16xi32>, vector<16xi32>, vector<16xi32>], vector<16xf32>,
        %parallel_loop3A_623 = vector.bitcast %parallel_loop3A_622 : vector<16xf32> to vector<16xi32>
        %parallel_loop3A_624 = arith.constant 32767 : i32
        %parallel_loop3A_625 = vector.broadcast %parallel_loop3A_624 : i32 to vector<16xi32>
        %parallel_loop3A_626 = arith.addi %parallel_loop3A_623, %parallel_loop3A_625 : vector<16xi32>
        %parallel_loop3A_627 = arith.constant 16 : i32
        %parallel_loop3A_628 = vector.broadcast %parallel_loop3A_627 : i32 to vector<16xi32>
        %parallel_loop3A_629 = arith.shrsi %parallel_loop3A_623, %parallel_loop3A_628 : vector<16xi32>
        %parallel_loop3A_630 = arith.constant 1 : i32
        %parallel_loop3A_631 = vector.broadcast %parallel_loop3A_630 : i32 to vector<16xi32>
        %parallel_loop3A_632 = arith.andi %parallel_loop3A_629, %parallel_loop3A_631 : vector<16xi32>
        %parallel_loop3A_633 = arith.addi %parallel_loop3A_626, %parallel_loop3A_632 : vector<16xi32>
        %parallel_loop3A_634 = arith.constant -65536 : i32
        %parallel_loop3A_635 = vector.broadcast %parallel_loop3A_634 : i32 to vector<16xi32>
        %parallel_loop3A_636 = arith.andi %parallel_loop3A_633, %parallel_loop3A_635 : vector<16xi32>
        %parallel_loop3A_637 = vector.bitcast %parallel_loop3A_636 : vector<16xi32> to vector<16xf32>
        %parallel_loop3A_638 = arith.mulf %parallel_loop3A_637, %parallel_loop3A_620 : vector<16xf32>
        %parallel_loop3A_639 = arith.addf %parallel_loop3A_606, %parallel_loop3A_638 : vector<16xf32>
        %parallel_loop3A_640 = tpu.vector_load_idx %arg6[%broadcast_in_dim3A_107, %add3A_19, %parallel_loop3A_621] : memref<2x64x128xf32, #tpu.memory_space<vmem>>[vector<16xi32>, vector<16xi32>, vector<16xi32>], vector<16xf32>,
        %parallel_loop3A_641 = vector.bitcast %parallel_loop3A_640 : vector<16xf32> to vector<16xi32>
        %parallel_loop3A_642 = arith.constant 32767 : i32
        %parallel_loop3A_643 = vector.broadcast %parallel_loop3A_642 : i32 to vector<16xi32>
        %parallel_loop3A_644 = arith.addi %parallel_loop3A_641, %parallel_loop3A_643 : vector<16xi32>
        %parallel_loop3A_645 = arith.constant 16 : i32
        %parallel_loop3A_646 = vector.broadcast %parallel_loop3A_645 : i32 to vector<16xi32>
        %parallel_loop3A_647 = arith.shrsi %parallel_loop3A_641, %parallel_loop3A_646 : vector<16xi32>
        %parallel_loop3A_648 = arith.constant 1 : i32
        %parallel_loop3A_649 = vector.broadcast %parallel_loop3A_648 : i32 to vector<16xi32>
        %parallel_loop3A_650 = arith.andi %parallel_loop3A_647, %parallel_loop3A_649 : vector<16xi32>
        %parallel_loop3A_651 = arith.addi %parallel_loop3A_644, %parallel_loop3A_650 : vector<16xi32>
        %parallel_loop3A_652 = arith.constant -65536 : i32
        %parallel_loop3A_653 = vector.broadcast %parallel_loop3A_652 : i32 to vector<16xi32>
        %parallel_loop3A_654 = arith.andi %parallel_loop3A_651, %parallel_loop3A_653 : vector<16xi32>
        %parallel_loop3A_655 = vector.bitcast %parallel_loop3A_654 : vector<16xi32> to vector<16xf32>
        %parallel_loop3A_656 = arith.mulf %parallel_loop3A_655, %parallel_loop3A_620 : vector<16xf32>
        %parallel_loop3A_657 = arith.addf %parallel_loop3A_607, %parallel_loop3A_656 : vector<16xf32>
        %parallel_loop3A_658 = tpu.vector_load_idx %arg6[%broadcast_in_dim3A_107, %add3A_22, %parallel_loop3A_621] : memref<2x64x128xf32, #tpu.memory_space<vmem>>[vector<16xi32>, vector<16xi32>, vector<16xi32>], vector<16xf32>,
        %parallel_loop3A_659 = vector.bitcast %parallel_loop3A_658 : vector<16xf32> to vector<16xi32>
        %parallel_loop3A_660 = arith.constant 32767 : i32
        %parallel_loop3A_661 = vector.broadcast %parallel_loop3A_660 : i32 to vector<16xi32>
        %parallel_loop3A_662 = arith.addi %parallel_loop3A_659, %parallel_loop3A_661 : vector<16xi32>
        %parallel_loop3A_663 = arith.constant 16 : i32
        %parallel_loop3A_664 = vector.broadcast %parallel_loop3A_663 : i32 to vector<16xi32>
        %parallel_loop3A_665 = arith.shrsi %parallel_loop3A_659, %parallel_loop3A_664 : vector<16xi32>
        %parallel_loop3A_666 = arith.constant 1 : i32
        %parallel_loop3A_667 = vector.broadcast %parallel_loop3A_666 : i32 to vector<16xi32>
        %parallel_loop3A_668 = arith.andi %parallel_loop3A_665, %parallel_loop3A_667 : vector<16xi32>
        %parallel_loop3A_669 = arith.addi %parallel_loop3A_662, %parallel_loop3A_668 : vector<16xi32>
        %parallel_loop3A_670 = arith.constant -65536 : i32
        %parallel_loop3A_671 = vector.broadcast %parallel_loop3A_670 : i32 to vector<16xi32>
        %parallel_loop3A_672 = arith.andi %parallel_loop3A_669, %parallel_loop3A_671 : vector<16xi32>
        %parallel_loop3A_673 = vector.bitcast %parallel_loop3A_672 : vector<16xi32> to vector<16xf32>
        %parallel_loop3A_674 = arith.mulf %parallel_loop3A_673, %parallel_loop3A_620 : vector<16xf32>
        %parallel_loop3A_675 = arith.addf %parallel_loop3A_608, %parallel_loop3A_674 : vector<16xf32>
        %parallel_loop3A_676 = tpu.vector_load_idx %arg6[%broadcast_in_dim3A_107, %add3A_25, %parallel_loop3A_621] : memref<2x64x128xf32, #tpu.memory_space<vmem>>[vector<16xi32>, vector<16xi32>, vector<16xi32>], vector<16xf32>,
        %parallel_loop3A_677 = vector.bitcast %parallel_loop3A_676 : vector<16xf32> to vector<16xi32>
        %parallel_loop3A_678 = arith.constant 32767 : i32
        %parallel_loop3A_679 = vector.broadcast %parallel_loop3A_678 : i32 to vector<16xi32>
        %parallel_loop3A_680 = arith.addi %parallel_loop3A_677, %parallel_loop3A_679 : vector<16xi32>
        %parallel_loop3A_681 = arith.constant 16 : i32
        %parallel_loop3A_682 = vector.broadcast %parallel_loop3A_681 : i32 to vector<16xi32>
        %parallel_loop3A_683 = arith.shrsi %parallel_loop3A_677, %parallel_loop3A_682 : vector<16xi32>
        %parallel_loop3A_684 = arith.constant 1 : i32
        %parallel_loop3A_685 = vector.broadcast %parallel_loop3A_684 : i32 to vector<16xi32>
        %parallel_loop3A_686 = arith.andi %parallel_loop3A_683, %parallel_loop3A_685 : vector<16xi32>
        %parallel_loop3A_687 = arith.addi %parallel_loop3A_680, %parallel_loop3A_686 : vector<16xi32>
        %parallel_loop3A_688 = arith.constant -65536 : i32
        %parallel_loop3A_689 = vector.broadcast %parallel_loop3A_688 : i32 to vector<16xi32>
        %parallel_loop3A_690 = arith.andi %parallel_loop3A_687, %parallel_loop3A_689 : vector<16xi32>
        %parallel_loop3A_691 = vector.bitcast %parallel_loop3A_690 : vector<16xi32> to vector<16xf32>
        %parallel_loop3A_692 = arith.mulf %parallel_loop3A_691, %parallel_loop3A_620 : vector<16xf32>
        %parallel_loop3A_693 = arith.addf %parallel_loop3A_609, %parallel_loop3A_692 : vector<16xf32>
        %parallel_loop3A_694 = arith.constant 1 : i32
        %parallel_loop3A_695 = arith.addi %parallel_loop3A_615, %parallel_loop3A_694 : i32
        %parallel_loop3A_696 = vector.broadcast %parallel_loop3A_695 : i32 to vector<16xi32>
        %parallel_loop3A_697 = arith.addi %broadcast_in_dim3A, %parallel_loop3A_696 : vector<16xi32>
        %parallel_loop3A_698 = tpu.vector_load_idx %arg5[%parallel_loop3A_697] : memref<384xf32, #tpu.memory_space<vmem>>[vector<16xi32>], vector<16xf32>,
        %parallel_loop3A_699 = vector.broadcast %parallel_loop3A_695 : i32 to vector<16xi32>
        %parallel_loop3A_700 = tpu.vector_load_idx %arg6[%broadcast_in_dim3A_107, %add3A_16, %parallel_loop3A_699] : memref<2x64x128xf32, #tpu.memory_space<vmem>>[vector<16xi32>, vector<16xi32>, vector<16xi32>], vector<16xf32>,
        %parallel_loop3A_701 = vector.bitcast %parallel_loop3A_700 : vector<16xf32> to vector<16xi32>
        %parallel_loop3A_702 = arith.constant 32767 : i32
        %parallel_loop3A_703 = vector.broadcast %parallel_loop3A_702 : i32 to vector<16xi32>
        %parallel_loop3A_704 = arith.addi %parallel_loop3A_701, %parallel_loop3A_703 : vector<16xi32>
        %parallel_loop3A_705 = arith.constant 16 : i32
        %parallel_loop3A_706 = vector.broadcast %parallel_loop3A_705 : i32 to vector<16xi32>
        %parallel_loop3A_707 = arith.shrsi %parallel_loop3A_701, %parallel_loop3A_706 : vector<16xi32>
        %parallel_loop3A_708 = arith.constant 1 : i32
        %parallel_loop3A_709 = vector.broadcast %parallel_loop3A_708 : i32 to vector<16xi32>
        %parallel_loop3A_710 = arith.andi %parallel_loop3A_707, %parallel_loop3A_709 : vector<16xi32>
        %parallel_loop3A_711 = arith.addi %parallel_loop3A_704, %parallel_loop3A_710 : vector<16xi32>
        %parallel_loop3A_712 = arith.constant -65536 : i32
        %parallel_loop3A_713 = vector.broadcast %parallel_loop3A_712 : i32 to vector<16xi32>
        %parallel_loop3A_714 = arith.andi %parallel_loop3A_711, %parallel_loop3A_713 : vector<16xi32>
        %parallel_loop3A_715 = vector.bitcast %parallel_loop3A_714 : vector<16xi32> to vector<16xf32>
        %parallel_loop3A_716 = arith.mulf %parallel_loop3A_715, %parallel_loop3A_698 : vector<16xf32>
        %parallel_loop3A_717 = arith.addf %parallel_loop3A_610, %parallel_loop3A_716 : vector<16xf32>
        %parallel_loop3A_718 = tpu.vector_load_idx %arg6[%broadcast_in_dim3A_107, %add3A_19, %parallel_loop3A_699] : memref<2x64x128xf32, #tpu.memory_space<vmem>>[vector<16xi32>, vector<16xi32>, vector<16xi32>], vector<16xf32>,
        %parallel_loop3A_719 = vector.bitcast %parallel_loop3A_718 : vector<16xf32> to vector<16xi32>
        %parallel_loop3A_720 = arith.constant 32767 : i32
        %parallel_loop3A_721 = vector.broadcast %parallel_loop3A_720 : i32 to vector<16xi32>
        %parallel_loop3A_722 = arith.addi %parallel_loop3A_719, %parallel_loop3A_721 : vector<16xi32>
        %parallel_loop3A_723 = arith.constant 16 : i32
        %parallel_loop3A_724 = vector.broadcast %parallel_loop3A_723 : i32 to vector<16xi32>
        %parallel_loop3A_725 = arith.shrsi %parallel_loop3A_719, %parallel_loop3A_724 : vector<16xi32>
        %parallel_loop3A_726 = arith.constant 1 : i32
        %parallel_loop3A_727 = vector.broadcast %parallel_loop3A_726 : i32 to vector<16xi32>
        %parallel_loop3A_728 = arith.andi %parallel_loop3A_725, %parallel_loop3A_727 : vector<16xi32>
        %parallel_loop3A_729 = arith.addi %parallel_loop3A_722, %parallel_loop3A_728 : vector<16xi32>
        %parallel_loop3A_730 = arith.constant -65536 : i32
        %parallel_loop3A_731 = vector.broadcast %parallel_loop3A_730 : i32 to vector<16xi32>
        %parallel_loop3A_732 = arith.andi %parallel_loop3A_729, %parallel_loop3A_731 : vector<16xi32>
        %parallel_loop3A_733 = vector.bitcast %parallel_loop3A_732 : vector<16xi32> to vector<16xf32>
        %parallel_loop3A_734 = arith.mulf %parallel_loop3A_733, %parallel_loop3A_698 : vector<16xf32>
        %parallel_loop3A_735 = arith.addf %parallel_loop3A_611, %parallel_loop3A_734 : vector<16xf32>
        %parallel_loop3A_736 = tpu.vector_load_idx %arg6[%broadcast_in_dim3A_107, %add3A_22, %parallel_loop3A_699] : memref<2x64x128xf32, #tpu.memory_space<vmem>>[vector<16xi32>, vector<16xi32>, vector<16xi32>], vector<16xf32>,
        %parallel_loop3A_737 = vector.bitcast %parallel_loop3A_736 : vector<16xf32> to vector<16xi32>
        %parallel_loop3A_738 = arith.constant 32767 : i32
        %parallel_loop3A_739 = vector.broadcast %parallel_loop3A_738 : i32 to vector<16xi32>
        %parallel_loop3A_740 = arith.addi %parallel_loop3A_737, %parallel_loop3A_739 : vector<16xi32>
        %parallel_loop3A_741 = arith.constant 16 : i32
        %parallel_loop3A_742 = vector.broadcast %parallel_loop3A_741 : i32 to vector<16xi32>
        %parallel_loop3A_743 = arith.shrsi %parallel_loop3A_737, %parallel_loop3A_742 : vector<16xi32>
        %parallel_loop3A_744 = arith.constant 1 : i32
        %parallel_loop3A_745 = vector.broadcast %parallel_loop3A_744 : i32 to vector<16xi32>
        %parallel_loop3A_746 = arith.andi %parallel_loop3A_743, %parallel_loop3A_745 : vector<16xi32>
        %parallel_loop3A_747 = arith.addi %parallel_loop3A_740, %parallel_loop3A_746 : vector<16xi32>
        %parallel_loop3A_748 = arith.constant -65536 : i32
        %parallel_loop3A_749 = vector.broadcast %parallel_loop3A_748 : i32 to vector<16xi32>
        %parallel_loop3A_750 = arith.andi %parallel_loop3A_747, %parallel_loop3A_749 : vector<16xi32>
        %parallel_loop3A_751 = vector.bitcast %parallel_loop3A_750 : vector<16xi32> to vector<16xf32>
        %parallel_loop3A_752 = arith.mulf %parallel_loop3A_751, %parallel_loop3A_698 : vector<16xf32>
        %parallel_loop3A_753 = arith.addf %parallel_loop3A_612, %parallel_loop3A_752 : vector<16xf32>
        %parallel_loop3A_754 = tpu.vector_load_idx %arg6[%broadcast_in_dim3A_107, %add3A_25, %parallel_loop3A_699] : memref<2x64x128xf32, #tpu.memory_space<vmem>>[vector<16xi32>, vector<16xi32>, vector<16xi32>], vector<16xf32>,
        %parallel_loop3A_755 = vector.bitcast %parallel_loop3A_754 : vector<16xf32> to vector<16xi32>
        %parallel_loop3A_756 = arith.constant 32767 : i32
        %parallel_loop3A_757 = vector.broadcast %parallel_loop3A_756 : i32 to vector<16xi32>
        %parallel_loop3A_758 = arith.addi %parallel_loop3A_755, %parallel_loop3A_757 : vector<16xi32>
        %parallel_loop3A_759 = arith.constant 16 : i32
        %parallel_loop3A_760 = vector.broadcast %parallel_loop3A_759 : i32 to vector<16xi32>
        %parallel_loop3A_761 = arith.shrsi %parallel_loop3A_755, %parallel_loop3A_760 : vector<16xi32>
        %parallel_loop3A_762 = arith.constant 1 : i32
        %parallel_loop3A_763 = vector.broadcast %parallel_loop3A_762 : i32 to vector<16xi32>
        %parallel_loop3A_764 = arith.andi %parallel_loop3A_761, %parallel_loop3A_763 : vector<16xi32>
        %parallel_loop3A_765 = arith.addi %parallel_loop3A_758, %parallel_loop3A_764 : vector<16xi32>
        %parallel_loop3A_766 = arith.constant -65536 : i32
        %parallel_loop3A_767 = vector.broadcast %parallel_loop3A_766 : i32 to vector<16xi32>
        %parallel_loop3A_768 = arith.andi %parallel_loop3A_765, %parallel_loop3A_767 : vector<16xi32>
        %parallel_loop3A_769 = vector.bitcast %parallel_loop3A_768 : vector<16xi32> to vector<16xf32>
        %parallel_loop3A_770 = arith.mulf %parallel_loop3A_769, %parallel_loop3A_698 : vector<16xf32>
        %parallel_loop3A_771 = arith.addf %parallel_loop3A_613, %parallel_loop3A_770 : vector<16xf32>
        %parallel_loop3A_772 = arith.constant 2 : i32
        %parallel_loop3A_773 = arith.addi %parallel_loop3A_615, %parallel_loop3A_772 : i32
        %parallel_loop3A_774 = vector.broadcast %parallel_loop3A_773 : i32 to vector<16xi32>
        %parallel_loop3A_775 = arith.addi %broadcast_in_dim3A, %parallel_loop3A_774 : vector<16xi32>
        %parallel_loop3A_776 = tpu.vector_load_idx %arg5[%parallel_loop3A_775] : memref<384xf32, #tpu.memory_space<vmem>>[vector<16xi32>], vector<16xf32>,
        %parallel_loop3A_777 = vector.broadcast %parallel_loop3A_773 : i32 to vector<16xi32>
        %parallel_loop3A_778 = tpu.vector_load_idx %arg6[%broadcast_in_dim3A_107, %add3A_16, %parallel_loop3A_777] : memref<2x64x128xf32, #tpu.memory_space<vmem>>[vector<16xi32>, vector<16xi32>, vector<16xi32>], vector<16xf32>,
        %parallel_loop3A_779 = vector.bitcast %parallel_loop3A_778 : vector<16xf32> to vector<16xi32>
        %parallel_loop3A_780 = arith.constant 32767 : i32
        %parallel_loop3A_781 = vector.broadcast %parallel_loop3A_780 : i32 to vector<16xi32>
        %parallel_loop3A_782 = arith.addi %parallel_loop3A_779, %parallel_loop3A_781 : vector<16xi32>
        %parallel_loop3A_783 = arith.constant 16 : i32
        %parallel_loop3A_784 = vector.broadcast %parallel_loop3A_783 : i32 to vector<16xi32>
        %parallel_loop3A_785 = arith.shrsi %parallel_loop3A_779, %parallel_loop3A_784 : vector<16xi32>
        %parallel_loop3A_786 = arith.constant 1 : i32
        %parallel_loop3A_787 = vector.broadcast %parallel_loop3A_786 : i32 to vector<16xi32>
        %parallel_loop3A_788 = arith.andi %parallel_loop3A_785, %parallel_loop3A_787 : vector<16xi32>
        %parallel_loop3A_789 = arith.addi %parallel_loop3A_782, %parallel_loop3A_788 : vector<16xi32>
        %parallel_loop3A_790 = arith.constant -65536 : i32
        %parallel_loop3A_791 = vector.broadcast %parallel_loop3A_790 : i32 to vector<16xi32>
        %parallel_loop3A_792 = arith.andi %parallel_loop3A_789, %parallel_loop3A_791 : vector<16xi32>
        %parallel_loop3A_793 = vector.bitcast %parallel_loop3A_792 : vector<16xi32> to vector<16xf32>
        %parallel_loop3A_794 = arith.mulf %parallel_loop3A_793, %parallel_loop3A_776 : vector<16xf32>
        %parallel_loop3A_795 = arith.addf %parallel_loop3A_639, %parallel_loop3A_794 : vector<16xf32>
        %parallel_loop3A_796 = tpu.vector_load_idx %arg6[%broadcast_in_dim3A_107, %add3A_19, %parallel_loop3A_777] : memref<2x64x128xf32, #tpu.memory_space<vmem>>[vector<16xi32>, vector<16xi32>, vector<16xi32>], vector<16xf32>,
        %parallel_loop3A_797 = vector.bitcast %parallel_loop3A_796 : vector<16xf32> to vector<16xi32>
        %parallel_loop3A_798 = arith.constant 32767 : i32
        %parallel_loop3A_799 = vector.broadcast %parallel_loop3A_798 : i32 to vector<16xi32>
        %parallel_loop3A_800 = arith.addi %parallel_loop3A_797, %parallel_loop3A_799 : vector<16xi32>
        %parallel_loop3A_801 = arith.constant 16 : i32
        %parallel_loop3A_802 = vector.broadcast %parallel_loop3A_801 : i32 to vector<16xi32>
        %parallel_loop3A_803 = arith.shrsi %parallel_loop3A_797, %parallel_loop3A_802 : vector<16xi32>
        %parallel_loop3A_804 = arith.constant 1 : i32
        %parallel_loop3A_805 = vector.broadcast %parallel_loop3A_804 : i32 to vector<16xi32>
        %parallel_loop3A_806 = arith.andi %parallel_loop3A_803, %parallel_loop3A_805 : vector<16xi32>
        %parallel_loop3A_807 = arith.addi %parallel_loop3A_800, %parallel_loop3A_806 : vector<16xi32>
        %parallel_loop3A_808 = arith.constant -65536 : i32
        %parallel_loop3A_809 = vector.broadcast %parallel_loop3A_808 : i32 to vector<16xi32>
        %parallel_loop3A_810 = arith.andi %parallel_loop3A_807, %parallel_loop3A_809 : vector<16xi32>
        %parallel_loop3A_811 = vector.bitcast %parallel_loop3A_810 : vector<16xi32> to vector<16xf32>
        %parallel_loop3A_812 = arith.mulf %parallel_loop3A_811, %parallel_loop3A_776 : vector<16xf32>
        %parallel_loop3A_813 = arith.addf %parallel_loop3A_657, %parallel_loop3A_812 : vector<16xf32>
        %parallel_loop3A_814 = tpu.vector_load_idx %arg6[%broadcast_in_dim3A_107, %add3A_22, %parallel_loop3A_777] : memref<2x64x128xf32, #tpu.memory_space<vmem>>[vector<16xi32>, vector<16xi32>, vector<16xi32>], vector<16xf32>,
        %parallel_loop3A_815 = vector.bitcast %parallel_loop3A_814 : vector<16xf32> to vector<16xi32>
        %parallel_loop3A_816 = arith.constant 32767 : i32
        %parallel_loop3A_817 = vector.broadcast %parallel_loop3A_816 : i32 to vector<16xi32>
        %parallel_loop3A_818 = arith.addi %parallel_loop3A_815, %parallel_loop3A_817 : vector<16xi32>
        %parallel_loop3A_819 = arith.constant 16 : i32
        %parallel_loop3A_820 = vector.broadcast %parallel_loop3A_819 : i32 to vector<16xi32>
        %parallel_loop3A_821 = arith.shrsi %parallel_loop3A_815, %parallel_loop3A_820 : vector<16xi32>
        %parallel_loop3A_822 = arith.constant 1 : i32
        %parallel_loop3A_823 = vector.broadcast %parallel_loop3A_822 : i32 to vector<16xi32>
        %parallel_loop3A_824 = arith.andi %parallel_loop3A_821, %parallel_loop3A_823 : vector<16xi32>
        %parallel_loop3A_825 = arith.addi %parallel_loop3A_818, %parallel_loop3A_824 : vector<16xi32>
        %parallel_loop3A_826 = arith.constant -65536 : i32
        %parallel_loop3A_827 = vector.broadcast %parallel_loop3A_826 : i32 to vector<16xi32>
        %parallel_loop3A_828 = arith.andi %parallel_loop3A_825, %parallel_loop3A_827 : vector<16xi32>
        %parallel_loop3A_829 = vector.bitcast %parallel_loop3A_828 : vector<16xi32> to vector<16xf32>
        %parallel_loop3A_830 = arith.mulf %parallel_loop3A_829, %parallel_loop3A_776 : vector<16xf32>
        %parallel_loop3A_831 = arith.addf %parallel_loop3A_675, %parallel_loop3A_830 : vector<16xf32>
        %parallel_loop3A_832 = tpu.vector_load_idx %arg6[%broadcast_in_dim3A_107, %add3A_25, %parallel_loop3A_777] : memref<2x64x128xf32, #tpu.memory_space<vmem>>[vector<16xi32>, vector<16xi32>, vector<16xi32>], vector<16xf32>,
        %parallel_loop3A_833 = vector.bitcast %parallel_loop3A_832 : vector<16xf32> to vector<16xi32>
        %parallel_loop3A_834 = arith.constant 32767 : i32
        %parallel_loop3A_835 = vector.broadcast %parallel_loop3A_834 : i32 to vector<16xi32>
        %parallel_loop3A_836 = arith.addi %parallel_loop3A_833, %parallel_loop3A_835 : vector<16xi32>
        %parallel_loop3A_837 = arith.constant 16 : i32
        %parallel_loop3A_838 = vector.broadcast %parallel_loop3A_837 : i32 to vector<16xi32>
        %parallel_loop3A_839 = arith.shrsi %parallel_loop3A_833, %parallel_loop3A_838 : vector<16xi32>
        %parallel_loop3A_840 = arith.constant 1 : i32
        %parallel_loop3A_841 = vector.broadcast %parallel_loop3A_840 : i32 to vector<16xi32>
        %parallel_loop3A_842 = arith.andi %parallel_loop3A_839, %parallel_loop3A_841 : vector<16xi32>
        %parallel_loop3A_843 = arith.addi %parallel_loop3A_836, %parallel_loop3A_842 : vector<16xi32>
        %parallel_loop3A_844 = arith.constant -65536 : i32
        %parallel_loop3A_845 = vector.broadcast %parallel_loop3A_844 : i32 to vector<16xi32>
        %parallel_loop3A_846 = arith.andi %parallel_loop3A_843, %parallel_loop3A_845 : vector<16xi32>
        %parallel_loop3A_847 = vector.bitcast %parallel_loop3A_846 : vector<16xi32> to vector<16xf32>
        %parallel_loop3A_848 = arith.mulf %parallel_loop3A_847, %parallel_loop3A_776 : vector<16xf32>
        %parallel_loop3A_849 = arith.addf %parallel_loop3A_693, %parallel_loop3A_848 : vector<16xf32>
        %parallel_loop3A_850 = arith.constant 3 : i32
        %parallel_loop3A_851 = arith.addi %parallel_loop3A_615, %parallel_loop3A_850 : i32
        %parallel_loop3A_852 = vector.broadcast %parallel_loop3A_851 : i32 to vector<16xi32>
        %parallel_loop3A_853 = arith.addi %broadcast_in_dim3A, %parallel_loop3A_852 : vector<16xi32>
        %parallel_loop3A_854 = tpu.vector_load_idx %arg5[%parallel_loop3A_853] : memref<384xf32, #tpu.memory_space<vmem>>[vector<16xi32>], vector<16xf32>,
        %parallel_loop3A_855 = vector.broadcast %parallel_loop3A_851 : i32 to vector<16xi32>
        %parallel_loop3A_856 = tpu.vector_load_idx %arg6[%broadcast_in_dim3A_107, %add3A_16, %parallel_loop3A_855] : memref<2x64x128xf32, #tpu.memory_space<vmem>>[vector<16xi32>, vector<16xi32>, vector<16xi32>], vector<16xf32>,
        %parallel_loop3A_857 = vector.bitcast %parallel_loop3A_856 : vector<16xf32> to vector<16xi32>
        %parallel_loop3A_858 = arith.constant 32767 : i32
        %parallel_loop3A_859 = vector.broadcast %parallel_loop3A_858 : i32 to vector<16xi32>
        %parallel_loop3A_860 = arith.addi %parallel_loop3A_857, %parallel_loop3A_859 : vector<16xi32>
        %parallel_loop3A_861 = arith.constant 16 : i32
        %parallel_loop3A_862 = vector.broadcast %parallel_loop3A_861 : i32 to vector<16xi32>
        %parallel_loop3A_863 = arith.shrsi %parallel_loop3A_857, %parallel_loop3A_862 : vector<16xi32>
        %parallel_loop3A_864 = arith.constant 1 : i32
        %parallel_loop3A_865 = vector.broadcast %parallel_loop3A_864 : i32 to vector<16xi32>
        %parallel_loop3A_866 = arith.andi %parallel_loop3A_863, %parallel_loop3A_865 : vector<16xi32>
        %parallel_loop3A_867 = arith.addi %parallel_loop3A_860, %parallel_loop3A_866 : vector<16xi32>
        %parallel_loop3A_868 = arith.constant -65536 : i32
        %parallel_loop3A_869 = vector.broadcast %parallel_loop3A_868 : i32 to vector<16xi32>
        %parallel_loop3A_870 = arith.andi %parallel_loop3A_867, %parallel_loop3A_869 : vector<16xi32>
        %parallel_loop3A_871 = vector.bitcast %parallel_loop3A_870 : vector<16xi32> to vector<16xf32>
        %parallel_loop3A_872 = arith.mulf %parallel_loop3A_871, %parallel_loop3A_854 : vector<16xf32>
        %parallel_loop3A_873 = arith.addf %parallel_loop3A_717, %parallel_loop3A_872 : vector<16xf32>
        %parallel_loop3A_874 = tpu.vector_load_idx %arg6[%broadcast_in_dim3A_107, %add3A_19, %parallel_loop3A_855] : memref<2x64x128xf32, #tpu.memory_space<vmem>>[vector<16xi32>, vector<16xi32>, vector<16xi32>], vector<16xf32>,
        %parallel_loop3A_875 = vector.bitcast %parallel_loop3A_874 : vector<16xf32> to vector<16xi32>
        %parallel_loop3A_876 = arith.constant 32767 : i32
        %parallel_loop3A_877 = vector.broadcast %parallel_loop3A_876 : i32 to vector<16xi32>
        %parallel_loop3A_878 = arith.addi %parallel_loop3A_875, %parallel_loop3A_877 : vector<16xi32>
        %parallel_loop3A_879 = arith.constant 16 : i32
        %parallel_loop3A_880 = vector.broadcast %parallel_loop3A_879 : i32 to vector<16xi32>
        %parallel_loop3A_881 = arith.shrsi %parallel_loop3A_875, %parallel_loop3A_880 : vector<16xi32>
        %parallel_loop3A_882 = arith.constant 1 : i32
        %parallel_loop3A_883 = vector.broadcast %parallel_loop3A_882 : i32 to vector<16xi32>
        %parallel_loop3A_884 = arith.andi %parallel_loop3A_881, %parallel_loop3A_883 : vector<16xi32>
        %parallel_loop3A_885 = arith.addi %parallel_loop3A_878, %parallel_loop3A_884 : vector<16xi32>
        %parallel_loop3A_886 = arith.constant -65536 : i32
        %parallel_loop3A_887 = vector.broadcast %parallel_loop3A_886 : i32 to vector<16xi32>
        %parallel_loop3A_888 = arith.andi %parallel_loop3A_885, %parallel_loop3A_887 : vector<16xi32>
        %parallel_loop3A_889 = vector.bitcast %parallel_loop3A_888 : vector<16xi32> to vector<16xf32>
        %parallel_loop3A_890 = arith.mulf %parallel_loop3A_889, %parallel_loop3A_854 : vector<16xf32>
        %parallel_loop3A_891 = arith.addf %parallel_loop3A_735, %parallel_loop3A_890 : vector<16xf32>
        %parallel_loop3A_892 = tpu.vector_load_idx %arg6[%broadcast_in_dim3A_107, %add3A_22, %parallel_loop3A_855] : memref<2x64x128xf32, #tpu.memory_space<vmem>>[vector<16xi32>, vector<16xi32>, vector<16xi32>], vector<16xf32>,
        %parallel_loop3A_893 = vector.bitcast %parallel_loop3A_892 : vector<16xf32> to vector<16xi32>
        %parallel_loop3A_894 = arith.constant 32767 : i32
        %parallel_loop3A_895 = vector.broadcast %parallel_loop3A_894 : i32 to vector<16xi32>
        %parallel_loop3A_896 = arith.addi %parallel_loop3A_893, %parallel_loop3A_895 : vector<16xi32>
        %parallel_loop3A_897 = arith.constant 16 : i32
        %parallel_loop3A_898 = vector.broadcast %parallel_loop3A_897 : i32 to vector<16xi32>
        %parallel_loop3A_899 = arith.shrsi %parallel_loop3A_893, %parallel_loop3A_898 : vector<16xi32>
        %parallel_loop3A_900 = arith.constant 1 : i32
        %parallel_loop3A_901 = vector.broadcast %parallel_loop3A_900 : i32 to vector<16xi32>
        %parallel_loop3A_902 = arith.andi %parallel_loop3A_899, %parallel_loop3A_901 : vector<16xi32>
        %parallel_loop3A_903 = arith.addi %parallel_loop3A_896, %parallel_loop3A_902 : vector<16xi32>
        %parallel_loop3A_904 = arith.constant -65536 : i32
        %parallel_loop3A_905 = vector.broadcast %parallel_loop3A_904 : i32 to vector<16xi32>
        %parallel_loop3A_906 = arith.andi %parallel_loop3A_903, %parallel_loop3A_905 : vector<16xi32>
        %parallel_loop3A_907 = vector.bitcast %parallel_loop3A_906 : vector<16xi32> to vector<16xf32>
        %parallel_loop3A_908 = arith.mulf %parallel_loop3A_907, %parallel_loop3A_854 : vector<16xf32>
        %parallel_loop3A_909 = arith.addf %parallel_loop3A_753, %parallel_loop3A_908 : vector<16xf32>
        %parallel_loop3A_910 = tpu.vector_load_idx %arg6[%broadcast_in_dim3A_107, %add3A_25, %parallel_loop3A_855] : memref<2x64x128xf32, #tpu.memory_space<vmem>>[vector<16xi32>, vector<16xi32>, vector<16xi32>], vector<16xf32>,
        %parallel_loop3A_911 = vector.bitcast %parallel_loop3A_910 : vector<16xf32> to vector<16xi32>
        %parallel_loop3A_912 = arith.constant 32767 : i32
        %parallel_loop3A_913 = vector.broadcast %parallel_loop3A_912 : i32 to vector<16xi32>
        %parallel_loop3A_914 = arith.addi %parallel_loop3A_911, %parallel_loop3A_913 : vector<16xi32>
        %parallel_loop3A_915 = arith.constant 16 : i32
        %parallel_loop3A_916 = vector.broadcast %parallel_loop3A_915 : i32 to vector<16xi32>
        %parallel_loop3A_917 = arith.shrsi %parallel_loop3A_911, %parallel_loop3A_916 : vector<16xi32>
        %parallel_loop3A_918 = arith.constant 1 : i32
        %parallel_loop3A_919 = vector.broadcast %parallel_loop3A_918 : i32 to vector<16xi32>
        %parallel_loop3A_920 = arith.andi %parallel_loop3A_917, %parallel_loop3A_919 : vector<16xi32>
        %parallel_loop3A_921 = arith.addi %parallel_loop3A_914, %parallel_loop3A_920 : vector<16xi32>
        %parallel_loop3A_922 = arith.constant -65536 : i32
        %parallel_loop3A_923 = vector.broadcast %parallel_loop3A_922 : i32 to vector<16xi32>
        %parallel_loop3A_924 = arith.andi %parallel_loop3A_921, %parallel_loop3A_923 : vector<16xi32>
        %parallel_loop3A_925 = vector.bitcast %parallel_loop3A_924 : vector<16xi32> to vector<16xf32>
        %parallel_loop3A_926 = arith.mulf %parallel_loop3A_925, %parallel_loop3A_854 : vector<16xf32>
        %parallel_loop3A_927 = arith.addf %parallel_loop3A_771, %parallel_loop3A_926 : vector<16xf32>
        %parallel_loop3A_928 = arith.constant 4 : i32
        %parallel_loop3A_929 = arith.addi %parallel_loop3A_615, %parallel_loop3A_928 : i32
        %parallel_loop3A_930 = vector.broadcast %parallel_loop3A_929 : i32 to vector<16xi32>
        %parallel_loop3A_931 = arith.addi %broadcast_in_dim3A, %parallel_loop3A_930 : vector<16xi32>
        %parallel_loop3A_932 = tpu.vector_load_idx %arg5[%parallel_loop3A_931] : memref<384xf32, #tpu.memory_space<vmem>>[vector<16xi32>], vector<16xf32>,
        %parallel_loop3A_933 = vector.broadcast %parallel_loop3A_929 : i32 to vector<16xi32>
        %parallel_loop3A_934 = tpu.vector_load_idx %arg6[%broadcast_in_dim3A_107, %add3A_16, %parallel_loop3A_933] : memref<2x64x128xf32, #tpu.memory_space<vmem>>[vector<16xi32>, vector<16xi32>, vector<16xi32>], vector<16xf32>,
        %parallel_loop3A_935 = vector.bitcast %parallel_loop3A_934 : vector<16xf32> to vector<16xi32>
        %parallel_loop3A_936 = arith.constant 32767 : i32
        %parallel_loop3A_937 = vector.broadcast %parallel_loop3A_936 : i32 to vector<16xi32>
        %parallel_loop3A_938 = arith.addi %parallel_loop3A_935, %parallel_loop3A_937 : vector<16xi32>
        %parallel_loop3A_939 = arith.constant 16 : i32
        %parallel_loop3A_940 = vector.broadcast %parallel_loop3A_939 : i32 to vector<16xi32>
        %parallel_loop3A_941 = arith.shrsi %parallel_loop3A_935, %parallel_loop3A_940 : vector<16xi32>
        %parallel_loop3A_942 = arith.constant 1 : i32
        %parallel_loop3A_943 = vector.broadcast %parallel_loop3A_942 : i32 to vector<16xi32>
        %parallel_loop3A_944 = arith.andi %parallel_loop3A_941, %parallel_loop3A_943 : vector<16xi32>
        %parallel_loop3A_945 = arith.addi %parallel_loop3A_938, %parallel_loop3A_944 : vector<16xi32>
        %parallel_loop3A_946 = arith.constant -65536 : i32
        %parallel_loop3A_947 = vector.broadcast %parallel_loop3A_946 : i32 to vector<16xi32>
        %parallel_loop3A_948 = arith.andi %parallel_loop3A_945, %parallel_loop3A_947 : vector<16xi32>
        %parallel_loop3A_949 = vector.bitcast %parallel_loop3A_948 : vector<16xi32> to vector<16xf32>
        %parallel_loop3A_950 = arith.mulf %parallel_loop3A_949, %parallel_loop3A_932 : vector<16xf32>
        %parallel_loop3A_951 = arith.addf %parallel_loop3A_795, %parallel_loop3A_950 : vector<16xf32>
        %parallel_loop3A_952 = tpu.vector_load_idx %arg6[%broadcast_in_dim3A_107, %add3A_19, %parallel_loop3A_933] : memref<2x64x128xf32, #tpu.memory_space<vmem>>[vector<16xi32>, vector<16xi32>, vector<16xi32>], vector<16xf32>,
        %parallel_loop3A_953 = vector.bitcast %parallel_loop3A_952 : vector<16xf32> to vector<16xi32>
        %parallel_loop3A_954 = arith.constant 32767 : i32
        %parallel_loop3A_955 = vector.broadcast %parallel_loop3A_954 : i32 to vector<16xi32>
        %parallel_loop3A_956 = arith.addi %parallel_loop3A_953, %parallel_loop3A_955 : vector<16xi32>
        %parallel_loop3A_957 = arith.constant 16 : i32
        %parallel_loop3A_958 = vector.broadcast %parallel_loop3A_957 : i32 to vector<16xi32>
        %parallel_loop3A_959 = arith.shrsi %parallel_loop3A_953, %parallel_loop3A_958 : vector<16xi32>
        %parallel_loop3A_960 = arith.constant 1 : i32
        %parallel_loop3A_961 = vector.broadcast %parallel_loop3A_960 : i32 to vector<16xi32>
        %parallel_loop3A_962 = arith.andi %parallel_loop3A_959, %parallel_loop3A_961 : vector<16xi32>
        %parallel_loop3A_963 = arith.addi %parallel_loop3A_956, %parallel_loop3A_962 : vector<16xi32>
        %parallel_loop3A_964 = arith.constant -65536 : i32
        %parallel_loop3A_965 = vector.broadcast %parallel_loop3A_964 : i32 to vector<16xi32>
        %parallel_loop3A_966 = arith.andi %parallel_loop3A_963, %parallel_loop3A_965 : vector<16xi32>
        %parallel_loop3A_967 = vector.bitcast %parallel_loop3A_966 : vector<16xi32> to vector<16xf32>
        %parallel_loop3A_968 = arith.mulf %parallel_loop3A_967, %parallel_loop3A_932 : vector<16xf32>
        %parallel_loop3A_969 = arith.addf %parallel_loop3A_813, %parallel_loop3A_968 : vector<16xf32>
        %parallel_loop3A_970 = tpu.vector_load_idx %arg6[%broadcast_in_dim3A_107, %add3A_22, %parallel_loop3A_933] : memref<2x64x128xf32, #tpu.memory_space<vmem>>[vector<16xi32>, vector<16xi32>, vector<16xi32>], vector<16xf32>,
        %parallel_loop3A_971 = vector.bitcast %parallel_loop3A_970 : vector<16xf32> to vector<16xi32>
        %parallel_loop3A_972 = arith.constant 32767 : i32
        %parallel_loop3A_973 = vector.broadcast %parallel_loop3A_972 : i32 to vector<16xi32>
        %parallel_loop3A_974 = arith.addi %parallel_loop3A_971, %parallel_loop3A_973 : vector<16xi32>
        %parallel_loop3A_975 = arith.constant 16 : i32
        %parallel_loop3A_976 = vector.broadcast %parallel_loop3A_975 : i32 to vector<16xi32>
        %parallel_loop3A_977 = arith.shrsi %parallel_loop3A_971, %parallel_loop3A_976 : vector<16xi32>
        %parallel_loop3A_978 = arith.constant 1 : i32
        %parallel_loop3A_979 = vector.broadcast %parallel_loop3A_978 : i32 to vector<16xi32>
        %parallel_loop3A_980 = arith.andi %parallel_loop3A_977, %parallel_loop3A_979 : vector<16xi32>
        %parallel_loop3A_981 = arith.addi %parallel_loop3A_974, %parallel_loop3A_980 : vector<16xi32>
        %parallel_loop3A_982 = arith.constant -65536 : i32
        %parallel_loop3A_983 = vector.broadcast %parallel_loop3A_982 : i32 to vector<16xi32>
        %parallel_loop3A_984 = arith.andi %parallel_loop3A_981, %parallel_loop3A_983 : vector<16xi32>
        %parallel_loop3A_985 = vector.bitcast %parallel_loop3A_984 : vector<16xi32> to vector<16xf32>
        %parallel_loop3A_986 = arith.mulf %parallel_loop3A_985, %parallel_loop3A_932 : vector<16xf32>
        %parallel_loop3A_987 = arith.addf %parallel_loop3A_831, %parallel_loop3A_986 : vector<16xf32>
        %parallel_loop3A_988 = tpu.vector_load_idx %arg6[%broadcast_in_dim3A_107, %add3A_25, %parallel_loop3A_933] : memref<2x64x128xf32, #tpu.memory_space<vmem>>[vector<16xi32>, vector<16xi32>, vector<16xi32>], vector<16xf32>,
        %parallel_loop3A_989 = vector.bitcast %parallel_loop3A_988 : vector<16xf32> to vector<16xi32>
        %parallel_loop3A_990 = arith.constant 32767 : i32
        %parallel_loop3A_991 = vector.broadcast %parallel_loop3A_990 : i32 to vector<16xi32>
        %parallel_loop3A_992 = arith.addi %parallel_loop3A_989, %parallel_loop3A_991 : vector<16xi32>
        %parallel_loop3A_993 = arith.constant 16 : i32
        %parallel_loop3A_994 = vector.broadcast %parallel_loop3A_993 : i32 to vector<16xi32>
        %parallel_loop3A_995 = arith.shrsi %parallel_loop3A_989, %parallel_loop3A_994 : vector<16xi32>
        %parallel_loop3A_996 = arith.constant 1 : i32
        %parallel_loop3A_997 = vector.broadcast %parallel_loop3A_996 : i32 to vector<16xi32>
        %parallel_loop3A_998 = arith.andi %parallel_loop3A_995, %parallel_loop3A_997 : vector<16xi32>
        %parallel_loop3A_999 = arith.addi %parallel_loop3A_992, %parallel_loop3A_998 : vector<16xi32>
        %parallel_loop3A_1000 = arith.constant -65536 : i32
        %parallel_loop3A_1001 = vector.broadcast %parallel_loop3A_1000 : i32 to vector<16xi32>
        %parallel_loop3A_1002 = arith.andi %parallel_loop3A_999, %parallel_loop3A_1001 : vector<16xi32>
        %parallel_loop3A_1003 = vector.bitcast %parallel_loop3A_1002 : vector<16xi32> to vector<16xf32>
        %parallel_loop3A_1004 = arith.mulf %parallel_loop3A_1003, %parallel_loop3A_932 : vector<16xf32>
        %parallel_loop3A_1005 = arith.addf %parallel_loop3A_849, %parallel_loop3A_1004 : vector<16xf32>
        %parallel_loop3A_1006 = arith.constant 5 : i32
        %parallel_loop3A_1007 = arith.addi %parallel_loop3A_615, %parallel_loop3A_1006 : i32
        %parallel_loop3A_1008 = vector.broadcast %parallel_loop3A_1007 : i32 to vector<16xi32>
        %parallel_loop3A_1009 = arith.addi %broadcast_in_dim3A, %parallel_loop3A_1008 : vector<16xi32>
        %parallel_loop3A_1010 = tpu.vector_load_idx %arg5[%parallel_loop3A_1009] : memref<384xf32, #tpu.memory_space<vmem>>[vector<16xi32>], vector<16xf32>,
        %parallel_loop3A_1011 = vector.broadcast %parallel_loop3A_1007 : i32 to vector<16xi32>
        %parallel_loop3A_1012 = tpu.vector_load_idx %arg6[%broadcast_in_dim3A_107, %add3A_16, %parallel_loop3A_1011] : memref<2x64x128xf32, #tpu.memory_space<vmem>>[vector<16xi32>, vector<16xi32>, vector<16xi32>], vector<16xf32>,
        %parallel_loop3A_1013 = vector.bitcast %parallel_loop3A_1012 : vector<16xf32> to vector<16xi32>
        %parallel_loop3A_1014 = arith.constant 32767 : i32
        %parallel_loop3A_1015 = vector.broadcast %parallel_loop3A_1014 : i32 to vector<16xi32>
        %parallel_loop3A_1016 = arith.addi %parallel_loop3A_1013, %parallel_loop3A_1015 : vector<16xi32>
        %parallel_loop3A_1017 = arith.constant 16 : i32
        %parallel_loop3A_1018 = vector.broadcast %parallel_loop3A_1017 : i32 to vector<16xi32>
        %parallel_loop3A_1019 = arith.shrsi %parallel_loop3A_1013, %parallel_loop3A_1018 : vector<16xi32>
        %parallel_loop3A_1020 = arith.constant 1 : i32
        %parallel_loop3A_1021 = vector.broadcast %parallel_loop3A_1020 : i32 to vector<16xi32>
        %parallel_loop3A_1022 = arith.andi %parallel_loop3A_1019, %parallel_loop3A_1021 : vector<16xi32>
        %parallel_loop3A_1023 = arith.addi %parallel_loop3A_1016, %parallel_loop3A_1022 : vector<16xi32>
        %parallel_loop3A_1024 = arith.constant -65536 : i32
        %parallel_loop3A_1025 = vector.broadcast %parallel_loop3A_1024 : i32 to vector<16xi32>
        %parallel_loop3A_1026 = arith.andi %parallel_loop3A_1023, %parallel_loop3A_1025 : vector<16xi32>
        %parallel_loop3A_1027 = vector.bitcast %parallel_loop3A_1026 : vector<16xi32> to vector<16xf32>
        %parallel_loop3A_1028 = arith.mulf %parallel_loop3A_1027, %parallel_loop3A_1010 : vector<16xf32>
        %parallel_loop3A_1029 = arith.addf %parallel_loop3A_873, %parallel_loop3A_1028 : vector<16xf32>
        %parallel_loop3A_1030 = tpu.vector_load_idx %arg6[%broadcast_in_dim3A_107, %add3A_19, %parallel_loop3A_1011] : memref<2x64x128xf32, #tpu.memory_space<vmem>>[vector<16xi32>, vector<16xi32>, vector<16xi32>], vector<16xf32>,
        %parallel_loop3A_1031 = vector.bitcast %parallel_loop3A_1030 : vector<16xf32> to vector<16xi32>
        %parallel_loop3A_1032 = arith.constant 32767 : i32
        %parallel_loop3A_1033 = vector.broadcast %parallel_loop3A_1032 : i32 to vector<16xi32>
        %parallel_loop3A_1034 = arith.addi %parallel_loop3A_1031, %parallel_loop3A_1033 : vector<16xi32>
        %parallel_loop3A_1035 = arith.constant 16 : i32
        %parallel_loop3A_1036 = vector.broadcast %parallel_loop3A_1035 : i32 to vector<16xi32>
        %parallel_loop3A_1037 = arith.shrsi %parallel_loop3A_1031, %parallel_loop3A_1036 : vector<16xi32>
        %parallel_loop3A_1038 = arith.constant 1 : i32
        %parallel_loop3A_1039 = vector.broadcast %parallel_loop3A_1038 : i32 to vector<16xi32>
        %parallel_loop3A_1040 = arith.andi %parallel_loop3A_1037, %parallel_loop3A_1039 : vector<16xi32>
        %parallel_loop3A_1041 = arith.addi %parallel_loop3A_1034, %parallel_loop3A_1040 : vector<16xi32>
        %parallel_loop3A_1042 = arith.constant -65536 : i32
        %parallel_loop3A_1043 = vector.broadcast %parallel_loop3A_1042 : i32 to vector<16xi32>
        %parallel_loop3A_1044 = arith.andi %parallel_loop3A_1041, %parallel_loop3A_1043 : vector<16xi32>
        %parallel_loop3A_1045 = vector.bitcast %parallel_loop3A_1044 : vector<16xi32> to vector<16xf32>
        %parallel_loop3A_1046 = arith.mulf %parallel_loop3A_1045, %parallel_loop3A_1010 : vector<16xf32>
        %parallel_loop3A_1047 = arith.addf %parallel_loop3A_891, %parallel_loop3A_1046 : vector<16xf32>
        %parallel_loop3A_1048 = tpu.vector_load_idx %arg6[%broadcast_in_dim3A_107, %add3A_22, %parallel_loop3A_1011] : memref<2x64x128xf32, #tpu.memory_space<vmem>>[vector<16xi32>, vector<16xi32>, vector<16xi32>], vector<16xf32>,
        %parallel_loop3A_1049 = vector.bitcast %parallel_loop3A_1048 : vector<16xf32> to vector<16xi32>
        %parallel_loop3A_1050 = arith.constant 32767 : i32
        %parallel_loop3A_1051 = vector.broadcast %parallel_loop3A_1050 : i32 to vector<16xi32>
        %parallel_loop3A_1052 = arith.addi %parallel_loop3A_1049, %parallel_loop3A_1051 : vector<16xi32>
        %parallel_loop3A_1053 = arith.constant 16 : i32
        %parallel_loop3A_1054 = vector.broadcast %parallel_loop3A_1053 : i32 to vector<16xi32>
        %parallel_loop3A_1055 = arith.shrsi %parallel_loop3A_1049, %parallel_loop3A_1054 : vector<16xi32>
        %parallel_loop3A_1056 = arith.constant 1 : i32
        %parallel_loop3A_1057 = vector.broadcast %parallel_loop3A_1056 : i32 to vector<16xi32>
        %parallel_loop3A_1058 = arith.andi %parallel_loop3A_1055, %parallel_loop3A_1057 : vector<16xi32>
        %parallel_loop3A_1059 = arith.addi %parallel_loop3A_1052, %parallel_loop3A_1058 : vector<16xi32>
        %parallel_loop3A_1060 = arith.constant -65536 : i32
        %parallel_loop3A_1061 = vector.broadcast %parallel_loop3A_1060 : i32 to vector<16xi32>
        %parallel_loop3A_1062 = arith.andi %parallel_loop3A_1059, %parallel_loop3A_1061 : vector<16xi32>
        %parallel_loop3A_1063 = vector.bitcast %parallel_loop3A_1062 : vector<16xi32> to vector<16xf32>
        %parallel_loop3A_1064 = arith.mulf %parallel_loop3A_1063, %parallel_loop3A_1010 : vector<16xf32>
        %parallel_loop3A_1065 = arith.addf %parallel_loop3A_909, %parallel_loop3A_1064 : vector<16xf32>
        %parallel_loop3A_1066 = tpu.vector_load_idx %arg6[%broadcast_in_dim3A_107, %add3A_25, %parallel_loop3A_1011] : memref<2x64x128xf32, #tpu.memory_space<vmem>>[vector<16xi32>, vector<16xi32>, vector<16xi32>], vector<16xf32>,
        %parallel_loop3A_1067 = vector.bitcast %parallel_loop3A_1066 : vector<16xf32> to vector<16xi32>
        %parallel_loop3A_1068 = arith.constant 32767 : i32
        %parallel_loop3A_1069 = vector.broadcast %parallel_loop3A_1068 : i32 to vector<16xi32>
        %parallel_loop3A_1070 = arith.addi %parallel_loop3A_1067, %parallel_loop3A_1069 : vector<16xi32>
        %parallel_loop3A_1071 = arith.constant 16 : i32
        %parallel_loop3A_1072 = vector.broadcast %parallel_loop3A_1071 : i32 to vector<16xi32>
        %parallel_loop3A_1073 = arith.shrsi %parallel_loop3A_1067, %parallel_loop3A_1072 : vector<16xi32>
        %parallel_loop3A_1074 = arith.constant 1 : i32
        %parallel_loop3A_1075 = vector.broadcast %parallel_loop3A_1074 : i32 to vector<16xi32>
        %parallel_loop3A_1076 = arith.andi %parallel_loop3A_1073, %parallel_loop3A_1075 : vector<16xi32>
        %parallel_loop3A_1077 = arith.addi %parallel_loop3A_1070, %parallel_loop3A_1076 : vector<16xi32>
        %parallel_loop3A_1078 = arith.constant -65536 : i32
        %parallel_loop3A_1079 = vector.broadcast %parallel_loop3A_1078 : i32 to vector<16xi32>
        %parallel_loop3A_1080 = arith.andi %parallel_loop3A_1077, %parallel_loop3A_1079 : vector<16xi32>
        %parallel_loop3A_1081 = vector.bitcast %parallel_loop3A_1080 : vector<16xi32> to vector<16xf32>
        %parallel_loop3A_1082 = arith.mulf %parallel_loop3A_1081, %parallel_loop3A_1010 : vector<16xf32>
        %parallel_loop3A_1083 = arith.addf %parallel_loop3A_927, %parallel_loop3A_1082 : vector<16xf32>
        %parallel_loop3A_1084 = arith.constant 6 : i32
        %parallel_loop3A_1085 = arith.addi %parallel_loop3A_615, %parallel_loop3A_1084 : i32
        %parallel_loop3A_1086 = vector.broadcast %parallel_loop3A_1085 : i32 to vector<16xi32>
        %parallel_loop3A_1087 = arith.addi %broadcast_in_dim3A, %parallel_loop3A_1086 : vector<16xi32>
        %parallel_loop3A_1088 = tpu.vector_load_idx %arg5[%parallel_loop3A_1087] : memref<384xf32, #tpu.memory_space<vmem>>[vector<16xi32>], vector<16xf32>,
        %parallel_loop3A_1089 = vector.broadcast %parallel_loop3A_1085 : i32 to vector<16xi32>
        %parallel_loop3A_1090 = tpu.vector_load_idx %arg6[%broadcast_in_dim3A_107, %add3A_16, %parallel_loop3A_1089] : memref<2x64x128xf32, #tpu.memory_space<vmem>>[vector<16xi32>, vector<16xi32>, vector<16xi32>], vector<16xf32>,
        %parallel_loop3A_1091 = vector.bitcast %parallel_loop3A_1090 : vector<16xf32> to vector<16xi32>
        %parallel_loop3A_1092 = arith.constant 32767 : i32
        %parallel_loop3A_1093 = vector.broadcast %parallel_loop3A_1092 : i32 to vector<16xi32>
        %parallel_loop3A_1094 = arith.addi %parallel_loop3A_1091, %parallel_loop3A_1093 : vector<16xi32>
        %parallel_loop3A_1095 = arith.constant 16 : i32
        %parallel_loop3A_1096 = vector.broadcast %parallel_loop3A_1095 : i32 to vector<16xi32>
        %parallel_loop3A_1097 = arith.shrsi %parallel_loop3A_1091, %parallel_loop3A_1096 : vector<16xi32>
        %parallel_loop3A_1098 = arith.constant 1 : i32
        %parallel_loop3A_1099 = vector.broadcast %parallel_loop3A_1098 : i32 to vector<16xi32>
        %parallel_loop3A_1100 = arith.andi %parallel_loop3A_1097, %parallel_loop3A_1099 : vector<16xi32>
        %parallel_loop3A_1101 = arith.addi %parallel_loop3A_1094, %parallel_loop3A_1100 : vector<16xi32>
        %parallel_loop3A_1102 = arith.constant -65536 : i32
        %parallel_loop3A_1103 = vector.broadcast %parallel_loop3A_1102 : i32 to vector<16xi32>
        %parallel_loop3A_1104 = arith.andi %parallel_loop3A_1101, %parallel_loop3A_1103 : vector<16xi32>
        %parallel_loop3A_1105 = vector.bitcast %parallel_loop3A_1104 : vector<16xi32> to vector<16xf32>
        %parallel_loop3A_1106 = arith.mulf %parallel_loop3A_1105, %parallel_loop3A_1088 : vector<16xf32>
        %parallel_loop3A_1107 = arith.addf %parallel_loop3A_951, %parallel_loop3A_1106 : vector<16xf32>
        %parallel_loop3A_1108 = tpu.vector_load_idx %arg6[%broadcast_in_dim3A_107, %add3A_19, %parallel_loop3A_1089] : memref<2x64x128xf32, #tpu.memory_space<vmem>>[vector<16xi32>, vector<16xi32>, vector<16xi32>], vector<16xf32>,
        %parallel_loop3A_1109 = vector.bitcast %parallel_loop3A_1108 : vector<16xf32> to vector<16xi32>
        %parallel_loop3A_1110 = arith.constant 32767 : i32
        %parallel_loop3A_1111 = vector.broadcast %parallel_loop3A_1110 : i32 to vector<16xi32>
        %parallel_loop3A_1112 = arith.addi %parallel_loop3A_1109, %parallel_loop3A_1111 : vector<16xi32>
        %parallel_loop3A_1113 = arith.constant 16 : i32
        %parallel_loop3A_1114 = vector.broadcast %parallel_loop3A_1113 : i32 to vector<16xi32>
        %parallel_loop3A_1115 = arith.shrsi %parallel_loop3A_1109, %parallel_loop3A_1114 : vector<16xi32>
        %parallel_loop3A_1116 = arith.constant 1 : i32
        %parallel_loop3A_1117 = vector.broadcast %parallel_loop3A_1116 : i32 to vector<16xi32>
        %parallel_loop3A_1118 = arith.andi %parallel_loop3A_1115, %parallel_loop3A_1117 : vector<16xi32>
        %parallel_loop3A_1119 = arith.addi %parallel_loop3A_1112, %parallel_loop3A_1118 : vector<16xi32>
        %parallel_loop3A_1120 = arith.constant -65536 : i32
        %parallel_loop3A_1121 = vector.broadcast %parallel_loop3A_1120 : i32 to vector<16xi32>
        %parallel_loop3A_1122 = arith.andi %parallel_loop3A_1119, %parallel_loop3A_1121 : vector<16xi32>
        %parallel_loop3A_1123 = vector.bitcast %parallel_loop3A_1122 : vector<16xi32> to vector<16xf32>
        %parallel_loop3A_1124 = arith.mulf %parallel_loop3A_1123, %parallel_loop3A_1088 : vector<16xf32>
        %parallel_loop3A_1125 = arith.addf %parallel_loop3A_969, %parallel_loop3A_1124 : vector<16xf32>
        %parallel_loop3A_1126 = tpu.vector_load_idx %arg6[%broadcast_in_dim3A_107, %add3A_22, %parallel_loop3A_1089] : memref<2x64x128xf32, #tpu.memory_space<vmem>>[vector<16xi32>, vector<16xi32>, vector<16xi32>], vector<16xf32>,
        %parallel_loop3A_1127 = vector.bitcast %parallel_loop3A_1126 : vector<16xf32> to vector<16xi32>
        %parallel_loop3A_1128 = arith.constant 32767 : i32
        %parallel_loop3A_1129 = vector.broadcast %parallel_loop3A_1128 : i32 to vector<16xi32>
        %parallel_loop3A_1130 = arith.addi %parallel_loop3A_1127, %parallel_loop3A_1129 : vector<16xi32>
        %parallel_loop3A_1131 = arith.constant 16 : i32
        %parallel_loop3A_1132 = vector.broadcast %parallel_loop3A_1131 : i32 to vector<16xi32>
        %parallel_loop3A_1133 = arith.shrsi %parallel_loop3A_1127, %parallel_loop3A_1132 : vector<16xi32>
        %parallel_loop3A_1134 = arith.constant 1 : i32
        %parallel_loop3A_1135 = vector.broadcast %parallel_loop3A_1134 : i32 to vector<16xi32>
        %parallel_loop3A_1136 = arith.andi %parallel_loop3A_1133, %parallel_loop3A_1135 : vector<16xi32>
        %parallel_loop3A_1137 = arith.addi %parallel_loop3A_1130, %parallel_loop3A_1136 : vector<16xi32>
        %parallel_loop3A_1138 = arith.constant -65536 : i32
        %parallel_loop3A_1139 = vector.broadcast %parallel_loop3A_1138 : i32 to vector<16xi32>
        %parallel_loop3A_1140 = arith.andi %parallel_loop3A_1137, %parallel_loop3A_1139 : vector<16xi32>
        %parallel_loop3A_1141 = vector.bitcast %parallel_loop3A_1140 : vector<16xi32> to vector<16xf32>
        %parallel_loop3A_1142 = arith.mulf %parallel_loop3A_1141, %parallel_loop3A_1088 : vector<16xf32>
        %parallel_loop3A_1143 = arith.addf %parallel_loop3A_987, %parallel_loop3A_1142 : vector<16xf32>
        %parallel_loop3A_1144 = tpu.vector_load_idx %arg6[%broadcast_in_dim3A_107, %add3A_25, %parallel_loop3A_1089] : memref<2x64x128xf32, #tpu.memory_space<vmem>>[vector<16xi32>, vector<16xi32>, vector<16xi32>], vector<16xf32>,
        %parallel_loop3A_1145 = vector.bitcast %parallel_loop3A_1144 : vector<16xf32> to vector<16xi32>
        %parallel_loop3A_1146 = arith.constant 32767 : i32
        %parallel_loop3A_1147 = vector.broadcast %parallel_loop3A_1146 : i32 to vector<16xi32>
        %parallel_loop3A_1148 = arith.addi %parallel_loop3A_1145, %parallel_loop3A_1147 : vector<16xi32>
        %parallel_loop3A_1149 = arith.constant 16 : i32
        %parallel_loop3A_1150 = vector.broadcast %parallel_loop3A_1149 : i32 to vector<16xi32>
        %parallel_loop3A_1151 = arith.shrsi %parallel_loop3A_1145, %parallel_loop3A_1150 : vector<16xi32>
        %parallel_loop3A_1152 = arith.constant 1 : i32
        %parallel_loop3A_1153 = vector.broadcast %parallel_loop3A_1152 : i32 to vector<16xi32>
        %parallel_loop3A_1154 = arith.andi %parallel_loop3A_1151, %parallel_loop3A_1153 : vector<16xi32>
        %parallel_loop3A_1155 = arith.addi %parallel_loop3A_1148, %parallel_loop3A_1154 : vector<16xi32>
        %parallel_loop3A_1156 = arith.constant -65536 : i32
        %parallel_loop3A_1157 = vector.broadcast %parallel_loop3A_1156 : i32 to vector<16xi32>
        %parallel_loop3A_1158 = arith.andi %parallel_loop3A_1155, %parallel_loop3A_1157 : vector<16xi32>
        %parallel_loop3A_1159 = vector.bitcast %parallel_loop3A_1158 : vector<16xi32> to vector<16xf32>
        %parallel_loop3A_1160 = arith.mulf %parallel_loop3A_1159, %parallel_loop3A_1088 : vector<16xf32>
        %parallel_loop3A_1161 = arith.addf %parallel_loop3A_1005, %parallel_loop3A_1160 : vector<16xf32>
        %parallel_loop3A_1162 = arith.constant 7 : i32
        %parallel_loop3A_1163 = arith.addi %parallel_loop3A_615, %parallel_loop3A_1162 : i32
        %parallel_loop3A_1164 = vector.broadcast %parallel_loop3A_1163 : i32 to vector<16xi32>
        %parallel_loop3A_1165 = arith.addi %broadcast_in_dim3A, %parallel_loop3A_1164 : vector<16xi32>
        %parallel_loop3A_1166 = tpu.vector_load_idx %arg5[%parallel_loop3A_1165] : memref<384xf32, #tpu.memory_space<vmem>>[vector<16xi32>], vector<16xf32>,
        %parallel_loop3A_1167 = vector.broadcast %parallel_loop3A_1163 : i32 to vector<16xi32>
        %parallel_loop3A_1168 = tpu.vector_load_idx %arg6[%broadcast_in_dim3A_107, %add3A_16, %parallel_loop3A_1167] : memref<2x64x128xf32, #tpu.memory_space<vmem>>[vector<16xi32>, vector<16xi32>, vector<16xi32>], vector<16xf32>,
        %parallel_loop3A_1169 = vector.bitcast %parallel_loop3A_1168 : vector<16xf32> to vector<16xi32>
        %parallel_loop3A_1170 = arith.constant 32767 : i32
        %parallel_loop3A_1171 = vector.broadcast %parallel_loop3A_1170 : i32 to vector<16xi32>
        %parallel_loop3A_1172 = arith.addi %parallel_loop3A_1169, %parallel_loop3A_1171 : vector<16xi32>
        %parallel_loop3A_1173 = arith.constant 16 : i32
        %parallel_loop3A_1174 = vector.broadcast %parallel_loop3A_1173 : i32 to vector<16xi32>
        %parallel_loop3A_1175 = arith.shrsi %parallel_loop3A_1169, %parallel_loop3A_1174 : vector<16xi32>
        %parallel_loop3A_1176 = arith.constant 1 : i32
        %parallel_loop3A_1177 = vector.broadcast %parallel_loop3A_1176 : i32 to vector<16xi32>
        %parallel_loop3A_1178 = arith.andi %parallel_loop3A_1175, %parallel_loop3A_1177 : vector<16xi32>
        %parallel_loop3A_1179 = arith.addi %parallel_loop3A_1172, %parallel_loop3A_1178 : vector<16xi32>
        %parallel_loop3A_1180 = arith.constant -65536 : i32
        %parallel_loop3A_1181 = vector.broadcast %parallel_loop3A_1180 : i32 to vector<16xi32>
        %parallel_loop3A_1182 = arith.andi %parallel_loop3A_1179, %parallel_loop3A_1181 : vector<16xi32>
        %parallel_loop3A_1183 = vector.bitcast %parallel_loop3A_1182 : vector<16xi32> to vector<16xf32>
        %parallel_loop3A_1184 = arith.mulf %parallel_loop3A_1183, %parallel_loop3A_1166 : vector<16xf32>
        %parallel_loop3A_1185 = arith.addf %parallel_loop3A_1029, %parallel_loop3A_1184 : vector<16xf32>
        %parallel_loop3A_1186 = tpu.vector_load_idx %arg6[%broadcast_in_dim3A_107, %add3A_19, %parallel_loop3A_1167] : memref<2x64x128xf32, #tpu.memory_space<vmem>>[vector<16xi32>, vector<16xi32>, vector<16xi32>], vector<16xf32>,
        %parallel_loop3A_1187 = vector.bitcast %parallel_loop3A_1186 : vector<16xf32> to vector<16xi32>
        %parallel_loop3A_1188 = arith.constant 32767 : i32
        %parallel_loop3A_1189 = vector.broadcast %parallel_loop3A_1188 : i32 to vector<16xi32>
        %parallel_loop3A_1190 = arith.addi %parallel_loop3A_1187, %parallel_loop3A_1189 : vector<16xi32>
        %parallel_loop3A_1191 = arith.constant 16 : i32
        %parallel_loop3A_1192 = vector.broadcast %parallel_loop3A_1191 : i32 to vector<16xi32>
        %parallel_loop3A_1193 = arith.shrsi %parallel_loop3A_1187, %parallel_loop3A_1192 : vector<16xi32>
        %parallel_loop3A_1194 = arith.constant 1 : i32
        %parallel_loop3A_1195 = vector.broadcast %parallel_loop3A_1194 : i32 to vector<16xi32>
        %parallel_loop3A_1196 = arith.andi %parallel_loop3A_1193, %parallel_loop3A_1195 : vector<16xi32>
        %parallel_loop3A_1197 = arith.addi %parallel_loop3A_1190, %parallel_loop3A_1196 : vector<16xi32>
        %parallel_loop3A_1198 = arith.constant -65536 : i32
        %parallel_loop3A_1199 = vector.broadcast %parallel_loop3A_1198 : i32 to vector<16xi32>
        %parallel_loop3A_1200 = arith.andi %parallel_loop3A_1197, %parallel_loop3A_1199 : vector<16xi32>
        %parallel_loop3A_1201 = vector.bitcast %parallel_loop3A_1200 : vector<16xi32> to vector<16xf32>
        %parallel_loop3A_1202 = arith.mulf %parallel_loop3A_1201, %parallel_loop3A_1166 : vector<16xf32>
        %parallel_loop3A_1203 = arith.addf %parallel_loop3A_1047, %parallel_loop3A_1202 : vector<16xf32>
        %parallel_loop3A_1204 = tpu.vector_load_idx %arg6[%broadcast_in_dim3A_107, %add3A_22, %parallel_loop3A_1167] : memref<2x64x128xf32, #tpu.memory_space<vmem>>[vector<16xi32>, vector<16xi32>, vector<16xi32>], vector<16xf32>,
        %parallel_loop3A_1205 = vector.bitcast %parallel_loop3A_1204 : vector<16xf32> to vector<16xi32>
        %parallel_loop3A_1206 = arith.constant 32767 : i32
        %parallel_loop3A_1207 = vector.broadcast %parallel_loop3A_1206 : i32 to vector<16xi32>
        %parallel_loop3A_1208 = arith.addi %parallel_loop3A_1205, %parallel_loop3A_1207 : vector<16xi32>
        %parallel_loop3A_1209 = arith.constant 16 : i32
        %parallel_loop3A_1210 = vector.broadcast %parallel_loop3A_1209 : i32 to vector<16xi32>
        %parallel_loop3A_1211 = arith.shrsi %parallel_loop3A_1205, %parallel_loop3A_1210 : vector<16xi32>
        %parallel_loop3A_1212 = arith.constant 1 : i32
        %parallel_loop3A_1213 = vector.broadcast %parallel_loop3A_1212 : i32 to vector<16xi32>
        %parallel_loop3A_1214 = arith.andi %parallel_loop3A_1211, %parallel_loop3A_1213 : vector<16xi32>
        %parallel_loop3A_1215 = arith.addi %parallel_loop3A_1208, %parallel_loop3A_1214 : vector<16xi32>
        %parallel_loop3A_1216 = arith.constant -65536 : i32
        %parallel_loop3A_1217 = vector.broadcast %parallel_loop3A_1216 : i32 to vector<16xi32>
        %parallel_loop3A_1218 = arith.andi %parallel_loop3A_1215, %parallel_loop3A_1217 : vector<16xi32>
        %parallel_loop3A_1219 = vector.bitcast %parallel_loop3A_1218 : vector<16xi32> to vector<16xf32>
        %parallel_loop3A_1220 = arith.mulf %parallel_loop3A_1219, %parallel_loop3A_1166 : vector<16xf32>
        %parallel_loop3A_1221 = arith.addf %parallel_loop3A_1065, %parallel_loop3A_1220 : vector<16xf32>
        %parallel_loop3A_1222 = tpu.vector_load_idx %arg6[%broadcast_in_dim3A_107, %add3A_25, %parallel_loop3A_1167] : memref<2x64x128xf32, #tpu.memory_space<vmem>>[vector<16xi32>, vector<16xi32>, vector<16xi32>], vector<16xf32>,
        %parallel_loop3A_1223 = vector.bitcast %parallel_loop3A_1222 : vector<16xf32> to vector<16xi32>
        %parallel_loop3A_1224 = arith.constant 32767 : i32
        %parallel_loop3A_1225 = vector.broadcast %parallel_loop3A_1224 : i32 to vector<16xi32>
        %parallel_loop3A_1226 = arith.addi %parallel_loop3A_1223, %parallel_loop3A_1225 : vector<16xi32>
        %parallel_loop3A_1227 = arith.constant 16 : i32
        %parallel_loop3A_1228 = vector.broadcast %parallel_loop3A_1227 : i32 to vector<16xi32>
        %parallel_loop3A_1229 = arith.shrsi %parallel_loop3A_1223, %parallel_loop3A_1228 : vector<16xi32>
        %parallel_loop3A_1230 = arith.constant 1 : i32
        %parallel_loop3A_1231 = vector.broadcast %parallel_loop3A_1230 : i32 to vector<16xi32>
        %parallel_loop3A_1232 = arith.andi %parallel_loop3A_1229, %parallel_loop3A_1231 : vector<16xi32>
        %parallel_loop3A_1233 = arith.addi %parallel_loop3A_1226, %parallel_loop3A_1232 : vector<16xi32>
        %parallel_loop3A_1234 = arith.constant -65536 : i32
        %parallel_loop3A_1235 = vector.broadcast %parallel_loop3A_1234 : i32 to vector<16xi32>
        %parallel_loop3A_1236 = arith.andi %parallel_loop3A_1233, %parallel_loop3A_1235 : vector<16xi32>
        %parallel_loop3A_1237 = vector.bitcast %parallel_loop3A_1236 : vector<16xi32> to vector<16xf32>
        %parallel_loop3A_1238 = arith.mulf %parallel_loop3A_1237, %parallel_loop3A_1166 : vector<16xf32>
        %parallel_loop3A_1239 = arith.addf %parallel_loop3A_1083, %parallel_loop3A_1238 : vector<16xf32>
        scf.yield %parallel_loop3A_1107, %parallel_loop3A_1125, %parallel_loop3A_1143, %parallel_loop3A_1161, %parallel_loop3A_1185, %parallel_loop3A_1203, %parallel_loop3A_1221, %parallel_loop3A_1239 : vector<16xf32>, vector<16xf32>, vector<16xf32>, vector<16xf32>, vector<16xf32>, vector<16xf32>, vector<16xf32>, vector<16xf32>
      } {sc.loop_unroll_factor = 1 : i64, sc.parallel_access}
      %add3A_113 = arith.addf %parallel_loop3A_112#0, %parallel_loop3A_112#4 : vector<16xf32>
      %add3A_114 = arith.addf %parallel_loop3A_112#1, %parallel_loop3A_112#5 : vector<16xf32>
      %add3A_115 = arith.addf %parallel_loop3A_112#2, %parallel_loop3A_112#6 : vector<16xf32>
      %add3A_116 = arith.addf %parallel_loop3A_112#3, %parallel_loop3A_112#7 : vector<16xf32>
      %max3A = arith.maximumf %add3A_113, %add3A_114 : vector<16xf32>
      %max3A_117 = arith.maximumf %add3A_115, %add3A_116 : vector<16xf32>
      %max3A_118 = arith.maximumf %max3A, %max3A_117 : vector<16xf32>
      %reduce_max3A = arith.constant true
      %reduce_max3A_119 = vector.broadcast %reduce_max3A : i1 to vector<16xi1>
      %reduce_max3A_120 = tpu.scan <max>, %max3A_118 masked %reduce_max3A_119 : vector<16xf32>, vector<16xi1> -> vector<16xf32>
      %reduce_max3A_121 = vector.extract %reduce_max3A_120[15] : f32 from vector<16xf32>
      %eq3A = vector.broadcast %reduce_max3A_121 : f32 to vector<16xf32>
      %eq3A_122 = arith.cmpf oeq, %add3A_113, %eq3A : vector<16xf32>
      %jit3A = arith.constant 0xFF800000 : f32
      %broadcast_in_dim3A_123 = vector.broadcast %jit3A : f32 to vector<16xf32>
      %select_n3A = arith.select %eq3A_122, %broadcast_in_dim3A_123, %add3A_113 : vector<16xi1>, vector<16xf32>
      %eq3A_124 = vector.broadcast %reduce_max3A_121 : f32 to vector<16xf32>
      %eq3A_125 = arith.cmpf oeq, %add3A_114, %eq3A_124 : vector<16xf32>
      %jit3A_126 = arith.constant 0xFF800000 : f32
      %broadcast_in_dim3A_127 = vector.broadcast %jit3A_126 : f32 to vector<16xf32>
      %select_n3A_128 = arith.select %eq3A_125, %broadcast_in_dim3A_127, %add3A_114 : vector<16xi1>, vector<16xf32>
      %eq3A_129 = vector.broadcast %reduce_max3A_121 : f32 to vector<16xf32>
      %eq3A_130 = arith.cmpf oeq, %add3A_115, %eq3A_129 : vector<16xf32>
      %jit3A_131 = arith.constant 0xFF800000 : f32
      %broadcast_in_dim3A_132 = vector.broadcast %jit3A_131 : f32 to vector<16xf32>
      %select_n3A_133 = arith.select %eq3A_130, %broadcast_in_dim3A_132, %add3A_115 : vector<16xi1>, vector<16xf32>
      %eq3A_134 = vector.broadcast %reduce_max3A_121 : f32 to vector<16xf32>
      %eq3A_135 = arith.cmpf oeq, %add3A_116, %eq3A_134 : vector<16xf32>
      %jit3A_136 = arith.constant 0xFF800000 : f32
      %broadcast_in_dim3A_137 = vector.broadcast %jit3A_136 : f32 to vector<16xf32>
      %select_n3A_138 = arith.select %eq3A_135, %broadcast_in_dim3A_137, %add3A_116 : vector<16xi1>, vector<16xf32>
      %max3A_139 = arith.maximumf %select_n3A, %select_n3A_128 : vector<16xf32>
      %max3A_140 = arith.maximumf %select_n3A_133, %select_n3A_138 : vector<16xf32>
      %max3A_141 = arith.maximumf %max3A_139, %max3A_140 : vector<16xf32>
      %reduce_max3A_142 = arith.constant true
      %reduce_max3A_143 = vector.broadcast %reduce_max3A_142 : i1 to vector<16xi1>
      %reduce_max3A_144 = tpu.scan <max>, %max3A_141 masked %reduce_max3A_143 : vector<16xf32>, vector<16xi1> -> vector<16xf32>
      %reduce_max3A_145 = vector.extract %reduce_max3A_144[15] : f32 from vector<16xf32>
      %eq3A_146 = vector.broadcast %reduce_max3A_145 : f32 to vector<16xf32>
      %eq3A_147 = arith.cmpf oeq, %select_n3A, %eq3A_146 : vector<16xf32>
      %jit3A_148 = arith.constant 0xFF800000 : f32
      %broadcast_in_dim3A_149 = vector.broadcast %jit3A_148 : f32 to vector<16xf32>
      %select_n3A_150 = arith.select %eq3A_147, %broadcast_in_dim3A_149, %select_n3A : vector<16xi1>, vector<16xf32>
      %eq3A_151 = vector.broadcast %reduce_max3A_145 : f32 to vector<16xf32>
      %eq3A_152 = arith.cmpf oeq, %select_n3A_128, %eq3A_151 : vector<16xf32>
      %jit3A_153 = arith.constant 0xFF800000 : f32
      %broadcast_in_dim3A_154 = vector.broadcast %jit3A_153 : f32 to vector<16xf32>
      %select_n3A_155 = arith.select %eq3A_152, %broadcast_in_dim3A_154, %select_n3A_128 : vector<16xi1>, vector<16xf32>
      %eq3A_156 = vector.broadcast %reduce_max3A_145 : f32 to vector<16xf32>
      %eq3A_157 = arith.cmpf oeq, %select_n3A_133, %eq3A_156 : vector<16xf32>
      %jit3A_158 = arith.constant 0xFF800000 : f32
      %broadcast_in_dim3A_159 = vector.broadcast %jit3A_158 : f32 to vector<16xf32>
      %select_n3A_160 = arith.select %eq3A_157, %broadcast_in_dim3A_159, %select_n3A_133 : vector<16xi1>, vector<16xf32>
      %eq3A_161 = vector.broadcast %reduce_max3A_145 : f32 to vector<16xf32>
      %eq3A_162 = arith.cmpf oeq, %select_n3A_138, %eq3A_161 : vector<16xf32>
      %jit3A_163 = arith.constant 0xFF800000 : f32
      %broadcast_in_dim3A_164 = vector.broadcast %jit3A_163 : f32 to vector<16xf32>
      %select_n3A_165 = arith.select %eq3A_162, %broadcast_in_dim3A_164, %select_n3A_138 : vector<16xi1>, vector<16xf32>
      %max3A_166 = arith.maximumf %select_n3A_150, %select_n3A_155 : vector<16xf32>
      %max3A_167 = arith.maximumf %select_n3A_160, %select_n3A_165 : vector<16xf32>
      %max3A_168 = arith.maximumf %max3A_166, %max3A_167 : vector<16xf32>
      %reduce_max3A_169 = arith.constant true
      %reduce_max3A_170 = vector.broadcast %reduce_max3A_169 : i1 to vector<16xi1>
      %reduce_max3A_171 = tpu.scan <max>, %max3A_168 masked %reduce_max3A_170 : vector<16xf32>, vector<16xi1> -> vector<16xf32>
      %reduce_max3A_172 = vector.extract %reduce_max3A_171[15] : f32 from vector<16xf32>
      %eq3A_173 = vector.broadcast %reduce_max3A_172 : f32 to vector<16xf32>
      %eq3A_174 = arith.cmpf oeq, %select_n3A_150, %eq3A_173 : vector<16xf32>
      %jit3A_175 = arith.constant 0xFF800000 : f32
      %broadcast_in_dim3A_176 = vector.broadcast %jit3A_175 : f32 to vector<16xf32>
      %select_n3A_177 = arith.select %eq3A_174, %broadcast_in_dim3A_176, %select_n3A_150 : vector<16xi1>, vector<16xf32>
      %eq3A_178 = vector.broadcast %reduce_max3A_172 : f32 to vector<16xf32>
      %eq3A_179 = arith.cmpf oeq, %select_n3A_155, %eq3A_178 : vector<16xf32>
      %jit3A_180 = arith.constant 0xFF800000 : f32
      %broadcast_in_dim3A_181 = vector.broadcast %jit3A_180 : f32 to vector<16xf32>
      %select_n3A_182 = arith.select %eq3A_179, %broadcast_in_dim3A_181, %select_n3A_155 : vector<16xi1>, vector<16xf32>
      %eq3A_183 = vector.broadcast %reduce_max3A_172 : f32 to vector<16xf32>
      %eq3A_184 = arith.cmpf oeq, %select_n3A_160, %eq3A_183 : vector<16xf32>
      %jit3A_185 = arith.constant 0xFF800000 : f32
      %broadcast_in_dim3A_186 = vector.broadcast %jit3A_185 : f32 to vector<16xf32>
      %select_n3A_187 = arith.select %eq3A_184, %broadcast_in_dim3A_186, %select_n3A_160 : vector<16xi1>, vector<16xf32>
      %eq3A_188 = vector.broadcast %reduce_max3A_172 : f32 to vector<16xf32>
      %eq3A_189 = arith.cmpf oeq, %select_n3A_165, %eq3A_188 : vector<16xf32>
      %jit3A_190 = arith.constant 0xFF800000 : f32
      %broadcast_in_dim3A_191 = vector.broadcast %jit3A_190 : f32 to vector<16xf32>
      %select_n3A_192 = arith.select %eq3A_189, %broadcast_in_dim3A_191, %select_n3A_165 : vector<16xi1>, vector<16xf32>
      %max3A_193 = arith.maximumf %select_n3A_177, %select_n3A_182 : vector<16xf32>
      %max3A_194 = arith.maximumf %select_n3A_187, %select_n3A_192 : vector<16xf32>
      %max3A_195 = arith.maximumf %max3A_193, %max3A_194 : vector<16xf32>
      %reduce_max3A_196 = arith.constant true
      %reduce_max3A_197 = vector.broadcast %reduce_max3A_196 : i1 to vector<16xi1>
      %reduce_max3A_198 = tpu.scan <max>, %max3A_195 masked %reduce_max3A_197 : vector<16xf32>, vector<16xi1> -> vector<16xf32>
      %reduce_max3A_199 = vector.extract %reduce_max3A_198[15] : f32 from vector<16xf32>
      %eq3A_200 = vector.broadcast %reduce_max3A_199 : f32 to vector<16xf32>
      %eq3A_201 = arith.cmpf oeq, %select_n3A_177, %eq3A_200 : vector<16xf32>
      %jit3A_202 = arith.constant 0xFF800000 : f32
      %broadcast_in_dim3A_203 = vector.broadcast %jit3A_202 : f32 to vector<16xf32>
      %select_n3A_204 = arith.select %eq3A_201, %broadcast_in_dim3A_203, %select_n3A_177 : vector<16xi1>, vector<16xf32>
      %eq3A_205 = vector.broadcast %reduce_max3A_199 : f32 to vector<16xf32>
      %eq3A_206 = arith.cmpf oeq, %select_n3A_182, %eq3A_205 : vector<16xf32>
      %jit3A_207 = arith.constant 0xFF800000 : f32
      %broadcast_in_dim3A_208 = vector.broadcast %jit3A_207 : f32 to vector<16xf32>
      %select_n3A_209 = arith.select %eq3A_206, %broadcast_in_dim3A_208, %select_n3A_182 : vector<16xi1>, vector<16xf32>
      %eq3A_210 = vector.broadcast %reduce_max3A_199 : f32 to vector<16xf32>
      %eq3A_211 = arith.cmpf oeq, %select_n3A_187, %eq3A_210 : vector<16xf32>
      %jit3A_212 = arith.constant 0xFF800000 : f32
      %broadcast_in_dim3A_213 = vector.broadcast %jit3A_212 : f32 to vector<16xf32>
      %select_n3A_214 = arith.select %eq3A_211, %broadcast_in_dim3A_213, %select_n3A_187 : vector<16xi1>, vector<16xf32>
      %eq3A_215 = vector.broadcast %reduce_max3A_199 : f32 to vector<16xf32>
      %eq3A_216 = arith.cmpf oeq, %select_n3A_192, %eq3A_215 : vector<16xf32>
      %jit3A_217 = arith.constant 0xFF800000 : f32
      %broadcast_in_dim3A_218 = vector.broadcast %jit3A_217 : f32 to vector<16xf32>
      %select_n3A_219 = arith.select %eq3A_216, %broadcast_in_dim3A_218, %select_n3A_192 : vector<16xi1>, vector<16xf32>
      %max3A_220 = arith.maximumf %select_n3A_204, %select_n3A_209 : vector<16xf32>
      %max3A_221 = arith.maximumf %select_n3A_214, %select_n3A_219 : vector<16xf32>
      %max3A_222 = arith.maximumf %max3A_220, %max3A_221 : vector<16xf32>
      %reduce_max3A_223 = arith.constant true
      %reduce_max3A_224 = vector.broadcast %reduce_max3A_223 : i1 to vector<16xi1>
      %reduce_max3A_225 = tpu.scan <max>, %max3A_222 masked %reduce_max3A_224 : vector<16xf32>, vector<16xi1> -> vector<16xf32>
      %reduce_max3A_226 = vector.extract %reduce_max3A_225[15] : f32 from vector<16xf32>
      %eq3A_227 = vector.broadcast %reduce_max3A_226 : f32 to vector<16xf32>
      %eq3A_228 = arith.cmpf oeq, %select_n3A_204, %eq3A_227 : vector<16xf32>
      %jit3A_229 = arith.constant 0xFF800000 : f32
      %broadcast_in_dim3A_230 = vector.broadcast %jit3A_229 : f32 to vector<16xf32>
      %select_n3A_231 = arith.select %eq3A_228, %broadcast_in_dim3A_230, %select_n3A_204 : vector<16xi1>, vector<16xf32>
      %eq3A_232 = vector.broadcast %reduce_max3A_226 : f32 to vector<16xf32>
      %eq3A_233 = arith.cmpf oeq, %select_n3A_209, %eq3A_232 : vector<16xf32>
      %jit3A_234 = arith.constant 0xFF800000 : f32
      %broadcast_in_dim3A_235 = vector.broadcast %jit3A_234 : f32 to vector<16xf32>
      %select_n3A_236 = arith.select %eq3A_233, %broadcast_in_dim3A_235, %select_n3A_209 : vector<16xi1>, vector<16xf32>
      %eq3A_237 = vector.broadcast %reduce_max3A_226 : f32 to vector<16xf32>
      %eq3A_238 = arith.cmpf oeq, %select_n3A_214, %eq3A_237 : vector<16xf32>
      %jit3A_239 = arith.constant 0xFF800000 : f32
      %broadcast_in_dim3A_240 = vector.broadcast %jit3A_239 : f32 to vector<16xf32>
      %select_n3A_241 = arith.select %eq3A_238, %broadcast_in_dim3A_240, %select_n3A_214 : vector<16xi1>, vector<16xf32>
      %eq3A_242 = vector.broadcast %reduce_max3A_226 : f32 to vector<16xf32>
      %eq3A_243 = arith.cmpf oeq, %select_n3A_219, %eq3A_242 : vector<16xf32>
      %jit3A_244 = arith.constant 0xFF800000 : f32
      %broadcast_in_dim3A_245 = vector.broadcast %jit3A_244 : f32 to vector<16xf32>
      %select_n3A_246 = arith.select %eq3A_243, %broadcast_in_dim3A_245, %select_n3A_219 : vector<16xi1>, vector<16xf32>
      %max3A_247 = arith.maximumf %select_n3A_231, %select_n3A_236 : vector<16xf32>
      %max3A_248 = arith.maximumf %select_n3A_241, %select_n3A_246 : vector<16xf32>
      %max3A_249 = arith.maximumf %max3A_247, %max3A_248 : vector<16xf32>
      %reduce_max3A_250 = arith.constant true
      %reduce_max3A_251 = vector.broadcast %reduce_max3A_250 : i1 to vector<16xi1>
      %reduce_max3A_252 = tpu.scan <max>, %max3A_249 masked %reduce_max3A_251 : vector<16xf32>, vector<16xi1> -> vector<16xf32>
      %reduce_max3A_253 = vector.extract %reduce_max3A_252[15] : f32 from vector<16xf32>
      %eq3A_254 = vector.broadcast %reduce_max3A_253 : f32 to vector<16xf32>
      %eq3A_255 = arith.cmpf oeq, %select_n3A_231, %eq3A_254 : vector<16xf32>
      %jit3A_256 = arith.constant 0xFF800000 : f32
      %broadcast_in_dim3A_257 = vector.broadcast %jit3A_256 : f32 to vector<16xf32>
      %select_n3A_258 = arith.select %eq3A_255, %broadcast_in_dim3A_257, %select_n3A_231 : vector<16xi1>, vector<16xf32>
      %eq3A_259 = vector.broadcast %reduce_max3A_253 : f32 to vector<16xf32>
      %eq3A_260 = arith.cmpf oeq, %select_n3A_236, %eq3A_259 : vector<16xf32>
      %jit3A_261 = arith.constant 0xFF800000 : f32
      %broadcast_in_dim3A_262 = vector.broadcast %jit3A_261 : f32 to vector<16xf32>
      %select_n3A_263 = arith.select %eq3A_260, %broadcast_in_dim3A_262, %select_n3A_236 : vector<16xi1>, vector<16xf32>
      %eq3A_264 = vector.broadcast %reduce_max3A_253 : f32 to vector<16xf32>
      %eq3A_265 = arith.cmpf oeq, %select_n3A_241, %eq3A_264 : vector<16xf32>
      %jit3A_266 = arith.constant 0xFF800000 : f32
      %broadcast_in_dim3A_267 = vector.broadcast %jit3A_266 : f32 to vector<16xf32>
      %select_n3A_268 = arith.select %eq3A_265, %broadcast_in_dim3A_267, %select_n3A_241 : vector<16xi1>, vector<16xf32>
      %eq3A_269 = vector.broadcast %reduce_max3A_253 : f32 to vector<16xf32>
      %eq3A_270 = arith.cmpf oeq, %select_n3A_246, %eq3A_269 : vector<16xf32>
      %jit3A_271 = arith.constant 0xFF800000 : f32
      %broadcast_in_dim3A_272 = vector.broadcast %jit3A_271 : f32 to vector<16xf32>
      %select_n3A_273 = arith.select %eq3A_270, %broadcast_in_dim3A_272, %select_n3A_246 : vector<16xi1>, vector<16xf32>
      %max3A_274 = arith.maximumf %select_n3A_258, %select_n3A_263 : vector<16xf32>
      %max3A_275 = arith.maximumf %select_n3A_268, %select_n3A_273 : vector<16xf32>
      %max3A_276 = arith.maximumf %max3A_274, %max3A_275 : vector<16xf32>
      %reduce_max3A_277 = arith.constant true
      %reduce_max3A_278 = vector.broadcast %reduce_max3A_277 : i1 to vector<16xi1>
      %reduce_max3A_279 = tpu.scan <max>, %max3A_276 masked %reduce_max3A_278 : vector<16xf32>, vector<16xi1> -> vector<16xf32>
      %reduce_max3A_280 = vector.extract %reduce_max3A_279[15] : f32 from vector<16xf32>
      %eq3A_281 = vector.broadcast %reduce_max3A_280 : f32 to vector<16xf32>
      %eq3A_282 = arith.cmpf oeq, %select_n3A_258, %eq3A_281 : vector<16xf32>
      %jit3A_283 = arith.constant 0xFF800000 : f32
      %broadcast_in_dim3A_284 = vector.broadcast %jit3A_283 : f32 to vector<16xf32>
      %select_n3A_285 = arith.select %eq3A_282, %broadcast_in_dim3A_284, %select_n3A_258 : vector<16xi1>, vector<16xf32>
      %eq3A_286 = vector.broadcast %reduce_max3A_280 : f32 to vector<16xf32>
      %eq3A_287 = arith.cmpf oeq, %select_n3A_263, %eq3A_286 : vector<16xf32>
      %jit3A_288 = arith.constant 0xFF800000 : f32
      %broadcast_in_dim3A_289 = vector.broadcast %jit3A_288 : f32 to vector<16xf32>
      %select_n3A_290 = arith.select %eq3A_287, %broadcast_in_dim3A_289, %select_n3A_263 : vector<16xi1>, vector<16xf32>
      %eq3A_291 = vector.broadcast %reduce_max3A_280 : f32 to vector<16xf32>
      %eq3A_292 = arith.cmpf oeq, %select_n3A_268, %eq3A_291 : vector<16xf32>
      %jit3A_293 = arith.constant 0xFF800000 : f32
      %broadcast_in_dim3A_294 = vector.broadcast %jit3A_293 : f32 to vector<16xf32>
      %select_n3A_295 = arith.select %eq3A_292, %broadcast_in_dim3A_294, %select_n3A_268 : vector<16xi1>, vector<16xf32>
      %eq3A_296 = vector.broadcast %reduce_max3A_280 : f32 to vector<16xf32>
      %eq3A_297 = arith.cmpf oeq, %select_n3A_273, %eq3A_296 : vector<16xf32>
      %jit3A_298 = arith.constant 0xFF800000 : f32
      %broadcast_in_dim3A_299 = vector.broadcast %jit3A_298 : f32 to vector<16xf32>
      %select_n3A_300 = arith.select %eq3A_297, %broadcast_in_dim3A_299, %select_n3A_273 : vector<16xi1>, vector<16xf32>
      %max3A_301 = arith.maximumf %select_n3A_285, %select_n3A_290 : vector<16xf32>
      %max3A_302 = arith.maximumf %select_n3A_295, %select_n3A_300 : vector<16xf32>
      %max3A_303 = arith.maximumf %max3A_301, %max3A_302 : vector<16xf32>
      %reduce_max3A_304 = arith.constant true
      %reduce_max3A_305 = vector.broadcast %reduce_max3A_304 : i1 to vector<16xi1>
      %reduce_max3A_306 = tpu.scan <max>, %max3A_303 masked %reduce_max3A_305 : vector<16xf32>, vector<16xi1> -> vector<16xf32>
      %reduce_max3A_307 = vector.extract %reduce_max3A_306[15] : f32 from vector<16xf32>
      %ge3A = vector.broadcast %reduce_max3A_307 : f32 to vector<16xf32>
      %ge3A_308 = arith.cmpf oge, %add3A_113, %ge3A : vector<16xf32>
      %broadcast_in_dim3A_309 = arith.constant 0.000000e+00 : f32
      %broadcast_in_dim3A_310 = vector.broadcast %broadcast_in_dim3A_309 : f32 to vector<16xf32>
      %select_n3A_311 = arith.select %ge3A_308, %add3A_113, %broadcast_in_dim3A_310 : vector<16xi1>, vector<16xf32>
      %swap3A = arith.index_cast %mul3A_65 : i32 to index
      %swap3A_312 = arith.constant 0 : index
      %swap3A_313 = tpu.vector_load %arg7[%swap3A, %swap3A_312] {strides = array<i32>} : memref<16x64xf32, #tpu.memory_space<vmem>>, vector<16xf32>,
      tpu.vector_store %arg7[%swap3A, %swap3A_312], %select_n3A_311 {strides = array<i32>} : memref<16x64xf32, #tpu.memory_space<vmem>>, vector<16xf32>,
      %ge3A_314 = vector.broadcast %reduce_max3A_307 : f32 to vector<16xf32>
      %ge3A_315 = arith.cmpf oge, %add3A_114, %ge3A_314 : vector<16xf32>
      %broadcast_in_dim3A_316 = arith.constant 0.000000e+00 : f32
      %broadcast_in_dim3A_317 = vector.broadcast %broadcast_in_dim3A_316 : f32 to vector<16xf32>
      %select_n3A_318 = arith.select %ge3A_315, %add3A_114, %broadcast_in_dim3A_317 : vector<16xi1>, vector<16xf32>
      %swap3A_319 = arith.index_cast %mul3A_65 : i32 to index
      %swap3A_320 = arith.constant 16 : index
      %swap3A_321 = tpu.vector_load %arg7[%swap3A_319, %swap3A_320] {strides = array<i32>} : memref<16x64xf32, #tpu.memory_space<vmem>>, vector<16xf32>,
      tpu.vector_store %arg7[%swap3A_319, %swap3A_320], %select_n3A_318 {strides = array<i32>} : memref<16x64xf32, #tpu.memory_space<vmem>>, vector<16xf32>,
      %ge3A_322 = vector.broadcast %reduce_max3A_307 : f32 to vector<16xf32>
      %ge3A_323 = arith.cmpf oge, %add3A_115, %ge3A_322 : vector<16xf32>
      %broadcast_in_dim3A_324 = arith.constant 0.000000e+00 : f32
      %broadcast_in_dim3A_325 = vector.broadcast %broadcast_in_dim3A_324 : f32 to vector<16xf32>
      %select_n3A_326 = arith.select %ge3A_323, %add3A_115, %broadcast_in_dim3A_325 : vector<16xi1>, vector<16xf32>
      %swap3A_327 = arith.index_cast %mul3A_65 : i32 to index
      %swap3A_328 = arith.constant 32 : index
      %swap3A_329 = tpu.vector_load %arg7[%swap3A_327, %swap3A_328] {strides = array<i32>} : memref<16x64xf32, #tpu.memory_space<vmem>>, vector<16xf32>,
      tpu.vector_store %arg7[%swap3A_327, %swap3A_328], %select_n3A_326 {strides = array<i32>} : memref<16x64xf32, #tpu.memory_space<vmem>>, vector<16xf32>,
      %ge3A_330 = vector.broadcast %reduce_max3A_307 : f32 to vector<16xf32>
      %ge3A_331 = arith.cmpf oge, %add3A_116, %ge3A_330 : vector<16xf32>
      %broadcast_in_dim3A_332 = arith.constant 0.000000e+00 : f32
      %broadcast_in_dim3A_333 = vector.broadcast %broadcast_in_dim3A_332 : f32 to vector<16xf32>
      %select_n3A_334 = arith.select %ge3A_331, %add3A_116, %broadcast_in_dim3A_333 : vector<16xi1>, vector<16xf32>
      %swap3A_335 = arith.index_cast %mul3A_65 : i32 to index
      %swap3A_336 = arith.constant 48 : index
      %swap3A_337 = tpu.vector_load %arg7[%swap3A_335, %swap3A_336] {strides = array<i32>} : memref<16x64xf32, #tpu.memory_space<vmem>>, vector<16xf32>,
      tpu.vector_store %arg7[%swap3A_335, %swap3A_336], %select_n3A_334 {strides = array<i32>} : memref<16x64xf32, #tpu.memory_space<vmem>>, vector<16xf32>,
      %add3A_338 = arith.constant 2 : i32
      %add3A_339 = arith.addi %mul3A_65, %add3A_338 : i32
      %lt3A = arith.constant 16 : i32
      %lt3A_340 = arith.cmpi slt, %add3A_339, %lt3A : i32
      %convert_element_type3A = arith.extui %lt3A_340 : i1 to i32
      %cond3A = arith.constant 0 : i32
      %cond3A_341 = arith.cmpi ne, %convert_element_type3A, %cond3A : i32
      scf.if %cond3A_341 {
        %add3A_605 = arith.constant 2 : i32
        %add3A_606 = arith.addi %mul3A_65, %add3A_605 : i32
        %add3A_607 = arith.addi %add3A_5, %add3A_606 : i32
        %dma_start3A_608 = arith.constant 0 : i32
        %dma_start3A_609 = arith.constant 0 : i32
        %dma_start3A_610 = arith.constant 0 : i32
        %dma_start3A_611 = tpu.memref_slice %arg6[%dma_start3A_608, %dma_start3A_609, %dma_start3A_610] : memref<2x64x128xf32, #tpu.memory_space<vmem>> -> memref<1x64x128xf32, #tpu.memory_space<vmem>>
        %dma_start3A_612 = tpu.memref_squeeze %dma_start3A_611 : memref<1x64x128xf32, #tpu.memory_space<vmem>> -> memref<64x128xf32, #tpu.memory_space<vmem>>
        %dma_start3A_613 = arith.constant 0 : i32
        %dma_start3A_614 = arith.constant 0 : i32
        %dma_start3A_615 = tpu.memref_slice %arg3[%add3A_607, %dma_start3A_613, %dma_start3A_614] : memref<4088x64x128xf32, #tpu.memory_space<hbm>> -> memref<1x64x128xf32, #tpu.memory_space<hbm>>
        %dma_start3A_616 = tpu.memref_squeeze %dma_start3A_615 : memref<1x64x128xf32, #tpu.memory_space<hbm>> -> memref<64x128xf32, #tpu.memory_space<hbm>>
        %dma_start3A_617 = arith.constant 0 : i32
        %dma_start3A_618 = arith.constant 0 : i32
        %dma_start3A_619 = tpu.memref_slice %arg6[%dma_start3A_608, %dma_start3A_617, %dma_start3A_618] : memref<2x64x128xf32, #tpu.memory_space<vmem>> -> memref<1x64x128xf32, #tpu.memory_space<vmem>>
        %dma_start3A_620 = tpu.memref_squeeze %dma_start3A_619 : memref<1x64x128xf32, #tpu.memory_space<vmem>> -> memref<64x128xf32, #tpu.memory_space<vmem>>
        %dma_start3A_621 = arith.constant 0 : i32
        %dma_start3A_622 = arith.constant 0 : i32
        %dma_start3A_623 = tpu.memref_slice %arg3[%add3A_607, %dma_start3A_621, %dma_start3A_622] : memref<4088x64x128xf32, #tpu.memory_space<hbm>> -> memref<1x64x128xf32, #tpu.memory_space<hbm>>
        %dma_start3A_624 = tpu.memref_squeeze %dma_start3A_623 : memref<1x64x128xf32, #tpu.memory_space<hbm>> -> memref<64x128xf32, #tpu.memory_space<hbm>>
        tpu.enqueue_dma source(%dma_start3A_624 : memref<64x128xf32, #tpu.memory_space<hbm>>) target(%dma_start3A_620 : memref<64x128xf32, #tpu.memory_space<vmem>>) target_semaphore(%arg9 : memref<!tpu.dma_semaphore, #tpu.memory_space<semaphore_mem>>)
      } else {
      }
      %dma_wait3A_342 = arith.constant 0 : i32
      %dma_wait3A_343 = arith.constant 1 : i32
      %dma_wait3A_344 = arith.constant 0 : i32
      %dma_wait3A_345 = arith.constant 0 : i32
      %dma_wait3A_346 = tpu.memref_slice %arg6[%dma_wait3A_343, %dma_wait3A_344, %dma_wait3A_345] : memref<2x64x128xf32, #tpu.memory_space<vmem>> -> memref<1x64x128xf32, #tpu.memory_space<vmem>>
      %dma_wait3A_347 = tpu.memref_squeeze %dma_wait3A_346 : memref<1x64x128xf32, #tpu.memory_space<vmem>> -> memref<64x128xf32, #tpu.memory_space<vmem>>
      %dma_wait3A_348 = arith.constant 0 : i32
      %dma_wait3A_349 = arith.constant 0 : i32
      %dma_wait3A_350 = tpu.memref_slice %arg3[%dma_wait3A_342, %dma_wait3A_348, %dma_wait3A_349] : memref<4088x64x128xf32, #tpu.memory_space<hbm>> -> memref<1x64x128xf32, #tpu.memory_space<hbm>>
      %dma_wait3A_351 = tpu.memref_squeeze %dma_wait3A_350 : memref<1x64x128xf32, #tpu.memory_space<hbm>> -> memref<64x128xf32, #tpu.memory_space<hbm>>
      %dma_wait3A_352 = arith.constant 0 : i32
      %dma_wait3A_353 = arith.constant 0 : i32
      %dma_wait3A_354 = tpu.memref_slice %arg6[%dma_wait3A_343, %dma_wait3A_352, %dma_wait3A_353] : memref<2x64x128xf32, #tpu.memory_space<vmem>> -> memref<1x64x128xf32, #tpu.memory_space<vmem>>
      %dma_wait3A_355 = tpu.memref_squeeze %dma_wait3A_354 : memref<1x64x128xf32, #tpu.memory_space<vmem>> -> memref<64x128xf32, #tpu.memory_space<vmem>>
      %dma_wait3A_356 = arith.constant 0 : i32
      %dma_wait3A_357 = arith.constant 0 : i32
      %dma_wait3A_358 = tpu.memref_slice %arg3[%dma_wait3A_342, %dma_wait3A_356, %dma_wait3A_357] : memref<4088x64x128xf32, #tpu.memory_space<hbm>> -> memref<1x64x128xf32, #tpu.memory_space<hbm>>
      %dma_wait3A_359 = tpu.memref_squeeze %dma_wait3A_358 : memref<1x64x128xf32, #tpu.memory_space<hbm>> -> memref<64x128xf32, #tpu.memory_space<hbm>>
      tpu.wait_dma2 semaphore(%arg10 : memref<!tpu.dma_semaphore, #tpu.memory_space<semaphore_mem>>) src(%dma_wait3A_359 : memref<64x128xf32, #tpu.memory_space<hbm>>) dst(%dma_wait3A_355 : memref<64x128xf32, #tpu.memory_space<vmem>>)
      %add3A_360 = arith.constant 1 : i32
      %add3A_361 = arith.addi %mul3A_65, %add3A_360 : i32
      %mul3A_362 = arith.constant 16 : i32
      %mul3A_363 = arith.muli %add3A_361, %mul3A_362 : i32
      %broadcast_in_dim3A_364 = vector.broadcast %mul3A_363 : i32 to vector<16xi32>
      %broadcast_in_dim3A_365 = arith.constant 1 : i32
      %broadcast_in_dim3A_366 = vector.broadcast %broadcast_in_dim3A_365 : i32 to vector<16xi32>
      %broadcast_in_dim3A_367 = arith.constant 0.000000e+00 : f32
      %broadcast_in_dim3A_368 = vector.broadcast %broadcast_in_dim3A_367 : f32 to vector<16xf32>
      %parallel_loop3A_369 = arith.constant 0 : i32
      %parallel_loop3A_370 = arith.constant 16 : i32
      %parallel_loop3A_371 = arith.constant 1 : i32
      %parallel_loop3A_372:8 = scf.for %parallel_loop3A_605 = %parallel_loop3A_369 to %parallel_loop3A_370 step %parallel_loop3A_371 iter_args(%parallel_loop3A_606 = %broadcast_in_dim3A_368, %parallel_loop3A_607 = %broadcast_in_dim3A_368, %parallel_loop3A_608 = %broadcast_in_dim3A_368, %parallel_loop3A_609 = %broadcast_in_dim3A_368, %parallel_loop3A_610 = %broadcast_in_dim3A_368, %parallel_loop3A_611 = %broadcast_in_dim3A_368, %parallel_loop3A_612 = %broadcast_in_dim3A_368, %parallel_loop3A_613 = %broadcast_in_dim3A_368) -> (vector<16xf32>, vector<16xf32>, vector<16xf32>, vector<16xf32>, vector<16xf32>, vector<16xf32>, vector<16xf32>, vector<16xf32>)  : i32 {
        %parallel_loop3A_614 = arith.constant 8 : i32
        %parallel_loop3A_615 = arith.muli %parallel_loop3A_605, %parallel_loop3A_614 : i32
        %parallel_loop3A_616 = arith.constant 0 : i32
        %parallel_loop3A_617 = arith.addi %parallel_loop3A_615, %parallel_loop3A_616 : i32
        %parallel_loop3A_618 = vector.broadcast %parallel_loop3A_617 : i32 to vector<16xi32>
        %parallel_loop3A_619 = arith.addi %broadcast_in_dim3A_364, %parallel_loop3A_618 : vector<16xi32>
        %parallel_loop3A_620 = tpu.vector_load_idx %arg5[%parallel_loop3A_619] : memref<384xf32, #tpu.memory_space<vmem>>[vector<16xi32>], vector<16xf32>,
        %parallel_loop3A_621 = vector.broadcast %parallel_loop3A_617 : i32 to vector<16xi32>
        %parallel_loop3A_622 = tpu.vector_load_idx %arg6[%broadcast_in_dim3A_366, %add3A_16, %parallel_loop3A_621] : memref<2x64x128xf32, #tpu.memory_space<vmem>>[vector<16xi32>, vector<16xi32>, vector<16xi32>], vector<16xf32>,
        %parallel_loop3A_623 = vector.bitcast %parallel_loop3A_622 : vector<16xf32> to vector<16xi32>
        %parallel_loop3A_624 = arith.constant 32767 : i32
        %parallel_loop3A_625 = vector.broadcast %parallel_loop3A_624 : i32 to vector<16xi32>
        %parallel_loop3A_626 = arith.addi %parallel_loop3A_623, %parallel_loop3A_625 : vector<16xi32>
        %parallel_loop3A_627 = arith.constant 16 : i32
        %parallel_loop3A_628 = vector.broadcast %parallel_loop3A_627 : i32 to vector<16xi32>
        %parallel_loop3A_629 = arith.shrsi %parallel_loop3A_623, %parallel_loop3A_628 : vector<16xi32>
        %parallel_loop3A_630 = arith.constant 1 : i32
        %parallel_loop3A_631 = vector.broadcast %parallel_loop3A_630 : i32 to vector<16xi32>
        %parallel_loop3A_632 = arith.andi %parallel_loop3A_629, %parallel_loop3A_631 : vector<16xi32>
        %parallel_loop3A_633 = arith.addi %parallel_loop3A_626, %parallel_loop3A_632 : vector<16xi32>
        %parallel_loop3A_634 = arith.constant -65536 : i32
        %parallel_loop3A_635 = vector.broadcast %parallel_loop3A_634 : i32 to vector<16xi32>
        %parallel_loop3A_636 = arith.andi %parallel_loop3A_633, %parallel_loop3A_635 : vector<16xi32>
        %parallel_loop3A_637 = vector.bitcast %parallel_loop3A_636 : vector<16xi32> to vector<16xf32>
        %parallel_loop3A_638 = arith.mulf %parallel_loop3A_637, %parallel_loop3A_620 : vector<16xf32>
        %parallel_loop3A_639 = arith.addf %parallel_loop3A_606, %parallel_loop3A_638 : vector<16xf32>
        %parallel_loop3A_640 = tpu.vector_load_idx %arg6[%broadcast_in_dim3A_366, %add3A_19, %parallel_loop3A_621] : memref<2x64x128xf32, #tpu.memory_space<vmem>>[vector<16xi32>, vector<16xi32>, vector<16xi32>], vector<16xf32>,
        %parallel_loop3A_641 = vector.bitcast %parallel_loop3A_640 : vector<16xf32> to vector<16xi32>
        %parallel_loop3A_642 = arith.constant 32767 : i32
        %parallel_loop3A_643 = vector.broadcast %parallel_loop3A_642 : i32 to vector<16xi32>
        %parallel_loop3A_644 = arith.addi %parallel_loop3A_641, %parallel_loop3A_643 : vector<16xi32>
        %parallel_loop3A_645 = arith.constant 16 : i32
        %parallel_loop3A_646 = vector.broadcast %parallel_loop3A_645 : i32 to vector<16xi32>
        %parallel_loop3A_647 = arith.shrsi %parallel_loop3A_641, %parallel_loop3A_646 : vector<16xi32>
        %parallel_loop3A_648 = arith.constant 1 : i32
        %parallel_loop3A_649 = vector.broadcast %parallel_loop3A_648 : i32 to vector<16xi32>
        %parallel_loop3A_650 = arith.andi %parallel_loop3A_647, %parallel_loop3A_649 : vector<16xi32>
        %parallel_loop3A_651 = arith.addi %parallel_loop3A_644, %parallel_loop3A_650 : vector<16xi32>
        %parallel_loop3A_652 = arith.constant -65536 : i32
        %parallel_loop3A_653 = vector.broadcast %parallel_loop3A_652 : i32 to vector<16xi32>
        %parallel_loop3A_654 = arith.andi %parallel_loop3A_651, %parallel_loop3A_653 : vector<16xi32>
        %parallel_loop3A_655 = vector.bitcast %parallel_loop3A_654 : vector<16xi32> to vector<16xf32>
        %parallel_loop3A_656 = arith.mulf %parallel_loop3A_655, %parallel_loop3A_620 : vector<16xf32>
        %parallel_loop3A_657 = arith.addf %parallel_loop3A_607, %parallel_loop3A_656 : vector<16xf32>
        %parallel_loop3A_658 = tpu.vector_load_idx %arg6[%broadcast_in_dim3A_366, %add3A_22, %parallel_loop3A_621] : memref<2x64x128xf32, #tpu.memory_space<vmem>>[vector<16xi32>, vector<16xi32>, vector<16xi32>], vector<16xf32>,
        %parallel_loop3A_659 = vector.bitcast %parallel_loop3A_658 : vector<16xf32> to vector<16xi32>
        %parallel_loop3A_660 = arith.constant 32767 : i32
        %parallel_loop3A_661 = vector.broadcast %parallel_loop3A_660 : i32 to vector<16xi32>
        %parallel_loop3A_662 = arith.addi %parallel_loop3A_659, %parallel_loop3A_661 : vector<16xi32>
        %parallel_loop3A_663 = arith.constant 16 : i32
        %parallel_loop3A_664 = vector.broadcast %parallel_loop3A_663 : i32 to vector<16xi32>
        %parallel_loop3A_665 = arith.shrsi %parallel_loop3A_659, %parallel_loop3A_664 : vector<16xi32>
        %parallel_loop3A_666 = arith.constant 1 : i32
        %parallel_loop3A_667 = vector.broadcast %parallel_loop3A_666 : i32 to vector<16xi32>
        %parallel_loop3A_668 = arith.andi %parallel_loop3A_665, %parallel_loop3A_667 : vector<16xi32>
        %parallel_loop3A_669 = arith.addi %parallel_loop3A_662, %parallel_loop3A_668 : vector<16xi32>
        %parallel_loop3A_670 = arith.constant -65536 : i32
        %parallel_loop3A_671 = vector.broadcast %parallel_loop3A_670 : i32 to vector<16xi32>
        %parallel_loop3A_672 = arith.andi %parallel_loop3A_669, %parallel_loop3A_671 : vector<16xi32>
        %parallel_loop3A_673 = vector.bitcast %parallel_loop3A_672 : vector<16xi32> to vector<16xf32>
        %parallel_loop3A_674 = arith.mulf %parallel_loop3A_673, %parallel_loop3A_620 : vector<16xf32>
        %parallel_loop3A_675 = arith.addf %parallel_loop3A_608, %parallel_loop3A_674 : vector<16xf32>
        %parallel_loop3A_676 = tpu.vector_load_idx %arg6[%broadcast_in_dim3A_366, %add3A_25, %parallel_loop3A_621] : memref<2x64x128xf32, #tpu.memory_space<vmem>>[vector<16xi32>, vector<16xi32>, vector<16xi32>], vector<16xf32>,
        %parallel_loop3A_677 = vector.bitcast %parallel_loop3A_676 : vector<16xf32> to vector<16xi32>
        %parallel_loop3A_678 = arith.constant 32767 : i32
        %parallel_loop3A_679 = vector.broadcast %parallel_loop3A_678 : i32 to vector<16xi32>
        %parallel_loop3A_680 = arith.addi %parallel_loop3A_677, %parallel_loop3A_679 : vector<16xi32>
        %parallel_loop3A_681 = arith.constant 16 : i32
        %parallel_loop3A_682 = vector.broadcast %parallel_loop3A_681 : i32 to vector<16xi32>
        %parallel_loop3A_683 = arith.shrsi %parallel_loop3A_677, %parallel_loop3A_682 : vector<16xi32>
        %parallel_loop3A_684 = arith.constant 1 : i32
        %parallel_loop3A_685 = vector.broadcast %parallel_loop3A_684 : i32 to vector<16xi32>
        %parallel_loop3A_686 = arith.andi %parallel_loop3A_683, %parallel_loop3A_685 : vector<16xi32>
        %parallel_loop3A_687 = arith.addi %parallel_loop3A_680, %parallel_loop3A_686 : vector<16xi32>
        %parallel_loop3A_688 = arith.constant -65536 : i32
        %parallel_loop3A_689 = vector.broadcast %parallel_loop3A_688 : i32 to vector<16xi32>
        %parallel_loop3A_690 = arith.andi %parallel_loop3A_687, %parallel_loop3A_689 : vector<16xi32>
        %parallel_loop3A_691 = vector.bitcast %parallel_loop3A_690 : vector<16xi32> to vector<16xf32>
        %parallel_loop3A_692 = arith.mulf %parallel_loop3A_691, %parallel_loop3A_620 : vector<16xf32>
        %parallel_loop3A_693 = arith.addf %parallel_loop3A_609, %parallel_loop3A_692 : vector<16xf32>
        %parallel_loop3A_694 = arith.constant 1 : i32
        %parallel_loop3A_695 = arith.addi %parallel_loop3A_615, %parallel_loop3A_694 : i32
        %parallel_loop3A_696 = vector.broadcast %parallel_loop3A_695 : i32 to vector<16xi32>
        %parallel_loop3A_697 = arith.addi %broadcast_in_dim3A_364, %parallel_loop3A_696 : vector<16xi32>
        %parallel_loop3A_698 = tpu.vector_load_idx %arg5[%parallel_loop3A_697] : memref<384xf32, #tpu.memory_space<vmem>>[vector<16xi32>], vector<16xf32>,
        %parallel_loop3A_699 = vector.broadcast %parallel_loop3A_695 : i32 to vector<16xi32>
        %parallel_loop3A_700 = tpu.vector_load_idx %arg6[%broadcast_in_dim3A_366, %add3A_16, %parallel_loop3A_699] : memref<2x64x128xf32, #tpu.memory_space<vmem>>[vector<16xi32>, vector<16xi32>, vector<16xi32>], vector<16xf32>,
        %parallel_loop3A_701 = vector.bitcast %parallel_loop3A_700 : vector<16xf32> to vector<16xi32>
        %parallel_loop3A_702 = arith.constant 32767 : i32
        %parallel_loop3A_703 = vector.broadcast %parallel_loop3A_702 : i32 to vector<16xi32>
        %parallel_loop3A_704 = arith.addi %parallel_loop3A_701, %parallel_loop3A_703 : vector<16xi32>
        %parallel_loop3A_705 = arith.constant 16 : i32
        %parallel_loop3A_706 = vector.broadcast %parallel_loop3A_705 : i32 to vector<16xi32>
        %parallel_loop3A_707 = arith.shrsi %parallel_loop3A_701, %parallel_loop3A_706 : vector<16xi32>
        %parallel_loop3A_708 = arith.constant 1 : i32
        %parallel_loop3A_709 = vector.broadcast %parallel_loop3A_708 : i32 to vector<16xi32>
        %parallel_loop3A_710 = arith.andi %parallel_loop3A_707, %parallel_loop3A_709 : vector<16xi32>
        %parallel_loop3A_711 = arith.addi %parallel_loop3A_704, %parallel_loop3A_710 : vector<16xi32>
        %parallel_loop3A_712 = arith.constant -65536 : i32
        %parallel_loop3A_713 = vector.broadcast %parallel_loop3A_712 : i32 to vector<16xi32>
        %parallel_loop3A_714 = arith.andi %parallel_loop3A_711, %parallel_loop3A_713 : vector<16xi32>
        %parallel_loop3A_715 = vector.bitcast %parallel_loop3A_714 : vector<16xi32> to vector<16xf32>
        %parallel_loop3A_716 = arith.mulf %parallel_loop3A_715, %parallel_loop3A_698 : vector<16xf32>
        %parallel_loop3A_717 = arith.addf %parallel_loop3A_610, %parallel_loop3A_716 : vector<16xf32>
        %parallel_loop3A_718 = tpu.vector_load_idx %arg6[%broadcast_in_dim3A_366, %add3A_19, %parallel_loop3A_699] : memref<2x64x128xf32, #tpu.memory_space<vmem>>[vector<16xi32>, vector<16xi32>, vector<16xi32>], vector<16xf32>,
        %parallel_loop3A_719 = vector.bitcast %parallel_loop3A_718 : vector<16xf32> to vector<16xi32>
        %parallel_loop3A_720 = arith.constant 32767 : i32
        %parallel_loop3A_721 = vector.broadcast %parallel_loop3A_720 : i32 to vector<16xi32>
        %parallel_loop3A_722 = arith.addi %parallel_loop3A_719, %parallel_loop3A_721 : vector<16xi32>
        %parallel_loop3A_723 = arith.constant 16 : i32
        %parallel_loop3A_724 = vector.broadcast %parallel_loop3A_723 : i32 to vector<16xi32>
        %parallel_loop3A_725 = arith.shrsi %parallel_loop3A_719, %parallel_loop3A_724 : vector<16xi32>
        %parallel_loop3A_726 = arith.constant 1 : i32
        %parallel_loop3A_727 = vector.broadcast %parallel_loop3A_726 : i32 to vector<16xi32>
        %parallel_loop3A_728 = arith.andi %parallel_loop3A_725, %parallel_loop3A_727 : vector<16xi32>
        %parallel_loop3A_729 = arith.addi %parallel_loop3A_722, %parallel_loop3A_728 : vector<16xi32>
        %parallel_loop3A_730 = arith.constant -65536 : i32
        %parallel_loop3A_731 = vector.broadcast %parallel_loop3A_730 : i32 to vector<16xi32>
        %parallel_loop3A_732 = arith.andi %parallel_loop3A_729, %parallel_loop3A_731 : vector<16xi32>
        %parallel_loop3A_733 = vector.bitcast %parallel_loop3A_732 : vector<16xi32> to vector<16xf32>
        %parallel_loop3A_734 = arith.mulf %parallel_loop3A_733, %parallel_loop3A_698 : vector<16xf32>
        %parallel_loop3A_735 = arith.addf %parallel_loop3A_611, %parallel_loop3A_734 : vector<16xf32>
        %parallel_loop3A_736 = tpu.vector_load_idx %arg6[%broadcast_in_dim3A_366, %add3A_22, %parallel_loop3A_699] : memref<2x64x128xf32, #tpu.memory_space<vmem>>[vector<16xi32>, vector<16xi32>, vector<16xi32>], vector<16xf32>,
        %parallel_loop3A_737 = vector.bitcast %parallel_loop3A_736 : vector<16xf32> to vector<16xi32>
        %parallel_loop3A_738 = arith.constant 32767 : i32
        %parallel_loop3A_739 = vector.broadcast %parallel_loop3A_738 : i32 to vector<16xi32>
        %parallel_loop3A_740 = arith.addi %parallel_loop3A_737, %parallel_loop3A_739 : vector<16xi32>
        %parallel_loop3A_741 = arith.constant 16 : i32
        %parallel_loop3A_742 = vector.broadcast %parallel_loop3A_741 : i32 to vector<16xi32>
        %parallel_loop3A_743 = arith.shrsi %parallel_loop3A_737, %parallel_loop3A_742 : vector<16xi32>
        %parallel_loop3A_744 = arith.constant 1 : i32
        %parallel_loop3A_745 = vector.broadcast %parallel_loop3A_744 : i32 to vector<16xi32>
        %parallel_loop3A_746 = arith.andi %parallel_loop3A_743, %parallel_loop3A_745 : vector<16xi32>
        %parallel_loop3A_747 = arith.addi %parallel_loop3A_740, %parallel_loop3A_746 : vector<16xi32>
        %parallel_loop3A_748 = arith.constant -65536 : i32
        %parallel_loop3A_749 = vector.broadcast %parallel_loop3A_748 : i32 to vector<16xi32>
        %parallel_loop3A_750 = arith.andi %parallel_loop3A_747, %parallel_loop3A_749 : vector<16xi32>
        %parallel_loop3A_751 = vector.bitcast %parallel_loop3A_750 : vector<16xi32> to vector<16xf32>
        %parallel_loop3A_752 = arith.mulf %parallel_loop3A_751, %parallel_loop3A_698 : vector<16xf32>
        %parallel_loop3A_753 = arith.addf %parallel_loop3A_612, %parallel_loop3A_752 : vector<16xf32>
        %parallel_loop3A_754 = tpu.vector_load_idx %arg6[%broadcast_in_dim3A_366, %add3A_25, %parallel_loop3A_699] : memref<2x64x128xf32, #tpu.memory_space<vmem>>[vector<16xi32>, vector<16xi32>, vector<16xi32>], vector<16xf32>,
        %parallel_loop3A_755 = vector.bitcast %parallel_loop3A_754 : vector<16xf32> to vector<16xi32>
        %parallel_loop3A_756 = arith.constant 32767 : i32
        %parallel_loop3A_757 = vector.broadcast %parallel_loop3A_756 : i32 to vector<16xi32>
        %parallel_loop3A_758 = arith.addi %parallel_loop3A_755, %parallel_loop3A_757 : vector<16xi32>
        %parallel_loop3A_759 = arith.constant 16 : i32
        %parallel_loop3A_760 = vector.broadcast %parallel_loop3A_759 : i32 to vector<16xi32>
        %parallel_loop3A_761 = arith.shrsi %parallel_loop3A_755, %parallel_loop3A_760 : vector<16xi32>
        %parallel_loop3A_762 = arith.constant 1 : i32
        %parallel_loop3A_763 = vector.broadcast %parallel_loop3A_762 : i32 to vector<16xi32>
        %parallel_loop3A_764 = arith.andi %parallel_loop3A_761, %parallel_loop3A_763 : vector<16xi32>
        %parallel_loop3A_765 = arith.addi %parallel_loop3A_758, %parallel_loop3A_764 : vector<16xi32>
        %parallel_loop3A_766 = arith.constant -65536 : i32
        %parallel_loop3A_767 = vector.broadcast %parallel_loop3A_766 : i32 to vector<16xi32>
        %parallel_loop3A_768 = arith.andi %parallel_loop3A_765, %parallel_loop3A_767 : vector<16xi32>
        %parallel_loop3A_769 = vector.bitcast %parallel_loop3A_768 : vector<16xi32> to vector<16xf32>
        %parallel_loop3A_770 = arith.mulf %parallel_loop3A_769, %parallel_loop3A_698 : vector<16xf32>
        %parallel_loop3A_771 = arith.addf %parallel_loop3A_613, %parallel_loop3A_770 : vector<16xf32>
        %parallel_loop3A_772 = arith.constant 2 : i32
        %parallel_loop3A_773 = arith.addi %parallel_loop3A_615, %parallel_loop3A_772 : i32
        %parallel_loop3A_774 = vector.broadcast %parallel_loop3A_773 : i32 to vector<16xi32>
        %parallel_loop3A_775 = arith.addi %broadcast_in_dim3A_364, %parallel_loop3A_774 : vector<16xi32>
        %parallel_loop3A_776 = tpu.vector_load_idx %arg5[%parallel_loop3A_775] : memref<384xf32, #tpu.memory_space<vmem>>[vector<16xi32>], vector<16xf32>,
        %parallel_loop3A_777 = vector.broadcast %parallel_loop3A_773 : i32 to vector<16xi32>
        %parallel_loop3A_778 = tpu.vector_load_idx %arg6[%broadcast_in_dim3A_366, %add3A_16, %parallel_loop3A_777] : memref<2x64x128xf32, #tpu.memory_space<vmem>>[vector<16xi32>, vector<16xi32>, vector<16xi32>], vector<16xf32>,
        %parallel_loop3A_779 = vector.bitcast %parallel_loop3A_778 : vector<16xf32> to vector<16xi32>
        %parallel_loop3A_780 = arith.constant 32767 : i32
        %parallel_loop3A_781 = vector.broadcast %parallel_loop3A_780 : i32 to vector<16xi32>
        %parallel_loop3A_782 = arith.addi %parallel_loop3A_779, %parallel_loop3A_781 : vector<16xi32>
        %parallel_loop3A_783 = arith.constant 16 : i32
        %parallel_loop3A_784 = vector.broadcast %parallel_loop3A_783 : i32 to vector<16xi32>
        %parallel_loop3A_785 = arith.shrsi %parallel_loop3A_779, %parallel_loop3A_784 : vector<16xi32>
        %parallel_loop3A_786 = arith.constant 1 : i32
        %parallel_loop3A_787 = vector.broadcast %parallel_loop3A_786 : i32 to vector<16xi32>
        %parallel_loop3A_788 = arith.andi %parallel_loop3A_785, %parallel_loop3A_787 : vector<16xi32>
        %parallel_loop3A_789 = arith.addi %parallel_loop3A_782, %parallel_loop3A_788 : vector<16xi32>
        %parallel_loop3A_790 = arith.constant -65536 : i32
        %parallel_loop3A_791 = vector.broadcast %parallel_loop3A_790 : i32 to vector<16xi32>
        %parallel_loop3A_792 = arith.andi %parallel_loop3A_789, %parallel_loop3A_791 : vector<16xi32>
        %parallel_loop3A_793 = vector.bitcast %parallel_loop3A_792 : vector<16xi32> to vector<16xf32>
        %parallel_loop3A_794 = arith.mulf %parallel_loop3A_793, %parallel_loop3A_776 : vector<16xf32>
        %parallel_loop3A_795 = arith.addf %parallel_loop3A_639, %parallel_loop3A_794 : vector<16xf32>
        %parallel_loop3A_796 = tpu.vector_load_idx %arg6[%broadcast_in_dim3A_366, %add3A_19, %parallel_loop3A_777] : memref<2x64x128xf32, #tpu.memory_space<vmem>>[vector<16xi32>, vector<16xi32>, vector<16xi32>], vector<16xf32>,
        %parallel_loop3A_797 = vector.bitcast %parallel_loop3A_796 : vector<16xf32> to vector<16xi32>
        %parallel_loop3A_798 = arith.constant 32767 : i32
        %parallel_loop3A_799 = vector.broadcast %parallel_loop3A_798 : i32 to vector<16xi32>
        %parallel_loop3A_800 = arith.addi %parallel_loop3A_797, %parallel_loop3A_799 : vector<16xi32>
        %parallel_loop3A_801 = arith.constant 16 : i32
        %parallel_loop3A_802 = vector.broadcast %parallel_loop3A_801 : i32 to vector<16xi32>
        %parallel_loop3A_803 = arith.shrsi %parallel_loop3A_797, %parallel_loop3A_802 : vector<16xi32>
        %parallel_loop3A_804 = arith.constant 1 : i32
        %parallel_loop3A_805 = vector.broadcast %parallel_loop3A_804 : i32 to vector<16xi32>
        %parallel_loop3A_806 = arith.andi %parallel_loop3A_803, %parallel_loop3A_805 : vector<16xi32>
        %parallel_loop3A_807 = arith.addi %parallel_loop3A_800, %parallel_loop3A_806 : vector<16xi32>
        %parallel_loop3A_808 = arith.constant -65536 : i32
        %parallel_loop3A_809 = vector.broadcast %parallel_loop3A_808 : i32 to vector<16xi32>
        %parallel_loop3A_810 = arith.andi %parallel_loop3A_807, %parallel_loop3A_809 : vector<16xi32>
        %parallel_loop3A_811 = vector.bitcast %parallel_loop3A_810 : vector<16xi32> to vector<16xf32>
        %parallel_loop3A_812 = arith.mulf %parallel_loop3A_811, %parallel_loop3A_776 : vector<16xf32>
        %parallel_loop3A_813 = arith.addf %parallel_loop3A_657, %parallel_loop3A_812 : vector<16xf32>
        %parallel_loop3A_814 = tpu.vector_load_idx %arg6[%broadcast_in_dim3A_366, %add3A_22, %parallel_loop3A_777] : memref<2x64x128xf32, #tpu.memory_space<vmem>>[vector<16xi32>, vector<16xi32>, vector<16xi32>], vector<16xf32>,
        %parallel_loop3A_815 = vector.bitcast %parallel_loop3A_814 : vector<16xf32> to vector<16xi32>
        %parallel_loop3A_816 = arith.constant 32767 : i32
        %parallel_loop3A_817 = vector.broadcast %parallel_loop3A_816 : i32 to vector<16xi32>
        %parallel_loop3A_818 = arith.addi %parallel_loop3A_815, %parallel_loop3A_817 : vector<16xi32>
        %parallel_loop3A_819 = arith.constant 16 : i32
        %parallel_loop3A_820 = vector.broadcast %parallel_loop3A_819 : i32 to vector<16xi32>
        %parallel_loop3A_821 = arith.shrsi %parallel_loop3A_815, %parallel_loop3A_820 : vector<16xi32>
        %parallel_loop3A_822 = arith.constant 1 : i32
        %parallel_loop3A_823 = vector.broadcast %parallel_loop3A_822 : i32 to vector<16xi32>
        %parallel_loop3A_824 = arith.andi %parallel_loop3A_821, %parallel_loop3A_823 : vector<16xi32>
        %parallel_loop3A_825 = arith.addi %parallel_loop3A_818, %parallel_loop3A_824 : vector<16xi32>
        %parallel_loop3A_826 = arith.constant -65536 : i32
        %parallel_loop3A_827 = vector.broadcast %parallel_loop3A_826 : i32 to vector<16xi32>
        %parallel_loop3A_828 = arith.andi %parallel_loop3A_825, %parallel_loop3A_827 : vector<16xi32>
        %parallel_loop3A_829 = vector.bitcast %parallel_loop3A_828 : vector<16xi32> to vector<16xf32>
        %parallel_loop3A_830 = arith.mulf %parallel_loop3A_829, %parallel_loop3A_776 : vector<16xf32>
        %parallel_loop3A_831 = arith.addf %parallel_loop3A_675, %parallel_loop3A_830 : vector<16xf32>
        %parallel_loop3A_832 = tpu.vector_load_idx %arg6[%broadcast_in_dim3A_366, %add3A_25, %parallel_loop3A_777] : memref<2x64x128xf32, #tpu.memory_space<vmem>>[vector<16xi32>, vector<16xi32>, vector<16xi32>], vector<16xf32>,
        %parallel_loop3A_833 = vector.bitcast %parallel_loop3A_832 : vector<16xf32> to vector<16xi32>
        %parallel_loop3A_834 = arith.constant 32767 : i32
        %parallel_loop3A_835 = vector.broadcast %parallel_loop3A_834 : i32 to vector<16xi32>
        %parallel_loop3A_836 = arith.addi %parallel_loop3A_833, %parallel_loop3A_835 : vector<16xi32>
        %parallel_loop3A_837 = arith.constant 16 : i32
        %parallel_loop3A_838 = vector.broadcast %parallel_loop3A_837 : i32 to vector<16xi32>
        %parallel_loop3A_839 = arith.shrsi %parallel_loop3A_833, %parallel_loop3A_838 : vector<16xi32>
        %parallel_loop3A_840 = arith.constant 1 : i32
        %parallel_loop3A_841 = vector.broadcast %parallel_loop3A_840 : i32 to vector<16xi32>
        %parallel_loop3A_842 = arith.andi %parallel_loop3A_839, %parallel_loop3A_841 : vector<16xi32>
        %parallel_loop3A_843 = arith.addi %parallel_loop3A_836, %parallel_loop3A_842 : vector<16xi32>
        %parallel_loop3A_844 = arith.constant -65536 : i32
        %parallel_loop3A_845 = vector.broadcast %parallel_loop3A_844 : i32 to vector<16xi32>
        %parallel_loop3A_846 = arith.andi %parallel_loop3A_843, %parallel_loop3A_845 : vector<16xi32>
        %parallel_loop3A_847 = vector.bitcast %parallel_loop3A_846 : vector<16xi32> to vector<16xf32>
        %parallel_loop3A_848 = arith.mulf %parallel_loop3A_847, %parallel_loop3A_776 : vector<16xf32>
        %parallel_loop3A_849 = arith.addf %parallel_loop3A_693, %parallel_loop3A_848 : vector<16xf32>
        %parallel_loop3A_850 = arith.constant 3 : i32
        %parallel_loop3A_851 = arith.addi %parallel_loop3A_615, %parallel_loop3A_850 : i32
        %parallel_loop3A_852 = vector.broadcast %parallel_loop3A_851 : i32 to vector<16xi32>
        %parallel_loop3A_853 = arith.addi %broadcast_in_dim3A_364, %parallel_loop3A_852 : vector<16xi32>
        %parallel_loop3A_854 = tpu.vector_load_idx %arg5[%parallel_loop3A_853] : memref<384xf32, #tpu.memory_space<vmem>>[vector<16xi32>], vector<16xf32>,
        %parallel_loop3A_855 = vector.broadcast %parallel_loop3A_851 : i32 to vector<16xi32>
        %parallel_loop3A_856 = tpu.vector_load_idx %arg6[%broadcast_in_dim3A_366, %add3A_16, %parallel_loop3A_855] : memref<2x64x128xf32, #tpu.memory_space<vmem>>[vector<16xi32>, vector<16xi32>, vector<16xi32>], vector<16xf32>,
        %parallel_loop3A_857 = vector.bitcast %parallel_loop3A_856 : vector<16xf32> to vector<16xi32>
        %parallel_loop3A_858 = arith.constant 32767 : i32
        %parallel_loop3A_859 = vector.broadcast %parallel_loop3A_858 : i32 to vector<16xi32>
        %parallel_loop3A_860 = arith.addi %parallel_loop3A_857, %parallel_loop3A_859 : vector<16xi32>
        %parallel_loop3A_861 = arith.constant 16 : i32
        %parallel_loop3A_862 = vector.broadcast %parallel_loop3A_861 : i32 to vector<16xi32>
        %parallel_loop3A_863 = arith.shrsi %parallel_loop3A_857, %parallel_loop3A_862 : vector<16xi32>
        %parallel_loop3A_864 = arith.constant 1 : i32
        %parallel_loop3A_865 = vector.broadcast %parallel_loop3A_864 : i32 to vector<16xi32>
        %parallel_loop3A_866 = arith.andi %parallel_loop3A_863, %parallel_loop3A_865 : vector<16xi32>
        %parallel_loop3A_867 = arith.addi %parallel_loop3A_860, %parallel_loop3A_866 : vector<16xi32>
        %parallel_loop3A_868 = arith.constant -65536 : i32
        %parallel_loop3A_869 = vector.broadcast %parallel_loop3A_868 : i32 to vector<16xi32>
        %parallel_loop3A_870 = arith.andi %parallel_loop3A_867, %parallel_loop3A_869 : vector<16xi32>
        %parallel_loop3A_871 = vector.bitcast %parallel_loop3A_870 : vector<16xi32> to vector<16xf32>
        %parallel_loop3A_872 = arith.mulf %parallel_loop3A_871, %parallel_loop3A_854 : vector<16xf32>
        %parallel_loop3A_873 = arith.addf %parallel_loop3A_717, %parallel_loop3A_872 : vector<16xf32>
        %parallel_loop3A_874 = tpu.vector_load_idx %arg6[%broadcast_in_dim3A_366, %add3A_19, %parallel_loop3A_855] : memref<2x64x128xf32, #tpu.memory_space<vmem>>[vector<16xi32>, vector<16xi32>, vector<16xi32>], vector<16xf32>,
        %parallel_loop3A_875 = vector.bitcast %parallel_loop3A_874 : vector<16xf32> to vector<16xi32>
        %parallel_loop3A_876 = arith.constant 32767 : i32
        %parallel_loop3A_877 = vector.broadcast %parallel_loop3A_876 : i32 to vector<16xi32>
        %parallel_loop3A_878 = arith.addi %parallel_loop3A_875, %parallel_loop3A_877 : vector<16xi32>
        %parallel_loop3A_879 = arith.constant 16 : i32
        %parallel_loop3A_880 = vector.broadcast %parallel_loop3A_879 : i32 to vector<16xi32>
        %parallel_loop3A_881 = arith.shrsi %parallel_loop3A_875, %parallel_loop3A_880 : vector<16xi32>
        %parallel_loop3A_882 = arith.constant 1 : i32
        %parallel_loop3A_883 = vector.broadcast %parallel_loop3A_882 : i32 to vector<16xi32>
        %parallel_loop3A_884 = arith.andi %parallel_loop3A_881, %parallel_loop3A_883 : vector<16xi32>
        %parallel_loop3A_885 = arith.addi %parallel_loop3A_878, %parallel_loop3A_884 : vector<16xi32>
        %parallel_loop3A_886 = arith.constant -65536 : i32
        %parallel_loop3A_887 = vector.broadcast %parallel_loop3A_886 : i32 to vector<16xi32>
        %parallel_loop3A_888 = arith.andi %parallel_loop3A_885, %parallel_loop3A_887 : vector<16xi32>
        %parallel_loop3A_889 = vector.bitcast %parallel_loop3A_888 : vector<16xi32> to vector<16xf32>
        %parallel_loop3A_890 = arith.mulf %parallel_loop3A_889, %parallel_loop3A_854 : vector<16xf32>
        %parallel_loop3A_891 = arith.addf %parallel_loop3A_735, %parallel_loop3A_890 : vector<16xf32>
        %parallel_loop3A_892 = tpu.vector_load_idx %arg6[%broadcast_in_dim3A_366, %add3A_22, %parallel_loop3A_855] : memref<2x64x128xf32, #tpu.memory_space<vmem>>[vector<16xi32>, vector<16xi32>, vector<16xi32>], vector<16xf32>,
        %parallel_loop3A_893 = vector.bitcast %parallel_loop3A_892 : vector<16xf32> to vector<16xi32>
        %parallel_loop3A_894 = arith.constant 32767 : i32
        %parallel_loop3A_895 = vector.broadcast %parallel_loop3A_894 : i32 to vector<16xi32>
        %parallel_loop3A_896 = arith.addi %parallel_loop3A_893, %parallel_loop3A_895 : vector<16xi32>
        %parallel_loop3A_897 = arith.constant 16 : i32
        %parallel_loop3A_898 = vector.broadcast %parallel_loop3A_897 : i32 to vector<16xi32>
        %parallel_loop3A_899 = arith.shrsi %parallel_loop3A_893, %parallel_loop3A_898 : vector<16xi32>
        %parallel_loop3A_900 = arith.constant 1 : i32
        %parallel_loop3A_901 = vector.broadcast %parallel_loop3A_900 : i32 to vector<16xi32>
        %parallel_loop3A_902 = arith.andi %parallel_loop3A_899, %parallel_loop3A_901 : vector<16xi32>
        %parallel_loop3A_903 = arith.addi %parallel_loop3A_896, %parallel_loop3A_902 : vector<16xi32>
        %parallel_loop3A_904 = arith.constant -65536 : i32
        %parallel_loop3A_905 = vector.broadcast %parallel_loop3A_904 : i32 to vector<16xi32>
        %parallel_loop3A_906 = arith.andi %parallel_loop3A_903, %parallel_loop3A_905 : vector<16xi32>
        %parallel_loop3A_907 = vector.bitcast %parallel_loop3A_906 : vector<16xi32> to vector<16xf32>
        %parallel_loop3A_908 = arith.mulf %parallel_loop3A_907, %parallel_loop3A_854 : vector<16xf32>
        %parallel_loop3A_909 = arith.addf %parallel_loop3A_753, %parallel_loop3A_908 : vector<16xf32>
        %parallel_loop3A_910 = tpu.vector_load_idx %arg6[%broadcast_in_dim3A_366, %add3A_25, %parallel_loop3A_855] : memref<2x64x128xf32, #tpu.memory_space<vmem>>[vector<16xi32>, vector<16xi32>, vector<16xi32>], vector<16xf32>,
        %parallel_loop3A_911 = vector.bitcast %parallel_loop3A_910 : vector<16xf32> to vector<16xi32>
        %parallel_loop3A_912 = arith.constant 32767 : i32
        %parallel_loop3A_913 = vector.broadcast %parallel_loop3A_912 : i32 to vector<16xi32>
        %parallel_loop3A_914 = arith.addi %parallel_loop3A_911, %parallel_loop3A_913 : vector<16xi32>
        %parallel_loop3A_915 = arith.constant 16 : i32
        %parallel_loop3A_916 = vector.broadcast %parallel_loop3A_915 : i32 to vector<16xi32>
        %parallel_loop3A_917 = arith.shrsi %parallel_loop3A_911, %parallel_loop3A_916 : vector<16xi32>
        %parallel_loop3A_918 = arith.constant 1 : i32
        %parallel_loop3A_919 = vector.broadcast %parallel_loop3A_918 : i32 to vector<16xi32>
        %parallel_loop3A_920 = arith.andi %parallel_loop3A_917, %parallel_loop3A_919 : vector<16xi32>
        %parallel_loop3A_921 = arith.addi %parallel_loop3A_914, %parallel_loop3A_920 : vector<16xi32>
        %parallel_loop3A_922 = arith.constant -65536 : i32
        %parallel_loop3A_923 = vector.broadcast %parallel_loop3A_922 : i32 to vector<16xi32>
        %parallel_loop3A_924 = arith.andi %parallel_loop3A_921, %parallel_loop3A_923 : vector<16xi32>
        %parallel_loop3A_925 = vector.bitcast %parallel_loop3A_924 : vector<16xi32> to vector<16xf32>
        %parallel_loop3A_926 = arith.mulf %parallel_loop3A_925, %parallel_loop3A_854 : vector<16xf32>
        %parallel_loop3A_927 = arith.addf %parallel_loop3A_771, %parallel_loop3A_926 : vector<16xf32>
        %parallel_loop3A_928 = arith.constant 4 : i32
        %parallel_loop3A_929 = arith.addi %parallel_loop3A_615, %parallel_loop3A_928 : i32
        %parallel_loop3A_930 = vector.broadcast %parallel_loop3A_929 : i32 to vector<16xi32>
        %parallel_loop3A_931 = arith.addi %broadcast_in_dim3A_364, %parallel_loop3A_930 : vector<16xi32>
        %parallel_loop3A_932 = tpu.vector_load_idx %arg5[%parallel_loop3A_931] : memref<384xf32, #tpu.memory_space<vmem>>[vector<16xi32>], vector<16xf32>,
        %parallel_loop3A_933 = vector.broadcast %parallel_loop3A_929 : i32 to vector<16xi32>
        %parallel_loop3A_934 = tpu.vector_load_idx %arg6[%broadcast_in_dim3A_366, %add3A_16, %parallel_loop3A_933] : memref<2x64x128xf32, #tpu.memory_space<vmem>>[vector<16xi32>, vector<16xi32>, vector<16xi32>], vector<16xf32>,
        %parallel_loop3A_935 = vector.bitcast %parallel_loop3A_934 : vector<16xf32> to vector<16xi32>
        %parallel_loop3A_936 = arith.constant 32767 : i32
        %parallel_loop3A_937 = vector.broadcast %parallel_loop3A_936 : i32 to vector<16xi32>
        %parallel_loop3A_938 = arith.addi %parallel_loop3A_935, %parallel_loop3A_937 : vector<16xi32>
        %parallel_loop3A_939 = arith.constant 16 : i32
        %parallel_loop3A_940 = vector.broadcast %parallel_loop3A_939 : i32 to vector<16xi32>
        %parallel_loop3A_941 = arith.shrsi %parallel_loop3A_935, %parallel_loop3A_940 : vector<16xi32>
        %parallel_loop3A_942 = arith.constant 1 : i32
        %parallel_loop3A_943 = vector.broadcast %parallel_loop3A_942 : i32 to vector<16xi32>
        %parallel_loop3A_944 = arith.andi %parallel_loop3A_941, %parallel_loop3A_943 : vector<16xi32>
        %parallel_loop3A_945 = arith.addi %parallel_loop3A_938, %parallel_loop3A_944 : vector<16xi32>
        %parallel_loop3A_946 = arith.constant -65536 : i32
        %parallel_loop3A_947 = vector.broadcast %parallel_loop3A_946 : i32 to vector<16xi32>
        %parallel_loop3A_948 = arith.andi %parallel_loop3A_945, %parallel_loop3A_947 : vector<16xi32>
        %parallel_loop3A_949 = vector.bitcast %parallel_loop3A_948 : vector<16xi32> to vector<16xf32>
        %parallel_loop3A_950 = arith.mulf %parallel_loop3A_949, %parallel_loop3A_932 : vector<16xf32>
        %parallel_loop3A_951 = arith.addf %parallel_loop3A_795, %parallel_loop3A_950 : vector<16xf32>
        %parallel_loop3A_952 = tpu.vector_load_idx %arg6[%broadcast_in_dim3A_366, %add3A_19, %parallel_loop3A_933] : memref<2x64x128xf32, #tpu.memory_space<vmem>>[vector<16xi32>, vector<16xi32>, vector<16xi32>], vector<16xf32>,
        %parallel_loop3A_953 = vector.bitcast %parallel_loop3A_952 : vector<16xf32> to vector<16xi32>
        %parallel_loop3A_954 = arith.constant 32767 : i32
        %parallel_loop3A_955 = vector.broadcast %parallel_loop3A_954 : i32 to vector<16xi32>
        %parallel_loop3A_956 = arith.addi %parallel_loop3A_953, %parallel_loop3A_955 : vector<16xi32>
        %parallel_loop3A_957 = arith.constant 16 : i32
        %parallel_loop3A_958 = vector.broadcast %parallel_loop3A_957 : i32 to vector<16xi32>
        %parallel_loop3A_959 = arith.shrsi %parallel_loop3A_953, %parallel_loop3A_958 : vector<16xi32>
        %parallel_loop3A_960 = arith.constant 1 : i32
        %parallel_loop3A_961 = vector.broadcast %parallel_loop3A_960 : i32 to vector<16xi32>
        %parallel_loop3A_962 = arith.andi %parallel_loop3A_959, %parallel_loop3A_961 : vector<16xi32>
        %parallel_loop3A_963 = arith.addi %parallel_loop3A_956, %parallel_loop3A_962 : vector<16xi32>
        %parallel_loop3A_964 = arith.constant -65536 : i32
        %parallel_loop3A_965 = vector.broadcast %parallel_loop3A_964 : i32 to vector<16xi32>
        %parallel_loop3A_966 = arith.andi %parallel_loop3A_963, %parallel_loop3A_965 : vector<16xi32>
        %parallel_loop3A_967 = vector.bitcast %parallel_loop3A_966 : vector<16xi32> to vector<16xf32>
        %parallel_loop3A_968 = arith.mulf %parallel_loop3A_967, %parallel_loop3A_932 : vector<16xf32>
        %parallel_loop3A_969 = arith.addf %parallel_loop3A_813, %parallel_loop3A_968 : vector<16xf32>
        %parallel_loop3A_970 = tpu.vector_load_idx %arg6[%broadcast_in_dim3A_366, %add3A_22, %parallel_loop3A_933] : memref<2x64x128xf32, #tpu.memory_space<vmem>>[vector<16xi32>, vector<16xi32>, vector<16xi32>], vector<16xf32>,
        %parallel_loop3A_971 = vector.bitcast %parallel_loop3A_970 : vector<16xf32> to vector<16xi32>
        %parallel_loop3A_972 = arith.constant 32767 : i32
        %parallel_loop3A_973 = vector.broadcast %parallel_loop3A_972 : i32 to vector<16xi32>
        %parallel_loop3A_974 = arith.addi %parallel_loop3A_971, %parallel_loop3A_973 : vector<16xi32>
        %parallel_loop3A_975 = arith.constant 16 : i32
        %parallel_loop3A_976 = vector.broadcast %parallel_loop3A_975 : i32 to vector<16xi32>
        %parallel_loop3A_977 = arith.shrsi %parallel_loop3A_971, %parallel_loop3A_976 : vector<16xi32>
        %parallel_loop3A_978 = arith.constant 1 : i32
        %parallel_loop3A_979 = vector.broadcast %parallel_loop3A_978 : i32 to vector<16xi32>
        %parallel_loop3A_980 = arith.andi %parallel_loop3A_977, %parallel_loop3A_979 : vector<16xi32>
        %parallel_loop3A_981 = arith.addi %parallel_loop3A_974, %parallel_loop3A_980 : vector<16xi32>
        %parallel_loop3A_982 = arith.constant -65536 : i32
        %parallel_loop3A_983 = vector.broadcast %parallel_loop3A_982 : i32 to vector<16xi32>
        %parallel_loop3A_984 = arith.andi %parallel_loop3A_981, %parallel_loop3A_983 : vector<16xi32>
        %parallel_loop3A_985 = vector.bitcast %parallel_loop3A_984 : vector<16xi32> to vector<16xf32>
        %parallel_loop3A_986 = arith.mulf %parallel_loop3A_985, %parallel_loop3A_932 : vector<16xf32>
        %parallel_loop3A_987 = arith.addf %parallel_loop3A_831, %parallel_loop3A_986 : vector<16xf32>
        %parallel_loop3A_988 = tpu.vector_load_idx %arg6[%broadcast_in_dim3A_366, %add3A_25, %parallel_loop3A_933] : memref<2x64x128xf32, #tpu.memory_space<vmem>>[vector<16xi32>, vector<16xi32>, vector<16xi32>], vector<16xf32>,
        %parallel_loop3A_989 = vector.bitcast %parallel_loop3A_988 : vector<16xf32> to vector<16xi32>
        %parallel_loop3A_990 = arith.constant 32767 : i32
        %parallel_loop3A_991 = vector.broadcast %parallel_loop3A_990 : i32 to vector<16xi32>
        %parallel_loop3A_992 = arith.addi %parallel_loop3A_989, %parallel_loop3A_991 : vector<16xi32>
        %parallel_loop3A_993 = arith.constant 16 : i32
        %parallel_loop3A_994 = vector.broadcast %parallel_loop3A_993 : i32 to vector<16xi32>
        %parallel_loop3A_995 = arith.shrsi %parallel_loop3A_989, %parallel_loop3A_994 : vector<16xi32>
        %parallel_loop3A_996 = arith.constant 1 : i32
        %parallel_loop3A_997 = vector.broadcast %parallel_loop3A_996 : i32 to vector<16xi32>
        %parallel_loop3A_998 = arith.andi %parallel_loop3A_995, %parallel_loop3A_997 : vector<16xi32>
        %parallel_loop3A_999 = arith.addi %parallel_loop3A_992, %parallel_loop3A_998 : vector<16xi32>
        %parallel_loop3A_1000 = arith.constant -65536 : i32
        %parallel_loop3A_1001 = vector.broadcast %parallel_loop3A_1000 : i32 to vector<16xi32>
        %parallel_loop3A_1002 = arith.andi %parallel_loop3A_999, %parallel_loop3A_1001 : vector<16xi32>
        %parallel_loop3A_1003 = vector.bitcast %parallel_loop3A_1002 : vector<16xi32> to vector<16xf32>
        %parallel_loop3A_1004 = arith.mulf %parallel_loop3A_1003, %parallel_loop3A_932 : vector<16xf32>
        %parallel_loop3A_1005 = arith.addf %parallel_loop3A_849, %parallel_loop3A_1004 : vector<16xf32>
        %parallel_loop3A_1006 = arith.constant 5 : i32
        %parallel_loop3A_1007 = arith.addi %parallel_loop3A_615, %parallel_loop3A_1006 : i32
        %parallel_loop3A_1008 = vector.broadcast %parallel_loop3A_1007 : i32 to vector<16xi32>
        %parallel_loop3A_1009 = arith.addi %broadcast_in_dim3A_364, %parallel_loop3A_1008 : vector<16xi32>
        %parallel_loop3A_1010 = tpu.vector_load_idx %arg5[%parallel_loop3A_1009] : memref<384xf32, #tpu.memory_space<vmem>>[vector<16xi32>], vector<16xf32>,
        %parallel_loop3A_1011 = vector.broadcast %parallel_loop3A_1007 : i32 to vector<16xi32>
        %parallel_loop3A_1012 = tpu.vector_load_idx %arg6[%broadcast_in_dim3A_366, %add3A_16, %parallel_loop3A_1011] : memref<2x64x128xf32, #tpu.memory_space<vmem>>[vector<16xi32>, vector<16xi32>, vector<16xi32>], vector<16xf32>,
        %parallel_loop3A_1013 = vector.bitcast %parallel_loop3A_1012 : vector<16xf32> to vector<16xi32>
        %parallel_loop3A_1014 = arith.constant 32767 : i32
        %parallel_loop3A_1015 = vector.broadcast %parallel_loop3A_1014 : i32 to vector<16xi32>
        %parallel_loop3A_1016 = arith.addi %parallel_loop3A_1013, %parallel_loop3A_1015 : vector<16xi32>
        %parallel_loop3A_1017 = arith.constant 16 : i32
        %parallel_loop3A_1018 = vector.broadcast %parallel_loop3A_1017 : i32 to vector<16xi32>
        %parallel_loop3A_1019 = arith.shrsi %parallel_loop3A_1013, %parallel_loop3A_1018 : vector<16xi32>
        %parallel_loop3A_1020 = arith.constant 1 : i32
        %parallel_loop3A_1021 = vector.broadcast %parallel_loop3A_1020 : i32 to vector<16xi32>
        %parallel_loop3A_1022 = arith.andi %parallel_loop3A_1019, %parallel_loop3A_1021 : vector<16xi32>
        %parallel_loop3A_1023 = arith.addi %parallel_loop3A_1016, %parallel_loop3A_1022 : vector<16xi32>
        %parallel_loop3A_1024 = arith.constant -65536 : i32
        %parallel_loop3A_1025 = vector.broadcast %parallel_loop3A_1024 : i32 to vector<16xi32>
        %parallel_loop3A_1026 = arith.andi %parallel_loop3A_1023, %parallel_loop3A_1025 : vector<16xi32>
        %parallel_loop3A_1027 = vector.bitcast %parallel_loop3A_1026 : vector<16xi32> to vector<16xf32>
        %parallel_loop3A_1028 = arith.mulf %parallel_loop3A_1027, %parallel_loop3A_1010 : vector<16xf32>
        %parallel_loop3A_1029 = arith.addf %parallel_loop3A_873, %parallel_loop3A_1028 : vector<16xf32>
        %parallel_loop3A_1030 = tpu.vector_load_idx %arg6[%broadcast_in_dim3A_366, %add3A_19, %parallel_loop3A_1011] : memref<2x64x128xf32, #tpu.memory_space<vmem>>[vector<16xi32>, vector<16xi32>, vector<16xi32>], vector<16xf32>,
        %parallel_loop3A_1031 = vector.bitcast %parallel_loop3A_1030 : vector<16xf32> to vector<16xi32>
        %parallel_loop3A_1032 = arith.constant 32767 : i32
        %parallel_loop3A_1033 = vector.broadcast %parallel_loop3A_1032 : i32 to vector<16xi32>
        %parallel_loop3A_1034 = arith.addi %parallel_loop3A_1031, %parallel_loop3A_1033 : vector<16xi32>
        %parallel_loop3A_1035 = arith.constant 16 : i32
        %parallel_loop3A_1036 = vector.broadcast %parallel_loop3A_1035 : i32 to vector<16xi32>
        %parallel_loop3A_1037 = arith.shrsi %parallel_loop3A_1031, %parallel_loop3A_1036 : vector<16xi32>
        %parallel_loop3A_1038 = arith.constant 1 : i32
        %parallel_loop3A_1039 = vector.broadcast %parallel_loop3A_1038 : i32 to vector<16xi32>
        %parallel_loop3A_1040 = arith.andi %parallel_loop3A_1037, %parallel_loop3A_1039 : vector<16xi32>
        %parallel_loop3A_1041 = arith.addi %parallel_loop3A_1034, %parallel_loop3A_1040 : vector<16xi32>
        %parallel_loop3A_1042 = arith.constant -65536 : i32
        %parallel_loop3A_1043 = vector.broadcast %parallel_loop3A_1042 : i32 to vector<16xi32>
        %parallel_loop3A_1044 = arith.andi %parallel_loop3A_1041, %parallel_loop3A_1043 : vector<16xi32>
        %parallel_loop3A_1045 = vector.bitcast %parallel_loop3A_1044 : vector<16xi32> to vector<16xf32>
        %parallel_loop3A_1046 = arith.mulf %parallel_loop3A_1045, %parallel_loop3A_1010 : vector<16xf32>
        %parallel_loop3A_1047 = arith.addf %parallel_loop3A_891, %parallel_loop3A_1046 : vector<16xf32>
        %parallel_loop3A_1048 = tpu.vector_load_idx %arg6[%broadcast_in_dim3A_366, %add3A_22, %parallel_loop3A_1011] : memref<2x64x128xf32, #tpu.memory_space<vmem>>[vector<16xi32>, vector<16xi32>, vector<16xi32>], vector<16xf32>,
        %parallel_loop3A_1049 = vector.bitcast %parallel_loop3A_1048 : vector<16xf32> to vector<16xi32>
        %parallel_loop3A_1050 = arith.constant 32767 : i32
        %parallel_loop3A_1051 = vector.broadcast %parallel_loop3A_1050 : i32 to vector<16xi32>
        %parallel_loop3A_1052 = arith.addi %parallel_loop3A_1049, %parallel_loop3A_1051 : vector<16xi32>
        %parallel_loop3A_1053 = arith.constant 16 : i32
        %parallel_loop3A_1054 = vector.broadcast %parallel_loop3A_1053 : i32 to vector<16xi32>
        %parallel_loop3A_1055 = arith.shrsi %parallel_loop3A_1049, %parallel_loop3A_1054 : vector<16xi32>
        %parallel_loop3A_1056 = arith.constant 1 : i32
        %parallel_loop3A_1057 = vector.broadcast %parallel_loop3A_1056 : i32 to vector<16xi32>
        %parallel_loop3A_1058 = arith.andi %parallel_loop3A_1055, %parallel_loop3A_1057 : vector<16xi32>
        %parallel_loop3A_1059 = arith.addi %parallel_loop3A_1052, %parallel_loop3A_1058 : vector<16xi32>
        %parallel_loop3A_1060 = arith.constant -65536 : i32
        %parallel_loop3A_1061 = vector.broadcast %parallel_loop3A_1060 : i32 to vector<16xi32>
        %parallel_loop3A_1062 = arith.andi %parallel_loop3A_1059, %parallel_loop3A_1061 : vector<16xi32>
        %parallel_loop3A_1063 = vector.bitcast %parallel_loop3A_1062 : vector<16xi32> to vector<16xf32>
        %parallel_loop3A_1064 = arith.mulf %parallel_loop3A_1063, %parallel_loop3A_1010 : vector<16xf32>
        %parallel_loop3A_1065 = arith.addf %parallel_loop3A_909, %parallel_loop3A_1064 : vector<16xf32>
        %parallel_loop3A_1066 = tpu.vector_load_idx %arg6[%broadcast_in_dim3A_366, %add3A_25, %parallel_loop3A_1011] : memref<2x64x128xf32, #tpu.memory_space<vmem>>[vector<16xi32>, vector<16xi32>, vector<16xi32>], vector<16xf32>,
        %parallel_loop3A_1067 = vector.bitcast %parallel_loop3A_1066 : vector<16xf32> to vector<16xi32>
        %parallel_loop3A_1068 = arith.constant 32767 : i32
        %parallel_loop3A_1069 = vector.broadcast %parallel_loop3A_1068 : i32 to vector<16xi32>
        %parallel_loop3A_1070 = arith.addi %parallel_loop3A_1067, %parallel_loop3A_1069 : vector<16xi32>
        %parallel_loop3A_1071 = arith.constant 16 : i32
        %parallel_loop3A_1072 = vector.broadcast %parallel_loop3A_1071 : i32 to vector<16xi32>
        %parallel_loop3A_1073 = arith.shrsi %parallel_loop3A_1067, %parallel_loop3A_1072 : vector<16xi32>
        %parallel_loop3A_1074 = arith.constant 1 : i32
        %parallel_loop3A_1075 = vector.broadcast %parallel_loop3A_1074 : i32 to vector<16xi32>
        %parallel_loop3A_1076 = arith.andi %parallel_loop3A_1073, %parallel_loop3A_1075 : vector<16xi32>
        %parallel_loop3A_1077 = arith.addi %parallel_loop3A_1070, %parallel_loop3A_1076 : vector<16xi32>
        %parallel_loop3A_1078 = arith.constant -65536 : i32
        %parallel_loop3A_1079 = vector.broadcast %parallel_loop3A_1078 : i32 to vector<16xi32>
        %parallel_loop3A_1080 = arith.andi %parallel_loop3A_1077, %parallel_loop3A_1079 : vector<16xi32>
        %parallel_loop3A_1081 = vector.bitcast %parallel_loop3A_1080 : vector<16xi32> to vector<16xf32>
        %parallel_loop3A_1082 = arith.mulf %parallel_loop3A_1081, %parallel_loop3A_1010 : vector<16xf32>
        %parallel_loop3A_1083 = arith.addf %parallel_loop3A_927, %parallel_loop3A_1082 : vector<16xf32>
        %parallel_loop3A_1084 = arith.constant 6 : i32
        %parallel_loop3A_1085 = arith.addi %parallel_loop3A_615, %parallel_loop3A_1084 : i32
        %parallel_loop3A_1086 = vector.broadcast %parallel_loop3A_1085 : i32 to vector<16xi32>
        %parallel_loop3A_1087 = arith.addi %broadcast_in_dim3A_364, %parallel_loop3A_1086 : vector<16xi32>
        %parallel_loop3A_1088 = tpu.vector_load_idx %arg5[%parallel_loop3A_1087] : memref<384xf32, #tpu.memory_space<vmem>>[vector<16xi32>], vector<16xf32>,
        %parallel_loop3A_1089 = vector.broadcast %parallel_loop3A_1085 : i32 to vector<16xi32>
        %parallel_loop3A_1090 = tpu.vector_load_idx %arg6[%broadcast_in_dim3A_366, %add3A_16, %parallel_loop3A_1089] : memref<2x64x128xf32, #tpu.memory_space<vmem>>[vector<16xi32>, vector<16xi32>, vector<16xi32>], vector<16xf32>,
        %parallel_loop3A_1091 = vector.bitcast %parallel_loop3A_1090 : vector<16xf32> to vector<16xi32>
        %parallel_loop3A_1092 = arith.constant 32767 : i32
        %parallel_loop3A_1093 = vector.broadcast %parallel_loop3A_1092 : i32 to vector<16xi32>
        %parallel_loop3A_1094 = arith.addi %parallel_loop3A_1091, %parallel_loop3A_1093 : vector<16xi32>
        %parallel_loop3A_1095 = arith.constant 16 : i32
        %parallel_loop3A_1096 = vector.broadcast %parallel_loop3A_1095 : i32 to vector<16xi32>
        %parallel_loop3A_1097 = arith.shrsi %parallel_loop3A_1091, %parallel_loop3A_1096 : vector<16xi32>
        %parallel_loop3A_1098 = arith.constant 1 : i32
        %parallel_loop3A_1099 = vector.broadcast %parallel_loop3A_1098 : i32 to vector<16xi32>
        %parallel_loop3A_1100 = arith.andi %parallel_loop3A_1097, %parallel_loop3A_1099 : vector<16xi32>
        %parallel_loop3A_1101 = arith.addi %parallel_loop3A_1094, %parallel_loop3A_1100 : vector<16xi32>
        %parallel_loop3A_1102 = arith.constant -65536 : i32
        %parallel_loop3A_1103 = vector.broadcast %parallel_loop3A_1102 : i32 to vector<16xi32>
        %parallel_loop3A_1104 = arith.andi %parallel_loop3A_1101, %parallel_loop3A_1103 : vector<16xi32>
        %parallel_loop3A_1105 = vector.bitcast %parallel_loop3A_1104 : vector<16xi32> to vector<16xf32>
        %parallel_loop3A_1106 = arith.mulf %parallel_loop3A_1105, %parallel_loop3A_1088 : vector<16xf32>
        %parallel_loop3A_1107 = arith.addf %parallel_loop3A_951, %parallel_loop3A_1106 : vector<16xf32>
        %parallel_loop3A_1108 = tpu.vector_load_idx %arg6[%broadcast_in_dim3A_366, %add3A_19, %parallel_loop3A_1089] : memref<2x64x128xf32, #tpu.memory_space<vmem>>[vector<16xi32>, vector<16xi32>, vector<16xi32>], vector<16xf32>,
        %parallel_loop3A_1109 = vector.bitcast %parallel_loop3A_1108 : vector<16xf32> to vector<16xi32>
        %parallel_loop3A_1110 = arith.constant 32767 : i32
        %parallel_loop3A_1111 = vector.broadcast %parallel_loop3A_1110 : i32 to vector<16xi32>
        %parallel_loop3A_1112 = arith.addi %parallel_loop3A_1109, %parallel_loop3A_1111 : vector<16xi32>
        %parallel_loop3A_1113 = arith.constant 16 : i32
        %parallel_loop3A_1114 = vector.broadcast %parallel_loop3A_1113 : i32 to vector<16xi32>
        %parallel_loop3A_1115 = arith.shrsi %parallel_loop3A_1109, %parallel_loop3A_1114 : vector<16xi32>
        %parallel_loop3A_1116 = arith.constant 1 : i32
        %parallel_loop3A_1117 = vector.broadcast %parallel_loop3A_1116 : i32 to vector<16xi32>
        %parallel_loop3A_1118 = arith.andi %parallel_loop3A_1115, %parallel_loop3A_1117 : vector<16xi32>
        %parallel_loop3A_1119 = arith.addi %parallel_loop3A_1112, %parallel_loop3A_1118 : vector<16xi32>
        %parallel_loop3A_1120 = arith.constant -65536 : i32
        %parallel_loop3A_1121 = vector.broadcast %parallel_loop3A_1120 : i32 to vector<16xi32>
        %parallel_loop3A_1122 = arith.andi %parallel_loop3A_1119, %parallel_loop3A_1121 : vector<16xi32>
        %parallel_loop3A_1123 = vector.bitcast %parallel_loop3A_1122 : vector<16xi32> to vector<16xf32>
        %parallel_loop3A_1124 = arith.mulf %parallel_loop3A_1123, %parallel_loop3A_1088 : vector<16xf32>
        %parallel_loop3A_1125 = arith.addf %parallel_loop3A_969, %parallel_loop3A_1124 : vector<16xf32>
        %parallel_loop3A_1126 = tpu.vector_load_idx %arg6[%broadcast_in_dim3A_366, %add3A_22, %parallel_loop3A_1089] : memref<2x64x128xf32, #tpu.memory_space<vmem>>[vector<16xi32>, vector<16xi32>, vector<16xi32>], vector<16xf32>,
        %parallel_loop3A_1127 = vector.bitcast %parallel_loop3A_1126 : vector<16xf32> to vector<16xi32>
        %parallel_loop3A_1128 = arith.constant 32767 : i32
        %parallel_loop3A_1129 = vector.broadcast %parallel_loop3A_1128 : i32 to vector<16xi32>
        %parallel_loop3A_1130 = arith.addi %parallel_loop3A_1127, %parallel_loop3A_1129 : vector<16xi32>
        %parallel_loop3A_1131 = arith.constant 16 : i32
        %parallel_loop3A_1132 = vector.broadcast %parallel_loop3A_1131 : i32 to vector<16xi32>
        %parallel_loop3A_1133 = arith.shrsi %parallel_loop3A_1127, %parallel_loop3A_1132 : vector<16xi32>
        %parallel_loop3A_1134 = arith.constant 1 : i32
        %parallel_loop3A_1135 = vector.broadcast %parallel_loop3A_1134 : i32 to vector<16xi32>
        %parallel_loop3A_1136 = arith.andi %parallel_loop3A_1133, %parallel_loop3A_1135 : vector<16xi32>
        %parallel_loop3A_1137 = arith.addi %parallel_loop3A_1130, %parallel_loop3A_1136 : vector<16xi32>
        %parallel_loop3A_1138 = arith.constant -65536 : i32
        %parallel_loop3A_1139 = vector.broadcast %parallel_loop3A_1138 : i32 to vector<16xi32>
        %parallel_loop3A_1140 = arith.andi %parallel_loop3A_1137, %parallel_loop3A_1139 : vector<16xi32>
        %parallel_loop3A_1141 = vector.bitcast %parallel_loop3A_1140 : vector<16xi32> to vector<16xf32>
        %parallel_loop3A_1142 = arith.mulf %parallel_loop3A_1141, %parallel_loop3A_1088 : vector<16xf32>
        %parallel_loop3A_1143 = arith.addf %parallel_loop3A_987, %parallel_loop3A_1142 : vector<16xf32>
        %parallel_loop3A_1144 = tpu.vector_load_idx %arg6[%broadcast_in_dim3A_366, %add3A_25, %parallel_loop3A_1089] : memref<2x64x128xf32, #tpu.memory_space<vmem>>[vector<16xi32>, vector<16xi32>, vector<16xi32>], vector<16xf32>,
        %parallel_loop3A_1145 = vector.bitcast %parallel_loop3A_1144 : vector<16xf32> to vector<16xi32>
        %parallel_loop3A_1146 = arith.constant 32767 : i32
        %parallel_loop3A_1147 = vector.broadcast %parallel_loop3A_1146 : i32 to vector<16xi32>
        %parallel_loop3A_1148 = arith.addi %parallel_loop3A_1145, %parallel_loop3A_1147 : vector<16xi32>
        %parallel_loop3A_1149 = arith.constant 16 : i32
        %parallel_loop3A_1150 = vector.broadcast %parallel_loop3A_1149 : i32 to vector<16xi32>
        %parallel_loop3A_1151 = arith.shrsi %parallel_loop3A_1145, %parallel_loop3A_1150 : vector<16xi32>
        %parallel_loop3A_1152 = arith.constant 1 : i32
        %parallel_loop3A_1153 = vector.broadcast %parallel_loop3A_1152 : i32 to vector<16xi32>
        %parallel_loop3A_1154 = arith.andi %parallel_loop3A_1151, %parallel_loop3A_1153 : vector<16xi32>
        %parallel_loop3A_1155 = arith.addi %parallel_loop3A_1148, %parallel_loop3A_1154 : vector<16xi32>
        %parallel_loop3A_1156 = arith.constant -65536 : i32
        %parallel_loop3A_1157 = vector.broadcast %parallel_loop3A_1156 : i32 to vector<16xi32>
        %parallel_loop3A_1158 = arith.andi %parallel_loop3A_1155, %parallel_loop3A_1157 : vector<16xi32>
        %parallel_loop3A_1159 = vector.bitcast %parallel_loop3A_1158 : vector<16xi32> to vector<16xf32>
        %parallel_loop3A_1160 = arith.mulf %parallel_loop3A_1159, %parallel_loop3A_1088 : vector<16xf32>
        %parallel_loop3A_1161 = arith.addf %parallel_loop3A_1005, %parallel_loop3A_1160 : vector<16xf32>
        %parallel_loop3A_1162 = arith.constant 7 : i32
        %parallel_loop3A_1163 = arith.addi %parallel_loop3A_615, %parallel_loop3A_1162 : i32
        %parallel_loop3A_1164 = vector.broadcast %parallel_loop3A_1163 : i32 to vector<16xi32>
        %parallel_loop3A_1165 = arith.addi %broadcast_in_dim3A_364, %parallel_loop3A_1164 : vector<16xi32>
        %parallel_loop3A_1166 = tpu.vector_load_idx %arg5[%parallel_loop3A_1165] : memref<384xf32, #tpu.memory_space<vmem>>[vector<16xi32>], vector<16xf32>,
        %parallel_loop3A_1167 = vector.broadcast %parallel_loop3A_1163 : i32 to vector<16xi32>
        %parallel_loop3A_1168 = tpu.vector_load_idx %arg6[%broadcast_in_dim3A_366, %add3A_16, %parallel_loop3A_1167] : memref<2x64x128xf32, #tpu.memory_space<vmem>>[vector<16xi32>, vector<16xi32>, vector<16xi32>], vector<16xf32>,
        %parallel_loop3A_1169 = vector.bitcast %parallel_loop3A_1168 : vector<16xf32> to vector<16xi32>
        %parallel_loop3A_1170 = arith.constant 32767 : i32
        %parallel_loop3A_1171 = vector.broadcast %parallel_loop3A_1170 : i32 to vector<16xi32>
        %parallel_loop3A_1172 = arith.addi %parallel_loop3A_1169, %parallel_loop3A_1171 : vector<16xi32>
        %parallel_loop3A_1173 = arith.constant 16 : i32
        %parallel_loop3A_1174 = vector.broadcast %parallel_loop3A_1173 : i32 to vector<16xi32>
        %parallel_loop3A_1175 = arith.shrsi %parallel_loop3A_1169, %parallel_loop3A_1174 : vector<16xi32>
        %parallel_loop3A_1176 = arith.constant 1 : i32
        %parallel_loop3A_1177 = vector.broadcast %parallel_loop3A_1176 : i32 to vector<16xi32>
        %parallel_loop3A_1178 = arith.andi %parallel_loop3A_1175, %parallel_loop3A_1177 : vector<16xi32>
        %parallel_loop3A_1179 = arith.addi %parallel_loop3A_1172, %parallel_loop3A_1178 : vector<16xi32>
        %parallel_loop3A_1180 = arith.constant -65536 : i32
        %parallel_loop3A_1181 = vector.broadcast %parallel_loop3A_1180 : i32 to vector<16xi32>
        %parallel_loop3A_1182 = arith.andi %parallel_loop3A_1179, %parallel_loop3A_1181 : vector<16xi32>
        %parallel_loop3A_1183 = vector.bitcast %parallel_loop3A_1182 : vector<16xi32> to vector<16xf32>
        %parallel_loop3A_1184 = arith.mulf %parallel_loop3A_1183, %parallel_loop3A_1166 : vector<16xf32>
        %parallel_loop3A_1185 = arith.addf %parallel_loop3A_1029, %parallel_loop3A_1184 : vector<16xf32>
        %parallel_loop3A_1186 = tpu.vector_load_idx %arg6[%broadcast_in_dim3A_366, %add3A_19, %parallel_loop3A_1167] : memref<2x64x128xf32, #tpu.memory_space<vmem>>[vector<16xi32>, vector<16xi32>, vector<16xi32>], vector<16xf32>,
        %parallel_loop3A_1187 = vector.bitcast %parallel_loop3A_1186 : vector<16xf32> to vector<16xi32>
        %parallel_loop3A_1188 = arith.constant 32767 : i32
        %parallel_loop3A_1189 = vector.broadcast %parallel_loop3A_1188 : i32 to vector<16xi32>
        %parallel_loop3A_1190 = arith.addi %parallel_loop3A_1187, %parallel_loop3A_1189 : vector<16xi32>
        %parallel_loop3A_1191 = arith.constant 16 : i32
        %parallel_loop3A_1192 = vector.broadcast %parallel_loop3A_1191 : i32 to vector<16xi32>
        %parallel_loop3A_1193 = arith.shrsi %parallel_loop3A_1187, %parallel_loop3A_1192 : vector<16xi32>
        %parallel_loop3A_1194 = arith.constant 1 : i32
        %parallel_loop3A_1195 = vector.broadcast %parallel_loop3A_1194 : i32 to vector<16xi32>
        %parallel_loop3A_1196 = arith.andi %parallel_loop3A_1193, %parallel_loop3A_1195 : vector<16xi32>
        %parallel_loop3A_1197 = arith.addi %parallel_loop3A_1190, %parallel_loop3A_1196 : vector<16xi32>
        %parallel_loop3A_1198 = arith.constant -65536 : i32
        %parallel_loop3A_1199 = vector.broadcast %parallel_loop3A_1198 : i32 to vector<16xi32>
        %parallel_loop3A_1200 = arith.andi %parallel_loop3A_1197, %parallel_loop3A_1199 : vector<16xi32>
        %parallel_loop3A_1201 = vector.bitcast %parallel_loop3A_1200 : vector<16xi32> to vector<16xf32>
        %parallel_loop3A_1202 = arith.mulf %parallel_loop3A_1201, %parallel_loop3A_1166 : vector<16xf32>
        %parallel_loop3A_1203 = arith.addf %parallel_loop3A_1047, %parallel_loop3A_1202 : vector<16xf32>
        %parallel_loop3A_1204 = tpu.vector_load_idx %arg6[%broadcast_in_dim3A_366, %add3A_22, %parallel_loop3A_1167] : memref<2x64x128xf32, #tpu.memory_space<vmem>>[vector<16xi32>, vector<16xi32>, vector<16xi32>], vector<16xf32>,
        %parallel_loop3A_1205 = vector.bitcast %parallel_loop3A_1204 : vector<16xf32> to vector<16xi32>
        %parallel_loop3A_1206 = arith.constant 32767 : i32
        %parallel_loop3A_1207 = vector.broadcast %parallel_loop3A_1206 : i32 to vector<16xi32>
        %parallel_loop3A_1208 = arith.addi %parallel_loop3A_1205, %parallel_loop3A_1207 : vector<16xi32>
        %parallel_loop3A_1209 = arith.constant 16 : i32
        %parallel_loop3A_1210 = vector.broadcast %parallel_loop3A_1209 : i32 to vector<16xi32>
        %parallel_loop3A_1211 = arith.shrsi %parallel_loop3A_1205, %parallel_loop3A_1210 : vector<16xi32>
        %parallel_loop3A_1212 = arith.constant 1 : i32
        %parallel_loop3A_1213 = vector.broadcast %parallel_loop3A_1212 : i32 to vector<16xi32>
        %parallel_loop3A_1214 = arith.andi %parallel_loop3A_1211, %parallel_loop3A_1213 : vector<16xi32>
        %parallel_loop3A_1215 = arith.addi %parallel_loop3A_1208, %parallel_loop3A_1214 : vector<16xi32>
        %parallel_loop3A_1216 = arith.constant -65536 : i32
        %parallel_loop3A_1217 = vector.broadcast %parallel_loop3A_1216 : i32 to vector<16xi32>
        %parallel_loop3A_1218 = arith.andi %parallel_loop3A_1215, %parallel_loop3A_1217 : vector<16xi32>
        %parallel_loop3A_1219 = vector.bitcast %parallel_loop3A_1218 : vector<16xi32> to vector<16xf32>
        %parallel_loop3A_1220 = arith.mulf %parallel_loop3A_1219, %parallel_loop3A_1166 : vector<16xf32>
        %parallel_loop3A_1221 = arith.addf %parallel_loop3A_1065, %parallel_loop3A_1220 : vector<16xf32>
        %parallel_loop3A_1222 = tpu.vector_load_idx %arg6[%broadcast_in_dim3A_366, %add3A_25, %parallel_loop3A_1167] : memref<2x64x128xf32, #tpu.memory_space<vmem>>[vector<16xi32>, vector<16xi32>, vector<16xi32>], vector<16xf32>,
        %parallel_loop3A_1223 = vector.bitcast %parallel_loop3A_1222 : vector<16xf32> to vector<16xi32>
        %parallel_loop3A_1224 = arith.constant 32767 : i32
        %parallel_loop3A_1225 = vector.broadcast %parallel_loop3A_1224 : i32 to vector<16xi32>
        %parallel_loop3A_1226 = arith.addi %parallel_loop3A_1223, %parallel_loop3A_1225 : vector<16xi32>
        %parallel_loop3A_1227 = arith.constant 16 : i32
        %parallel_loop3A_1228 = vector.broadcast %parallel_loop3A_1227 : i32 to vector<16xi32>
        %parallel_loop3A_1229 = arith.shrsi %parallel_loop3A_1223, %parallel_loop3A_1228 : vector<16xi32>
        %parallel_loop3A_1230 = arith.constant 1 : i32
        %parallel_loop3A_1231 = vector.broadcast %parallel_loop3A_1230 : i32 to vector<16xi32>
        %parallel_loop3A_1232 = arith.andi %parallel_loop3A_1229, %parallel_loop3A_1231 : vector<16xi32>
        %parallel_loop3A_1233 = arith.addi %parallel_loop3A_1226, %parallel_loop3A_1232 : vector<16xi32>
        %parallel_loop3A_1234 = arith.constant -65536 : i32
        %parallel_loop3A_1235 = vector.broadcast %parallel_loop3A_1234 : i32 to vector<16xi32>
        %parallel_loop3A_1236 = arith.andi %parallel_loop3A_1233, %parallel_loop3A_1235 : vector<16xi32>
        %parallel_loop3A_1237 = vector.bitcast %parallel_loop3A_1236 : vector<16xi32> to vector<16xf32>
        %parallel_loop3A_1238 = arith.mulf %parallel_loop3A_1237, %parallel_loop3A_1166 : vector<16xf32>
        %parallel_loop3A_1239 = arith.addf %parallel_loop3A_1083, %parallel_loop3A_1238 : vector<16xf32>
        scf.yield %parallel_loop3A_1107, %parallel_loop3A_1125, %parallel_loop3A_1143, %parallel_loop3A_1161, %parallel_loop3A_1185, %parallel_loop3A_1203, %parallel_loop3A_1221, %parallel_loop3A_1239 : vector<16xf32>, vector<16xf32>, vector<16xf32>, vector<16xf32>, vector<16xf32>, vector<16xf32>, vector<16xf32>, vector<16xf32>
      } {sc.loop_unroll_factor = 1 : i64, sc.parallel_access}
      %add3A_373 = arith.addf %parallel_loop3A_372#0, %parallel_loop3A_372#4 : vector<16xf32>
      %add3A_374 = arith.addf %parallel_loop3A_372#1, %parallel_loop3A_372#5 : vector<16xf32>
      %add3A_375 = arith.addf %parallel_loop3A_372#2, %parallel_loop3A_372#6 : vector<16xf32>
      %add3A_376 = arith.addf %parallel_loop3A_372#3, %parallel_loop3A_372#7 : vector<16xf32>
      %max3A_377 = arith.maximumf %add3A_373, %add3A_374 : vector<16xf32>
      %max3A_378 = arith.maximumf %add3A_375, %add3A_376 : vector<16xf32>
      %max3A_379 = arith.maximumf %max3A_377, %max3A_378 : vector<16xf32>
      %reduce_max3A_380 = arith.constant true
      %reduce_max3A_381 = vector.broadcast %reduce_max3A_380 : i1 to vector<16xi1>
      %reduce_max3A_382 = tpu.scan <max>, %max3A_379 masked %reduce_max3A_381 : vector<16xf32>, vector<16xi1> -> vector<16xf32>
      %reduce_max3A_383 = vector.extract %reduce_max3A_382[15] : f32 from vector<16xf32>
      %eq3A_384 = vector.broadcast %reduce_max3A_383 : f32 to vector<16xf32>
      %eq3A_385 = arith.cmpf oeq, %add3A_373, %eq3A_384 : vector<16xf32>
      %jit3A_386 = arith.constant 0xFF800000 : f32
      %broadcast_in_dim3A_387 = vector.broadcast %jit3A_386 : f32 to vector<16xf32>
      %select_n3A_388 = arith.select %eq3A_385, %broadcast_in_dim3A_387, %add3A_373 : vector<16xi1>, vector<16xf32>
      %eq3A_389 = vector.broadcast %reduce_max3A_383 : f32 to vector<16xf32>
      %eq3A_390 = arith.cmpf oeq, %add3A_374, %eq3A_389 : vector<16xf32>
      %jit3A_391 = arith.constant 0xFF800000 : f32
      %broadcast_in_dim3A_392 = vector.broadcast %jit3A_391 : f32 to vector<16xf32>
      %select_n3A_393 = arith.select %eq3A_390, %broadcast_in_dim3A_392, %add3A_374 : vector<16xi1>, vector<16xf32>
      %eq3A_394 = vector.broadcast %reduce_max3A_383 : f32 to vector<16xf32>
      %eq3A_395 = arith.cmpf oeq, %add3A_375, %eq3A_394 : vector<16xf32>
      %jit3A_396 = arith.constant 0xFF800000 : f32
      %broadcast_in_dim3A_397 = vector.broadcast %jit3A_396 : f32 to vector<16xf32>
      %select_n3A_398 = arith.select %eq3A_395, %broadcast_in_dim3A_397, %add3A_375 : vector<16xi1>, vector<16xf32>
      %eq3A_399 = vector.broadcast %reduce_max3A_383 : f32 to vector<16xf32>
      %eq3A_400 = arith.cmpf oeq, %add3A_376, %eq3A_399 : vector<16xf32>
      %jit3A_401 = arith.constant 0xFF800000 : f32
      %broadcast_in_dim3A_402 = vector.broadcast %jit3A_401 : f32 to vector<16xf32>
      %select_n3A_403 = arith.select %eq3A_400, %broadcast_in_dim3A_402, %add3A_376 : vector<16xi1>, vector<16xf32>
      %max3A_404 = arith.maximumf %select_n3A_388, %select_n3A_393 : vector<16xf32>
      %max3A_405 = arith.maximumf %select_n3A_398, %select_n3A_403 : vector<16xf32>
      %max3A_406 = arith.maximumf %max3A_404, %max3A_405 : vector<16xf32>
      %reduce_max3A_407 = arith.constant true
      %reduce_max3A_408 = vector.broadcast %reduce_max3A_407 : i1 to vector<16xi1>
      %reduce_max3A_409 = tpu.scan <max>, %max3A_406 masked %reduce_max3A_408 : vector<16xf32>, vector<16xi1> -> vector<16xf32>
      %reduce_max3A_410 = vector.extract %reduce_max3A_409[15] : f32 from vector<16xf32>
      %eq3A_411 = vector.broadcast %reduce_max3A_410 : f32 to vector<16xf32>
      %eq3A_412 = arith.cmpf oeq, %select_n3A_388, %eq3A_411 : vector<16xf32>
      %jit3A_413 = arith.constant 0xFF800000 : f32
      %broadcast_in_dim3A_414 = vector.broadcast %jit3A_413 : f32 to vector<16xf32>
      %select_n3A_415 = arith.select %eq3A_412, %broadcast_in_dim3A_414, %select_n3A_388 : vector<16xi1>, vector<16xf32>
      %eq3A_416 = vector.broadcast %reduce_max3A_410 : f32 to vector<16xf32>
      %eq3A_417 = arith.cmpf oeq, %select_n3A_393, %eq3A_416 : vector<16xf32>
      %jit3A_418 = arith.constant 0xFF800000 : f32
      %broadcast_in_dim3A_419 = vector.broadcast %jit3A_418 : f32 to vector<16xf32>
      %select_n3A_420 = arith.select %eq3A_417, %broadcast_in_dim3A_419, %select_n3A_393 : vector<16xi1>, vector<16xf32>
      %eq3A_421 = vector.broadcast %reduce_max3A_410 : f32 to vector<16xf32>
      %eq3A_422 = arith.cmpf oeq, %select_n3A_398, %eq3A_421 : vector<16xf32>
      %jit3A_423 = arith.constant 0xFF800000 : f32
      %broadcast_in_dim3A_424 = vector.broadcast %jit3A_423 : f32 to vector<16xf32>
      %select_n3A_425 = arith.select %eq3A_422, %broadcast_in_dim3A_424, %select_n3A_398 : vector<16xi1>, vector<16xf32>
      %eq3A_426 = vector.broadcast %reduce_max3A_410 : f32 to vector<16xf32>
      %eq3A_427 = arith.cmpf oeq, %select_n3A_403, %eq3A_426 : vector<16xf32>
      %jit3A_428 = arith.constant 0xFF800000 : f32
      %broadcast_in_dim3A_429 = vector.broadcast %jit3A_428 : f32 to vector<16xf32>
      %select_n3A_430 = arith.select %eq3A_427, %broadcast_in_dim3A_429, %select_n3A_403 : vector<16xi1>, vector<16xf32>
      %max3A_431 = arith.maximumf %select_n3A_415, %select_n3A_420 : vector<16xf32>
      %max3A_432 = arith.maximumf %select_n3A_425, %select_n3A_430 : vector<16xf32>
      %max3A_433 = arith.maximumf %max3A_431, %max3A_432 : vector<16xf32>
      %reduce_max3A_434 = arith.constant true
      %reduce_max3A_435 = vector.broadcast %reduce_max3A_434 : i1 to vector<16xi1>
      %reduce_max3A_436 = tpu.scan <max>, %max3A_433 masked %reduce_max3A_435 : vector<16xf32>, vector<16xi1> -> vector<16xf32>
      %reduce_max3A_437 = vector.extract %reduce_max3A_436[15] : f32 from vector<16xf32>
      %eq3A_438 = vector.broadcast %reduce_max3A_437 : f32 to vector<16xf32>
      %eq3A_439 = arith.cmpf oeq, %select_n3A_415, %eq3A_438 : vector<16xf32>
      %jit3A_440 = arith.constant 0xFF800000 : f32
      %broadcast_in_dim3A_441 = vector.broadcast %jit3A_440 : f32 to vector<16xf32>
      %select_n3A_442 = arith.select %eq3A_439, %broadcast_in_dim3A_441, %select_n3A_415 : vector<16xi1>, vector<16xf32>
      %eq3A_443 = vector.broadcast %reduce_max3A_437 : f32 to vector<16xf32>
      %eq3A_444 = arith.cmpf oeq, %select_n3A_420, %eq3A_443 : vector<16xf32>
      %jit3A_445 = arith.constant 0xFF800000 : f32
      %broadcast_in_dim3A_446 = vector.broadcast %jit3A_445 : f32 to vector<16xf32>
      %select_n3A_447 = arith.select %eq3A_444, %broadcast_in_dim3A_446, %select_n3A_420 : vector<16xi1>, vector<16xf32>
      %eq3A_448 = vector.broadcast %reduce_max3A_437 : f32 to vector<16xf32>
      %eq3A_449 = arith.cmpf oeq, %select_n3A_425, %eq3A_448 : vector<16xf32>
      %jit3A_450 = arith.constant 0xFF800000 : f32
      %broadcast_in_dim3A_451 = vector.broadcast %jit3A_450 : f32 to vector<16xf32>
      %select_n3A_452 = arith.select %eq3A_449, %broadcast_in_dim3A_451, %select_n3A_425 : vector<16xi1>, vector<16xf32>
      %eq3A_453 = vector.broadcast %reduce_max3A_437 : f32 to vector<16xf32>
      %eq3A_454 = arith.cmpf oeq, %select_n3A_430, %eq3A_453 : vector<16xf32>
      %jit3A_455 = arith.constant 0xFF800000 : f32
      %broadcast_in_dim3A_456 = vector.broadcast %jit3A_455 : f32 to vector<16xf32>
      %select_n3A_457 = arith.select %eq3A_454, %broadcast_in_dim3A_456, %select_n3A_430 : vector<16xi1>, vector<16xf32>
      %max3A_458 = arith.maximumf %select_n3A_442, %select_n3A_447 : vector<16xf32>
      %max3A_459 = arith.maximumf %select_n3A_452, %select_n3A_457 : vector<16xf32>
      %max3A_460 = arith.maximumf %max3A_458, %max3A_459 : vector<16xf32>
      %reduce_max3A_461 = arith.constant true
      %reduce_max3A_462 = vector.broadcast %reduce_max3A_461 : i1 to vector<16xi1>
      %reduce_max3A_463 = tpu.scan <max>, %max3A_460 masked %reduce_max3A_462 : vector<16xf32>, vector<16xi1> -> vector<16xf32>
      %reduce_max3A_464 = vector.extract %reduce_max3A_463[15] : f32 from vector<16xf32>
      %eq3A_465 = vector.broadcast %reduce_max3A_464 : f32 to vector<16xf32>
      %eq3A_466 = arith.cmpf oeq, %select_n3A_442, %eq3A_465 : vector<16xf32>
      %jit3A_467 = arith.constant 0xFF800000 : f32
      %broadcast_in_dim3A_468 = vector.broadcast %jit3A_467 : f32 to vector<16xf32>
      %select_n3A_469 = arith.select %eq3A_466, %broadcast_in_dim3A_468, %select_n3A_442 : vector<16xi1>, vector<16xf32>
      %eq3A_470 = vector.broadcast %reduce_max3A_464 : f32 to vector<16xf32>
      %eq3A_471 = arith.cmpf oeq, %select_n3A_447, %eq3A_470 : vector<16xf32>
      %jit3A_472 = arith.constant 0xFF800000 : f32
      %broadcast_in_dim3A_473 = vector.broadcast %jit3A_472 : f32 to vector<16xf32>
      %select_n3A_474 = arith.select %eq3A_471, %broadcast_in_dim3A_473, %select_n3A_447 : vector<16xi1>, vector<16xf32>
      %eq3A_475 = vector.broadcast %reduce_max3A_464 : f32 to vector<16xf32>
      %eq3A_476 = arith.cmpf oeq, %select_n3A_452, %eq3A_475 : vector<16xf32>
      %jit3A_477 = arith.constant 0xFF800000 : f32
      %broadcast_in_dim3A_478 = vector.broadcast %jit3A_477 : f32 to vector<16xf32>
      %select_n3A_479 = arith.select %eq3A_476, %broadcast_in_dim3A_478, %select_n3A_452 : vector<16xi1>, vector<16xf32>
      %eq3A_480 = vector.broadcast %reduce_max3A_464 : f32 to vector<16xf32>
      %eq3A_481 = arith.cmpf oeq, %select_n3A_457, %eq3A_480 : vector<16xf32>
      %jit3A_482 = arith.constant 0xFF800000 : f32
      %broadcast_in_dim3A_483 = vector.broadcast %jit3A_482 : f32 to vector<16xf32>
      %select_n3A_484 = arith.select %eq3A_481, %broadcast_in_dim3A_483, %select_n3A_457 : vector<16xi1>, vector<16xf32>
      %max3A_485 = arith.maximumf %select_n3A_469, %select_n3A_474 : vector<16xf32>
      %max3A_486 = arith.maximumf %select_n3A_479, %select_n3A_484 : vector<16xf32>
      %max3A_487 = arith.maximumf %max3A_485, %max3A_486 : vector<16xf32>
      %reduce_max3A_488 = arith.constant true
      %reduce_max3A_489 = vector.broadcast %reduce_max3A_488 : i1 to vector<16xi1>
      %reduce_max3A_490 = tpu.scan <max>, %max3A_487 masked %reduce_max3A_489 : vector<16xf32>, vector<16xi1> -> vector<16xf32>
      %reduce_max3A_491 = vector.extract %reduce_max3A_490[15] : f32 from vector<16xf32>
      %eq3A_492 = vector.broadcast %reduce_max3A_491 : f32 to vector<16xf32>
      %eq3A_493 = arith.cmpf oeq, %select_n3A_469, %eq3A_492 : vector<16xf32>
      %jit3A_494 = arith.constant 0xFF800000 : f32
      %broadcast_in_dim3A_495 = vector.broadcast %jit3A_494 : f32 to vector<16xf32>
      %select_n3A_496 = arith.select %eq3A_493, %broadcast_in_dim3A_495, %select_n3A_469 : vector<16xi1>, vector<16xf32>
      %eq3A_497 = vector.broadcast %reduce_max3A_491 : f32 to vector<16xf32>
      %eq3A_498 = arith.cmpf oeq, %select_n3A_474, %eq3A_497 : vector<16xf32>
      %jit3A_499 = arith.constant 0xFF800000 : f32
      %broadcast_in_dim3A_500 = vector.broadcast %jit3A_499 : f32 to vector<16xf32>
      %select_n3A_501 = arith.select %eq3A_498, %broadcast_in_dim3A_500, %select_n3A_474 : vector<16xi1>, vector<16xf32>
      %eq3A_502 = vector.broadcast %reduce_max3A_491 : f32 to vector<16xf32>
      %eq3A_503 = arith.cmpf oeq, %select_n3A_479, %eq3A_502 : vector<16xf32>
      %jit3A_504 = arith.constant 0xFF800000 : f32
      %broadcast_in_dim3A_505 = vector.broadcast %jit3A_504 : f32 to vector<16xf32>
      %select_n3A_506 = arith.select %eq3A_503, %broadcast_in_dim3A_505, %select_n3A_479 : vector<16xi1>, vector<16xf32>
      %eq3A_507 = vector.broadcast %reduce_max3A_491 : f32 to vector<16xf32>
      %eq3A_508 = arith.cmpf oeq, %select_n3A_484, %eq3A_507 : vector<16xf32>
      %jit3A_509 = arith.constant 0xFF800000 : f32
      %broadcast_in_dim3A_510 = vector.broadcast %jit3A_509 : f32 to vector<16xf32>
      %select_n3A_511 = arith.select %eq3A_508, %broadcast_in_dim3A_510, %select_n3A_484 : vector<16xi1>, vector<16xf32>
      %max3A_512 = arith.maximumf %select_n3A_496, %select_n3A_501 : vector<16xf32>
      %max3A_513 = arith.maximumf %select_n3A_506, %select_n3A_511 : vector<16xf32>
      %max3A_514 = arith.maximumf %max3A_512, %max3A_513 : vector<16xf32>
      %reduce_max3A_515 = arith.constant true
      %reduce_max3A_516 = vector.broadcast %reduce_max3A_515 : i1 to vector<16xi1>
      %reduce_max3A_517 = tpu.scan <max>, %max3A_514 masked %reduce_max3A_516 : vector<16xf32>, vector<16xi1> -> vector<16xf32>
      %reduce_max3A_518 = vector.extract %reduce_max3A_517[15] : f32 from vector<16xf32>
      %eq3A_519 = vector.broadcast %reduce_max3A_518 : f32 to vector<16xf32>
      %eq3A_520 = arith.cmpf oeq, %select_n3A_496, %eq3A_519 : vector<16xf32>
      %jit3A_521 = arith.constant 0xFF800000 : f32
      %broadcast_in_dim3A_522 = vector.broadcast %jit3A_521 : f32 to vector<16xf32>
      %select_n3A_523 = arith.select %eq3A_520, %broadcast_in_dim3A_522, %select_n3A_496 : vector<16xi1>, vector<16xf32>
      %eq3A_524 = vector.broadcast %reduce_max3A_518 : f32 to vector<16xf32>
      %eq3A_525 = arith.cmpf oeq, %select_n3A_501, %eq3A_524 : vector<16xf32>
      %jit3A_526 = arith.constant 0xFF800000 : f32
      %broadcast_in_dim3A_527 = vector.broadcast %jit3A_526 : f32 to vector<16xf32>
      %select_n3A_528 = arith.select %eq3A_525, %broadcast_in_dim3A_527, %select_n3A_501 : vector<16xi1>, vector<16xf32>
      %eq3A_529 = vector.broadcast %reduce_max3A_518 : f32 to vector<16xf32>
      %eq3A_530 = arith.cmpf oeq, %select_n3A_506, %eq3A_529 : vector<16xf32>
      %jit3A_531 = arith.constant 0xFF800000 : f32
      %broadcast_in_dim3A_532 = vector.broadcast %jit3A_531 : f32 to vector<16xf32>
      %select_n3A_533 = arith.select %eq3A_530, %broadcast_in_dim3A_532, %select_n3A_506 : vector<16xi1>, vector<16xf32>
      %eq3A_534 = vector.broadcast %reduce_max3A_518 : f32 to vector<16xf32>
      %eq3A_535 = arith.cmpf oeq, %select_n3A_511, %eq3A_534 : vector<16xf32>
      %jit3A_536 = arith.constant 0xFF800000 : f32
      %broadcast_in_dim3A_537 = vector.broadcast %jit3A_536 : f32 to vector<16xf32>
      %select_n3A_538 = arith.select %eq3A_535, %broadcast_in_dim3A_537, %select_n3A_511 : vector<16xi1>, vector<16xf32>
      %max3A_539 = arith.maximumf %select_n3A_523, %select_n3A_528 : vector<16xf32>
      %max3A_540 = arith.maximumf %select_n3A_533, %select_n3A_538 : vector<16xf32>
      %max3A_541 = arith.maximumf %max3A_539, %max3A_540 : vector<16xf32>
      %reduce_max3A_542 = arith.constant true
      %reduce_max3A_543 = vector.broadcast %reduce_max3A_542 : i1 to vector<16xi1>
      %reduce_max3A_544 = tpu.scan <max>, %max3A_541 masked %reduce_max3A_543 : vector<16xf32>, vector<16xi1> -> vector<16xf32>
      %reduce_max3A_545 = vector.extract %reduce_max3A_544[15] : f32 from vector<16xf32>
      %eq3A_546 = vector.broadcast %reduce_max3A_545 : f32 to vector<16xf32>
      %eq3A_547 = arith.cmpf oeq, %select_n3A_523, %eq3A_546 : vector<16xf32>
      %jit3A_548 = arith.constant 0xFF800000 : f32
      %broadcast_in_dim3A_549 = vector.broadcast %jit3A_548 : f32 to vector<16xf32>
      %select_n3A_550 = arith.select %eq3A_547, %broadcast_in_dim3A_549, %select_n3A_523 : vector<16xi1>, vector<16xf32>
      %eq3A_551 = vector.broadcast %reduce_max3A_545 : f32 to vector<16xf32>
      %eq3A_552 = arith.cmpf oeq, %select_n3A_528, %eq3A_551 : vector<16xf32>
      %jit3A_553 = arith.constant 0xFF800000 : f32
      %broadcast_in_dim3A_554 = vector.broadcast %jit3A_553 : f32 to vector<16xf32>
      %select_n3A_555 = arith.select %eq3A_552, %broadcast_in_dim3A_554, %select_n3A_528 : vector<16xi1>, vector<16xf32>
      %eq3A_556 = vector.broadcast %reduce_max3A_545 : f32 to vector<16xf32>
      %eq3A_557 = arith.cmpf oeq, %select_n3A_533, %eq3A_556 : vector<16xf32>
      %jit3A_558 = arith.constant 0xFF800000 : f32
      %broadcast_in_dim3A_559 = vector.broadcast %jit3A_558 : f32 to vector<16xf32>
      %select_n3A_560 = arith.select %eq3A_557, %broadcast_in_dim3A_559, %select_n3A_533 : vector<16xi1>, vector<16xf32>
      %eq3A_561 = vector.broadcast %reduce_max3A_545 : f32 to vector<16xf32>
      %eq3A_562 = arith.cmpf oeq, %select_n3A_538, %eq3A_561 : vector<16xf32>
      %jit3A_563 = arith.constant 0xFF800000 : f32
      %broadcast_in_dim3A_564 = vector.broadcast %jit3A_563 : f32 to vector<16xf32>
      %select_n3A_565 = arith.select %eq3A_562, %broadcast_in_dim3A_564, %select_n3A_538 : vector<16xi1>, vector<16xf32>
      %max3A_566 = arith.maximumf %select_n3A_550, %select_n3A_555 : vector<16xf32>
      %max3A_567 = arith.maximumf %select_n3A_560, %select_n3A_565 : vector<16xf32>
      %max3A_568 = arith.maximumf %max3A_566, %max3A_567 : vector<16xf32>
      %reduce_max3A_569 = arith.constant true
      %reduce_max3A_570 = vector.broadcast %reduce_max3A_569 : i1 to vector<16xi1>
      %reduce_max3A_571 = tpu.scan <max>, %max3A_568 masked %reduce_max3A_570 : vector<16xf32>, vector<16xi1> -> vector<16xf32>
      %reduce_max3A_572 = vector.extract %reduce_max3A_571[15] : f32 from vector<16xf32>
      %ge3A_573 = vector.broadcast %reduce_max3A_572 : f32 to vector<16xf32>
      %ge3A_574 = arith.cmpf oge, %add3A_373, %ge3A_573 : vector<16xf32>
      %broadcast_in_dim3A_575 = arith.constant 0.000000e+00 : f32
      %broadcast_in_dim3A_576 = vector.broadcast %broadcast_in_dim3A_575 : f32 to vector<16xf32>
      %select_n3A_577 = arith.select %ge3A_574, %add3A_373, %broadcast_in_dim3A_576 : vector<16xi1>, vector<16xf32>
      %swap3A_578 = arith.index_cast %add3A_361 : i32 to index
      %swap3A_579 = arith.constant 0 : index
      %swap3A_580 = tpu.vector_load %arg7[%swap3A_578, %swap3A_579] {strides = array<i32>} : memref<16x64xf32, #tpu.memory_space<vmem>>, vector<16xf32>,
      tpu.vector_store %arg7[%swap3A_578, %swap3A_579], %select_n3A_577 {strides = array<i32>} : memref<16x64xf32, #tpu.memory_space<vmem>>, vector<16xf32>,
      %ge3A_581 = vector.broadcast %reduce_max3A_572 : f32 to vector<16xf32>
      %ge3A_582 = arith.cmpf oge, %add3A_374, %ge3A_581 : vector<16xf32>
      %broadcast_in_dim3A_583 = arith.constant 0.000000e+00 : f32
      %broadcast_in_dim3A_584 = vector.broadcast %broadcast_in_dim3A_583 : f32 to vector<16xf32>
      %select_n3A_585 = arith.select %ge3A_582, %add3A_374, %broadcast_in_dim3A_584 : vector<16xi1>, vector<16xf32>
      %swap3A_586 = arith.index_cast %add3A_361 : i32 to index
      %swap3A_587 = arith.constant 16 : index
      %swap3A_588 = tpu.vector_load %arg7[%swap3A_586, %swap3A_587] {strides = array<i32>} : memref<16x64xf32, #tpu.memory_space<vmem>>, vector<16xf32>,
      tpu.vector_store %arg7[%swap3A_586, %swap3A_587], %select_n3A_585 {strides = array<i32>} : memref<16x64xf32, #tpu.memory_space<vmem>>, vector<16xf32>,
      %ge3A_589 = vector.broadcast %reduce_max3A_572 : f32 to vector<16xf32>
      %ge3A_590 = arith.cmpf oge, %add3A_375, %ge3A_589 : vector<16xf32>
      %broadcast_in_dim3A_591 = arith.constant 0.000000e+00 : f32
      %broadcast_in_dim3A_592 = vector.broadcast %broadcast_in_dim3A_591 : f32 to vector<16xf32>
      %select_n3A_593 = arith.select %ge3A_590, %add3A_375, %broadcast_in_dim3A_592 : vector<16xi1>, vector<16xf32>
      %swap3A_594 = arith.index_cast %add3A_361 : i32 to index
      %swap3A_595 = arith.constant 32 : index
      %swap3A_596 = tpu.vector_load %arg7[%swap3A_594, %swap3A_595] {strides = array<i32>} : memref<16x64xf32, #tpu.memory_space<vmem>>, vector<16xf32>,
      tpu.vector_store %arg7[%swap3A_594, %swap3A_595], %select_n3A_593 {strides = array<i32>} : memref<16x64xf32, #tpu.memory_space<vmem>>, vector<16xf32>,
      %ge3A_597 = vector.broadcast %reduce_max3A_572 : f32 to vector<16xf32>
      %ge3A_598 = arith.cmpf oge, %add3A_376, %ge3A_597 : vector<16xf32>
      %broadcast_in_dim3A_599 = arith.constant 0.000000e+00 : f32
      %broadcast_in_dim3A_600 = vector.broadcast %broadcast_in_dim3A_599 : f32 to vector<16xf32>
      %select_n3A_601 = arith.select %ge3A_598, %add3A_376, %broadcast_in_dim3A_600 : vector<16xi1>, vector<16xf32>
      %swap3A_602 = arith.index_cast %add3A_361 : i32 to index
      %swap3A_603 = arith.constant 48 : index
      %swap3A_604 = tpu.vector_load %arg7[%swap3A_602, %swap3A_603] {strides = array<i32>} : memref<16x64xf32, #tpu.memory_space<vmem>>, vector<16xf32>,
      tpu.vector_store %arg7[%swap3A_602, %swap3A_603], %select_n3A_601 {strides = array<i32>} : memref<16x64xf32, #tpu.memory_space<vmem>>, vector<16xf32>,
    }
    %scan3A_49 = arith.constant 8 : i32
    %sub3A = arith.constant 3584 : i32
    %sub3A_50 = arith.subi %add3A_5, %sub3A : i32
    %dma_start3A_51 = arith.constant 0 : i32
    %dma_start3A_52 = tpu.memref_slice %arg4[%sub3A_50, %dma_start3A_51] : memref<504x64xf32, #tpu.memory_space<hbm>> -> memref<16x64xf32, #tpu.memory_space<hbm>>
    %dma_start3A_53 = arith.constant 0 : i32
    %dma_start3A_54 = tpu.memref_slice %arg4[%sub3A_50, %dma_start3A_53] : memref<504x64xf32, #tpu.memory_space<hbm>> -> memref<16x64xf32, #tpu.memory_space<hbm>>
    tpu.enqueue_dma source(%arg7 : memref<16x64xf32, #tpu.memory_space<vmem>>) target(%dma_start3A_54 : memref<16x64xf32, #tpu.memory_space<hbm>>) target_semaphore(%arg11 : memref<!tpu.dma_semaphore, #tpu.memory_space<semaphore_mem>>)
    %dma_wait3A_55 = arith.constant 0 : i32
    %dma_wait3A_56 = tpu.memref_slice %arg4[%sub3A_50, %dma_wait3A_55] : memref<504x64xf32, #tpu.memory_space<hbm>> -> memref<16x64xf32, #tpu.memory_space<hbm>>
    %dma_wait3A_57 = arith.constant 0 : i32
    %dma_wait3A_58 = tpu.memref_slice %arg4[%sub3A_50, %dma_wait3A_57] : memref<504x64xf32, #tpu.memory_space<hbm>> -> memref<16x64xf32, #tpu.memory_space<hbm>>
    tpu.wait_dma2 semaphore(%arg11 : memref<!tpu.dma_semaphore, #tpu.memory_space<semaphore_mem>>) src(%arg7 : memref<16x64xf32, #tpu.memory_space<vmem>>) dst(%dma_wait3A_58 : memref<16x64xf32, #tpu.memory_space<hbm>>)
    return
  }
}

module attributes {stable_mosaic.version = 14 : i64} {
  func.func @_tc_body(%arg0: i32, %arg1: memref<16x128xf32, #tpu.memory_space<vmem>>, %arg2: memref<8x128xf32, #tpu.memory_space<vmem>>, %arg3: memref<128x64x128xf32, #tpu.memory_space<vmem>>, %arg4: memref<128x64xf32, #tpu.memory_space<vmem>>) attributes {dimension_semantics = [#tpu.dimension_semantics<arbitrary>], iteration_bounds = array<i64: 28>, scalar_prefetch = 0 : i64, scratch_operands = 0 : i64, tpu.core_type = #tpu.core_type<tc>, window_params = [{transform_indices = @transform_0, window_bounds = array<i64: 16, 128>}, {transform_indices = @transform_1, window_bounds = array<i64: 8, 128>}, {transform_indices = @transform_2, window_bounds = array<i64: 128, 64, 128>}, {transform_indices = @transform_3, window_bounds = array<i64: 128, 64>}]} {
    %get3A = arith.constant 0 : index
    %get3A_0 = arith.constant 0 : index
    %get3A_1 = vector.load %arg1[%get3A, %get3A_0] : memref<16x128xf32, #tpu.memory_space<vmem>>, vector<16x128xf32>
    %get3A_2 = arith.constant 0 : index
    %get3A_3 = arith.constant 0 : index
    %get3A_4 = vector.load %arg2[%get3A_2, %get3A_3] : memref<8x128xf32, #tpu.memory_space<vmem>>, vector<8x128xf32>
    %concatenate3A = tpu.concatenate %get3A_1, %get3A_4 in 0 : vector<16x128xf32>, vector<8x128xf32> -> vector<24x128xf32>
    %slice3A = vector.extract_strided_slice %concatenate3A {offsets = [1, 0], sizes = [23, 128], strides = [1, 1]} : vector<24x128xf32> to vector<23x128xf32>
    %slice3A_5 = vector.extract_strided_slice %concatenate3A {offsets = [0, 0], sizes = [1, 128], strides = [1, 1]} : vector<24x128xf32> to vector<1x128xf32>
    %concatenate3A_6 = tpu.concatenate %slice3A, %slice3A_5 in 0 : vector<23x128xf32>, vector<1x128xf32> -> vector<24x128xf32>
    %iota3A = tpu.iota {dimensions = array<i32: 1>} : vector<24x128xi32>
    %slice3A_7 = vector.extract_strided_slice %concatenate3A {offsets = [0, 0], sizes = [16, 128], strides = [1, 1]} : vector<24x128xf32> to vector<16x128xf32>
    %slice3A_8 = vector.extract_strided_slice %concatenate3A {offsets = [0, 16], sizes = [24, 112], strides = [1, 1]} : vector<24x128xf32> to vector<24x112xf32>
    %slice3A_9 = vector.extract_strided_slice %concatenate3A {offsets = [0, 0], sizes = [24, 16], strides = [1, 1]} : vector<24x128xf32> to vector<24x16xf32>
    %concatenate3A_10 = tpu.concatenate %slice3A_8, %slice3A_9 in 1 : vector<24x112xf32>, vector<24x16xf32> -> vector<24x128xf32>
    %slice3A_11 = vector.extract_strided_slice %concatenate3A_6 {offsets = [0, 16], sizes = [24, 112], strides = [1, 1]} : vector<24x128xf32> to vector<24x112xf32>
    %slice3A_12 = vector.extract_strided_slice %concatenate3A_6 {offsets = [0, 0], sizes = [24, 16], strides = [1, 1]} : vector<24x128xf32> to vector<24x16xf32>
    %concatenate3A_13 = tpu.concatenate %slice3A_11, %slice3A_12 in 1 : vector<24x112xf32>, vector<24x16xf32> -> vector<24x128xf32>
    %lt3A = arith.constant 112 : i32
    %lt3A_14 = vector.broadcast %lt3A : i32 to vector<24x128xi32>
    %lt3A_15 = arith.cmpi slt, %iota3A, %lt3A_14 : vector<24x128xi32>
    %select_n3A = arith.select %lt3A_15, %concatenate3A_10, %concatenate3A_13 : vector<24x128xi1>, vector<24x128xf32>
    %slice3A_16 = vector.extract_strided_slice %select_n3A {offsets = [0, 0], sizes = [16, 128], strides = [1, 1]} : vector<24x128xf32> to vector<16x128xf32>
    %slice3A_17 = vector.extract_strided_slice %concatenate3A {offsets = [0, 32], sizes = [24, 96], strides = [1, 1]} : vector<24x128xf32> to vector<24x96xf32>
    %slice3A_18 = vector.extract_strided_slice %concatenate3A {offsets = [0, 0], sizes = [24, 32], strides = [1, 1]} : vector<24x128xf32> to vector<24x32xf32>
    %concatenate3A_19 = tpu.concatenate %slice3A_17, %slice3A_18 in 1 : vector<24x96xf32>, vector<24x32xf32> -> vector<24x128xf32>
    %slice3A_20 = vector.extract_strided_slice %concatenate3A_6 {offsets = [0, 32], sizes = [24, 96], strides = [1, 1]} : vector<24x128xf32> to vector<24x96xf32>
    %slice3A_21 = vector.extract_strided_slice %concatenate3A_6 {offsets = [0, 0], sizes = [24, 32], strides = [1, 1]} : vector<24x128xf32> to vector<24x32xf32>
    %concatenate3A_22 = tpu.concatenate %slice3A_20, %slice3A_21 in 1 : vector<24x96xf32>, vector<24x32xf32> -> vector<24x128xf32>
    %lt3A_23 = arith.constant 96 : i32
    %lt3A_24 = vector.broadcast %lt3A_23 : i32 to vector<24x128xi32>
    %lt3A_25 = arith.cmpi slt, %iota3A, %lt3A_24 : vector<24x128xi32>
    %select_n3A_26 = arith.select %lt3A_25, %concatenate3A_19, %concatenate3A_22 : vector<24x128xi1>, vector<24x128xf32>
    %slice3A_27 = vector.extract_strided_slice %select_n3A_26 {offsets = [0, 0], sizes = [16, 128], strides = [1, 1]} : vector<24x128xf32> to vector<16x128xf32>
    %slice3A_28 = vector.extract_strided_slice %concatenate3A {offsets = [0, 48], sizes = [24, 80], strides = [1, 1]} : vector<24x128xf32> to vector<24x80xf32>
    %slice3A_29 = vector.extract_strided_slice %concatenate3A {offsets = [0, 0], sizes = [24, 48], strides = [1, 1]} : vector<24x128xf32> to vector<24x48xf32>
    %concatenate3A_30 = tpu.concatenate %slice3A_28, %slice3A_29 in 1 : vector<24x80xf32>, vector<24x48xf32> -> vector<24x128xf32>
    %slice3A_31 = vector.extract_strided_slice %concatenate3A_6 {offsets = [0, 48], sizes = [24, 80], strides = [1, 1]} : vector<24x128xf32> to vector<24x80xf32>
    %slice3A_32 = vector.extract_strided_slice %concatenate3A_6 {offsets = [0, 0], sizes = [24, 48], strides = [1, 1]} : vector<24x128xf32> to vector<24x48xf32>
    %concatenate3A_33 = tpu.concatenate %slice3A_31, %slice3A_32 in 1 : vector<24x80xf32>, vector<24x48xf32> -> vector<24x128xf32>
    %lt3A_34 = arith.constant 80 : i32
    %lt3A_35 = vector.broadcast %lt3A_34 : i32 to vector<24x128xi32>
    %lt3A_36 = arith.cmpi slt, %iota3A, %lt3A_35 : vector<24x128xi32>
    %select_n3A_37 = arith.select %lt3A_36, %concatenate3A_30, %concatenate3A_33 : vector<24x128xi1>, vector<24x128xf32>
    %slice3A_38 = vector.extract_strided_slice %select_n3A_37 {offsets = [0, 0], sizes = [16, 128], strides = [1, 1]} : vector<24x128xf32> to vector<16x128xf32>
    %slice3A_39 = vector.extract_strided_slice %concatenate3A {offsets = [0, 64], sizes = [24, 64], strides = [1, 1]} : vector<24x128xf32> to vector<24x64xf32>
    %slice3A_40 = vector.extract_strided_slice %concatenate3A {offsets = [0, 0], sizes = [24, 64], strides = [1, 1]} : vector<24x128xf32> to vector<24x64xf32>
    %concatenate3A_41 = tpu.concatenate %slice3A_39, %slice3A_40 in 1 : vector<24x64xf32>, vector<24x64xf32> -> vector<24x128xf32>
    %slice3A_42 = vector.extract_strided_slice %concatenate3A_6 {offsets = [0, 64], sizes = [24, 64], strides = [1, 1]} : vector<24x128xf32> to vector<24x64xf32>
    %slice3A_43 = vector.extract_strided_slice %concatenate3A_6 {offsets = [0, 0], sizes = [24, 64], strides = [1, 1]} : vector<24x128xf32> to vector<24x64xf32>
    %concatenate3A_44 = tpu.concatenate %slice3A_42, %slice3A_43 in 1 : vector<24x64xf32>, vector<24x64xf32> -> vector<24x128xf32>
    %lt3A_45 = arith.constant 64 : i32
    %lt3A_46 = vector.broadcast %lt3A_45 : i32 to vector<24x128xi32>
    %lt3A_47 = arith.cmpi slt, %iota3A, %lt3A_46 : vector<24x128xi32>
    %select_n3A_48 = arith.select %lt3A_47, %concatenate3A_41, %concatenate3A_44 : vector<24x128xi1>, vector<24x128xf32>
    %slice3A_49 = vector.extract_strided_slice %select_n3A_48 {offsets = [0, 0], sizes = [16, 128], strides = [1, 1]} : vector<24x128xf32> to vector<16x128xf32>
    %slice3A_50 = vector.extract_strided_slice %concatenate3A {offsets = [0, 80], sizes = [24, 48], strides = [1, 1]} : vector<24x128xf32> to vector<24x48xf32>
    %slice3A_51 = vector.extract_strided_slice %concatenate3A {offsets = [0, 0], sizes = [24, 80], strides = [1, 1]} : vector<24x128xf32> to vector<24x80xf32>
    %concatenate3A_52 = tpu.concatenate %slice3A_50, %slice3A_51 in 1 : vector<24x48xf32>, vector<24x80xf32> -> vector<24x128xf32>
    %slice3A_53 = vector.extract_strided_slice %concatenate3A_6 {offsets = [0, 80], sizes = [24, 48], strides = [1, 1]} : vector<24x128xf32> to vector<24x48xf32>
    %slice3A_54 = vector.extract_strided_slice %concatenate3A_6 {offsets = [0, 0], sizes = [24, 80], strides = [1, 1]} : vector<24x128xf32> to vector<24x80xf32>
    %concatenate3A_55 = tpu.concatenate %slice3A_53, %slice3A_54 in 1 : vector<24x48xf32>, vector<24x80xf32> -> vector<24x128xf32>
    %lt3A_56 = arith.constant 48 : i32
    %lt3A_57 = vector.broadcast %lt3A_56 : i32 to vector<24x128xi32>
    %lt3A_58 = arith.cmpi slt, %iota3A, %lt3A_57 : vector<24x128xi32>
    %select_n3A_59 = arith.select %lt3A_58, %concatenate3A_52, %concatenate3A_55 : vector<24x128xi1>, vector<24x128xf32>
    %slice3A_60 = vector.extract_strided_slice %select_n3A_59 {offsets = [0, 0], sizes = [16, 128], strides = [1, 1]} : vector<24x128xf32> to vector<16x128xf32>
    %slice3A_61 = vector.extract_strided_slice %concatenate3A {offsets = [0, 96], sizes = [24, 32], strides = [1, 1]} : vector<24x128xf32> to vector<24x32xf32>
    %slice3A_62 = vector.extract_strided_slice %concatenate3A {offsets = [0, 0], sizes = [24, 96], strides = [1, 1]} : vector<24x128xf32> to vector<24x96xf32>
    %concatenate3A_63 = tpu.concatenate %slice3A_61, %slice3A_62 in 1 : vector<24x32xf32>, vector<24x96xf32> -> vector<24x128xf32>
    %slice3A_64 = vector.extract_strided_slice %concatenate3A_6 {offsets = [0, 96], sizes = [24, 32], strides = [1, 1]} : vector<24x128xf32> to vector<24x32xf32>
    %slice3A_65 = vector.extract_strided_slice %concatenate3A_6 {offsets = [0, 0], sizes = [24, 96], strides = [1, 1]} : vector<24x128xf32> to vector<24x96xf32>
    %concatenate3A_66 = tpu.concatenate %slice3A_64, %slice3A_65 in 1 : vector<24x32xf32>, vector<24x96xf32> -> vector<24x128xf32>
    %lt3A_67 = arith.constant 32 : i32
    %lt3A_68 = vector.broadcast %lt3A_67 : i32 to vector<24x128xi32>
    %lt3A_69 = arith.cmpi slt, %iota3A, %lt3A_68 : vector<24x128xi32>
    %select_n3A_70 = arith.select %lt3A_69, %concatenate3A_63, %concatenate3A_66 : vector<24x128xi1>, vector<24x128xf32>
    %slice3A_71 = vector.extract_strided_slice %select_n3A_70 {offsets = [0, 0], sizes = [16, 128], strides = [1, 1]} : vector<24x128xf32> to vector<16x128xf32>
    %slice3A_72 = vector.extract_strided_slice %concatenate3A {offsets = [0, 112], sizes = [24, 16], strides = [1, 1]} : vector<24x128xf32> to vector<24x16xf32>
    %slice3A_73 = vector.extract_strided_slice %concatenate3A {offsets = [0, 0], sizes = [24, 112], strides = [1, 1]} : vector<24x128xf32> to vector<24x112xf32>
    %concatenate3A_74 = tpu.concatenate %slice3A_72, %slice3A_73 in 1 : vector<24x16xf32>, vector<24x112xf32> -> vector<24x128xf32>
    %slice3A_75 = vector.extract_strided_slice %concatenate3A_6 {offsets = [0, 112], sizes = [24, 16], strides = [1, 1]} : vector<24x128xf32> to vector<24x16xf32>
    %slice3A_76 = vector.extract_strided_slice %concatenate3A_6 {offsets = [0, 0], sizes = [24, 112], strides = [1, 1]} : vector<24x128xf32> to vector<24x112xf32>
    %concatenate3A_77 = tpu.concatenate %slice3A_75, %slice3A_76 in 1 : vector<24x16xf32>, vector<24x112xf32> -> vector<24x128xf32>
    %lt3A_78 = arith.constant 16 : i32
    %lt3A_79 = vector.broadcast %lt3A_78 : i32 to vector<24x128xi32>
    %lt3A_80 = arith.cmpi slt, %iota3A, %lt3A_79 : vector<24x128xi32>
    %select_n3A_81 = arith.select %lt3A_80, %concatenate3A_74, %concatenate3A_77 : vector<24x128xi1>, vector<24x128xf32>
    %slice3A_82 = vector.extract_strided_slice %select_n3A_81 {offsets = [0, 0], sizes = [16, 128], strides = [1, 1]} : vector<24x128xf32> to vector<16x128xf32>
    %stack3A = vector.shape_cast %slice3A_7 : vector<16x128xf32> to vector<16x1x128xf32>
    %stack3A_83 = vector.shape_cast %slice3A_16 : vector<16x128xf32> to vector<16x1x128xf32>
    %stack3A_84 = vector.shape_cast %slice3A_27 : vector<16x128xf32> to vector<16x1x128xf32>
    %stack3A_85 = vector.shape_cast %slice3A_38 : vector<16x128xf32> to vector<16x1x128xf32>
    %stack3A_86 = vector.shape_cast %slice3A_49 : vector<16x128xf32> to vector<16x1x128xf32>
    %stack3A_87 = vector.shape_cast %slice3A_60 : vector<16x128xf32> to vector<16x1x128xf32>
    %stack3A_88 = vector.shape_cast %slice3A_71 : vector<16x128xf32> to vector<16x1x128xf32>
    %stack3A_89 = vector.shape_cast %slice3A_82 : vector<16x128xf32> to vector<16x1x128xf32>
    %stack3A_90 = tpu.concatenate %stack3A, %stack3A_83, %stack3A_84, %stack3A_85, %stack3A_86, %stack3A_87, %stack3A_88, %stack3A_89 in 1 : vector<16x1x128xf32>, vector<16x1x128xf32>, vector<16x1x128xf32>, vector<16x1x128xf32>, vector<16x1x128xf32>, vector<16x1x128xf32>, vector<16x1x128xf32>, vector<16x1x128xf32> -> vector<16x8x128xf32>
    %reshape3A = vector.shape_cast %stack3A_90 : vector<16x8x128xf32> to vector<128x128xf32>
    %convert_element_type3A = arith.truncf %reshape3A : vector<128x128xf32> to vector<128x128xbf16>
    %get3A_91 = arith.constant 0 : index
    %get3A_92 = arith.constant 0 : index
    %get3A_93 = arith.constant 0 : index
    %get3A_94 = vector.load %arg3[%get3A_91, %get3A_92, %get3A_93] : memref<128x64x128xf32, #tpu.memory_space<vmem>>, vector<128x64x128xf32>
    %convert_element_type3A_95 = arith.truncf %get3A_94 : vector<128x64x128xf32> to vector<128x64x128xbf16>
    %dot_general3A = arith.constant dense<0.000000e+00> : vector<128x64xf32>
    %dot_general3A_96 = tpu.matmul %convert_element_type3A_95, %convert_element_type3A, %dot_general3A {dimension_numbers = #tpu.dot_dimension_numbers<[2], [1], [1], [], [0, 0, 0, 1], [0], [0]>, transpose_lhs_hint = false} : vector<128x64x128xbf16>, vector<128x128xbf16>, vector<128x64xf32> -> vector<128x64xf32>
    %transpose3A = tpu.transpose %dot_general3A_96, [1, 0] : vector<128x64xf32> -> vector<64x128xf32>
    %reduce_max3A = arith.constant dense<0xFF800000> : vector<128xf32>
    %reduce_max3A_97 = vector.multi_reduction <maximumf>, %transpose3A, %reduce_max3A [0] : vector<64x128xf32> to vector<128xf32>
    %broadcast_in_dim3A = vector.shape_cast %reduce_max3A_97 : vector<128xf32> to vector<1x128xf32>
    %eq3A = vector.broadcast %broadcast_in_dim3A : vector<1x128xf32> to vector<64x128xf32>
    %eq3A_98 = arith.cmpf oeq, %transpose3A, %eq3A : vector<64x128xf32>
    %jit3A = arith.constant 0xFF800000 : f32
    %broadcast_in_dim3A_99 = vector.broadcast %jit3A : f32 to vector<64x128xf32>
    %select_n3A_100 = arith.select %eq3A_98, %broadcast_in_dim3A_99, %transpose3A : vector<64x128xi1>, vector<64x128xf32>
    %reduce_max3A_101 = arith.constant dense<0xFF800000> : vector<128xf32>
    %reduce_max3A_102 = vector.multi_reduction <maximumf>, %select_n3A_100, %reduce_max3A_101 [0] : vector<64x128xf32> to vector<128xf32>
    %broadcast_in_dim3A_103 = vector.shape_cast %reduce_max3A_102 : vector<128xf32> to vector<1x128xf32>
    %eq3A_104 = vector.broadcast %broadcast_in_dim3A_103 : vector<1x128xf32> to vector<64x128xf32>
    %eq3A_105 = arith.cmpf oeq, %select_n3A_100, %eq3A_104 : vector<64x128xf32>
    %jit3A_106 = arith.constant 0xFF800000 : f32
    %broadcast_in_dim3A_107 = vector.broadcast %jit3A_106 : f32 to vector<64x128xf32>
    %select_n3A_108 = arith.select %eq3A_105, %broadcast_in_dim3A_107, %select_n3A_100 : vector<64x128xi1>, vector<64x128xf32>
    %reduce_max3A_109 = arith.constant dense<0xFF800000> : vector<128xf32>
    %reduce_max3A_110 = vector.multi_reduction <maximumf>, %select_n3A_108, %reduce_max3A_109 [0] : vector<64x128xf32> to vector<128xf32>
    %broadcast_in_dim3A_111 = vector.shape_cast %reduce_max3A_110 : vector<128xf32> to vector<1x128xf32>
    %eq3A_112 = vector.broadcast %broadcast_in_dim3A_111 : vector<1x128xf32> to vector<64x128xf32>
    %eq3A_113 = arith.cmpf oeq, %select_n3A_108, %eq3A_112 : vector<64x128xf32>
    %jit3A_114 = arith.constant 0xFF800000 : f32
    %broadcast_in_dim3A_115 = vector.broadcast %jit3A_114 : f32 to vector<64x128xf32>
    %select_n3A_116 = arith.select %eq3A_113, %broadcast_in_dim3A_115, %select_n3A_108 : vector<64x128xi1>, vector<64x128xf32>
    %reduce_max3A_117 = arith.constant dense<0xFF800000> : vector<128xf32>
    %reduce_max3A_118 = vector.multi_reduction <maximumf>, %select_n3A_116, %reduce_max3A_117 [0] : vector<64x128xf32> to vector<128xf32>
    %broadcast_in_dim3A_119 = vector.shape_cast %reduce_max3A_118 : vector<128xf32> to vector<1x128xf32>
    %eq3A_120 = vector.broadcast %broadcast_in_dim3A_119 : vector<1x128xf32> to vector<64x128xf32>
    %eq3A_121 = arith.cmpf oeq, %select_n3A_116, %eq3A_120 : vector<64x128xf32>
    %jit3A_122 = arith.constant 0xFF800000 : f32
    %broadcast_in_dim3A_123 = vector.broadcast %jit3A_122 : f32 to vector<64x128xf32>
    %select_n3A_124 = arith.select %eq3A_121, %broadcast_in_dim3A_123, %select_n3A_116 : vector<64x128xi1>, vector<64x128xf32>
    %reduce_max3A_125 = arith.constant dense<0xFF800000> : vector<128xf32>
    %reduce_max3A_126 = vector.multi_reduction <maximumf>, %select_n3A_124, %reduce_max3A_125 [0] : vector<64x128xf32> to vector<128xf32>
    %broadcast_in_dim3A_127 = vector.shape_cast %reduce_max3A_126 : vector<128xf32> to vector<1x128xf32>
    %eq3A_128 = vector.broadcast %broadcast_in_dim3A_127 : vector<1x128xf32> to vector<64x128xf32>
    %eq3A_129 = arith.cmpf oeq, %select_n3A_124, %eq3A_128 : vector<64x128xf32>
    %jit3A_130 = arith.constant 0xFF800000 : f32
    %broadcast_in_dim3A_131 = vector.broadcast %jit3A_130 : f32 to vector<64x128xf32>
    %select_n3A_132 = arith.select %eq3A_129, %broadcast_in_dim3A_131, %select_n3A_124 : vector<64x128xi1>, vector<64x128xf32>
    %reduce_max3A_133 = arith.constant dense<0xFF800000> : vector<128xf32>
    %reduce_max3A_134 = vector.multi_reduction <maximumf>, %select_n3A_132, %reduce_max3A_133 [0] : vector<64x128xf32> to vector<128xf32>
    %broadcast_in_dim3A_135 = vector.shape_cast %reduce_max3A_134 : vector<128xf32> to vector<1x128xf32>
    %eq3A_136 = vector.broadcast %broadcast_in_dim3A_135 : vector<1x128xf32> to vector<64x128xf32>
    %eq3A_137 = arith.cmpf oeq, %select_n3A_132, %eq3A_136 : vector<64x128xf32>
    %jit3A_138 = arith.constant 0xFF800000 : f32
    %broadcast_in_dim3A_139 = vector.broadcast %jit3A_138 : f32 to vector<64x128xf32>
    %select_n3A_140 = arith.select %eq3A_137, %broadcast_in_dim3A_139, %select_n3A_132 : vector<64x128xi1>, vector<64x128xf32>
    %reduce_max3A_141 = arith.constant dense<0xFF800000> : vector<128xf32>
    %reduce_max3A_142 = vector.multi_reduction <maximumf>, %select_n3A_140, %reduce_max3A_141 [0] : vector<64x128xf32> to vector<128xf32>
    %broadcast_in_dim3A_143 = vector.shape_cast %reduce_max3A_142 : vector<128xf32> to vector<1x128xf32>
    %eq3A_144 = vector.broadcast %broadcast_in_dim3A_143 : vector<1x128xf32> to vector<64x128xf32>
    %eq3A_145 = arith.cmpf oeq, %select_n3A_140, %eq3A_144 : vector<64x128xf32>
    %jit3A_146 = arith.constant 0xFF800000 : f32
    %broadcast_in_dim3A_147 = vector.broadcast %jit3A_146 : f32 to vector<64x128xf32>
    %select_n3A_148 = arith.select %eq3A_145, %broadcast_in_dim3A_147, %select_n3A_140 : vector<64x128xi1>, vector<64x128xf32>
    %reduce_max3A_149 = arith.constant dense<0xFF800000> : vector<128xf32>
    %reduce_max3A_150 = vector.multi_reduction <maximumf>, %select_n3A_148, %reduce_max3A_149 [0] : vector<64x128xf32> to vector<128xf32>
    %broadcast_in_dim3A_151 = vector.shape_cast %reduce_max3A_150 : vector<128xf32> to vector<1x128xf32>
    %ge3A = vector.broadcast %broadcast_in_dim3A_151 : vector<1x128xf32> to vector<64x128xf32>
    %ge3A_152 = arith.cmpf oge, %transpose3A, %ge3A : vector<64x128xf32>
    %broadcast_in_dim3A_153 = arith.constant 0.000000e+00 : f32
    %broadcast_in_dim3A_154 = vector.broadcast %broadcast_in_dim3A_153 : f32 to vector<64x128xf32>
    %select_n3A_155 = arith.select %ge3A_152, %transpose3A, %broadcast_in_dim3A_154 : vector<64x128xi1>, vector<64x128xf32>
    %transpose3A_156 = tpu.transpose %select_n3A_155, [1, 0] : vector<64x128xf32> -> vector<128x64xf32>
    %swap3A = arith.constant 0 : index
    %swap3A_157 = arith.constant 0 : index
    %swap3A_158 = vector.load %arg4[%swap3A, %swap3A_157] : memref<128x64xf32, #tpu.memory_space<vmem>>, vector<128x64xf32>
    tpu.vector_store %arg4[%swap3A, %swap3A_157], %transpose3A_156 {strides = array<i32>} : memref<128x64xf32, #tpu.memory_space<vmem>>, vector<128x64xf32>,
    return
  }
  func.func @transform_0(%arg0: i32) -> (i32, i32) {
    %c0_i32 = arith.constant 0 : i32
    %c0_i32_0 = arith.constant 0 : i32
    return %arg0, %c0_i32 : i32, i32
  }
  func.func @transform_1(%arg0: i32) -> (i32, i32) {
    %add3A = arith.constant 1 : i32
    %add3A_0 = arith.addi %arg0, %add3A : i32
    %mul3A = arith.constant 2 : i32
    %mul3A_1 = arith.muli %mul3A, %add3A_0 : i32
    %min3A = arith.constant 63 : i32
    %min3A_2 = arith.minsi %mul3A_1, %min3A : i32
    %c0_i32 = arith.constant 0 : i32
    %c0_i32_3 = arith.constant 0 : i32
    return %min3A_2, %c0_i32 : i32, i32
  }
  func.func @transform_2(%arg0: i32) -> (i32, i32, i32) {
    %c0_i32 = arith.constant 0 : i32
    %c0_i32_0 = arith.constant 0 : i32
    %c0_i32_1 = arith.constant 0 : i32
    return %arg0, %c0_i32, %c0_i32_0 : i32, i32, i32
  }
  func.func @transform_3(%arg0: i32) -> (i32, i32) {
    %c0_i32 = arith.constant 0 : i32
    %c0_i32_0 = arith.constant 0 : i32
    return %arg0, %c0_i32 : i32, i32
  }
}

</mosaic_0001>

<sc_bundles>
// kernel: kernel.4.cloned.1.call-start
scs
__scs_entry_jumppad:
0x0: {  	(pc) =	sbr.rel $0x88, $3  }
0x1: {  	(tag) =	ssettag $0x0;
	lr =	simm.s32 $0x1  }
0x2: {  	[smem:$0x3F9F] =	sst lr;
	_ =	strace $0xD0000000  }
0x3: {  	_ = 	snop  }
0x4: {  	_ = 	snop  }
0x5: {  	_ = 	snop  }
0x6: {  	_ = 	snop  }
0x7: {  	_ = 	snop  }
__scs_overlays_trampoline_lowered:
0x8: {  	[smem:$0x3FAE] =	sst s0  }
0x9: {  	[smem:$0x3FAF] =	sst s1  }
0xa: {  	[smem:$0x3FB0] =	sst s2  }
0xb: {  	[smem:$0x3FB1] =	sst s3  }
0xc: {  	[smem:$0x3FB2] =	sst s4  }
0xd: {  	[smem:$0x3FB3] =	sst s5  }
0xe: {  	[smem:$0x3FB4] =	sst s6  }
0xf: {  	[smem:$0x3FB5] =	sst s7  }
0x10: {  	[smem:$0x3FB6] =	sst s8  }
0x11: {  	[smem:$0x3FB7] =	sst s9;
	s0 =	simm.s32 @!p0 $0x0  }
0x12: {  	s1 =	sld [smem:$0x3F9D];
	s0 =	simm.s32 @p0 $0x1  }
0x13: {  	[smem:$0x3FB8] =	sst s0;
	s0 =	simm.s32 @!p1 $0x0  }
0x14: {  	s2 =	sld [smem:$0x3F9C];
	s0 =	simm.s32 @p1 $0x1  }
0x15: {  	[smem:$0x3FB9] =	sst s0;
	s0 =	simm.s32 @!p2 $0x0  }
0x16: {  	s3 =	sld [smem:$0x3FDB];
	s0 =	simm.s32 @p2 $0x1  }
0x17: {  	s4 =	simm.s32 $0x1BF5;
	[smem:$0x3FBB] =	sst s0  }
0x18: {  	s0 =	sld [smem:$0x3F9E];
	_ =	swait.ge [sflag:s4], $0x0  }
0x19: {  	s7 =	sld [smem:$0x3F9F]  }
0x1a: {  	s8 =	sadd.s32 $0xFFFFE003, lr  }
0x1b: {  	s9 =	sadd.s32 $0xFFFFFEF7, lr;
	s5 =	simm.s32 $0xFFFFFFFF;
	p2 =	slt.u32 s8, $0xFFFFF086  }
0x1c: {  	p1 =	slt.u32 s9, $0xF7A;
	s5 =	simm.s32 @!p2 $0x0  }
0x1d: {  	s5 =	simm.s32 @p1 $0x1;
	p0 =	seq.s32 s7, s2  }
0x1e: {  	s7 =	smul.u32 @!p0 $0xF7A, s2;
	p2 =	seq.s32 @!p0 s5, $0x0  }
0x1f: {  	s9 =	smul.u32 $0xF7A, s1;
	s8 =	simm.s32 @!p0 $0x1BF5;
	p2 =	por !p2, p0  }
0x20: {  	[sflag:s8] =	ssyncset.s32 @!p0 $0xFFFFF086;
	s6 =	sadd.s32 @!p0 s3, s7;
	s7 =	simm.s32 @!p0 $0x108  }
0x21: {  	s3 =	sadd.s32 s3, s9;
	s6 =	sadd.s32 @!p0 $0x88, s6;
	s7 =	simm.s32 @p2 $0x1082  }
0x22: {  	[simem:s7], [sflag:s8] =	dma.local @!p0 [hbm:s6], $0xF7A  }
0x23: {  	s9 =	sor.u32 $0xD0000000, s2;
	s6 =	simm.s32 $0x108;
	_ =	swait.ge @!p0 [sflag:s8], $0x0  }
0x24: {  	s3 =	sadd.s32 $0x88, s3;
	s6 =	simm.s32 @!p1 $0x1082;
	[sflag:s4] =	ssyncset.s32 $0xFFFFF086  }
0x25: {  	[simem:s6], [sflag:s4] =	dma.local [hbm:s3], $0xF7A  }
0x26: {  	[smem:$0x3F9F] =	sst s1;
	(tag) =	ssettag s2;
	_ =	strace s9  }
0x27: {  	s1 =	sld [smem:$0x3FAF]  }
0x28: {  	s2 =	sld [smem:$0x3FB0]  }
0x29: {  	s4 =	sld [smem:$0x3FB2]  }
0x2a: {  	p0 =	seq.s32 s5, $0x0;
	s5 =	sld [smem:$0x3FB3]  }
0x2b: {  	s6 =	sld [smem:$0x3FB4]  }
0x2c: {  	s7 =	sld [smem:$0x3FB5]  }
0x2d: {  	s3 =	simm.s32 $0x108;
	s8 =	sld [smem:$0x3FB6]  }
0x2e: {  	s3 =	simm.s32 @!p0 $0x1082;
	s9 =	sld [smem:$0x3FB7]  }
0x2f: {  	lr =	sadd.s32 s0, s3;
	s0 =	sld [smem:$0x3FAE]  }
0x30: {  	s3 =	sld [smem:$0x3FB1]  }
0x31: {  	[smem:$0x3FBA] =	sst s10  }
0x32: {  	s10 =	sld [smem:$0x3FB8];
	_ =	sdelay $0x3  }
0x33: {  	p0 =	seq.s32 s10, $0x1;
	s10 =	sld [smem:$0x3FBA];
	_ =	sdelay $0x3  }
0x34: {  	[smem:$0x3FBA] =	sst s10  }
0x35: {  	s10 =	sld [smem:$0x3FB9];
	_ =	sdelay $0x3  }
0x36: {  	p1 =	seq.s32 s10, $0x1;
	s10 =	sld [smem:$0x3FBA];
	_ =	sdelay $0x3  }
0x37: {  	[smem:$0x3FBA] =	sst s10  }
0x38: {  	s10 =	sld [smem:$0x3FBB]  }
0x39: {  	_ = 	snop;
	(pc) =	sbr.ind lr, $3  }
0x3a: {  	_ = 	snop  }
0x3b: {  	_ = 	snop  }
0x3c: {  	p2 =	seq.s32 s10, $0x1;
	s10 =	sld [smem:$0x3FBA]  }
0x3d: {  	_ =	shalt  }
0x3e: {  	_ =	shalt  }
0x3f: {  	_ =	shalt  }
0x40: {  	_ =	shalt  }
0x41: {  	_ =	shalt  }
0x42: {  	_ =	shalt  }
0x43: {  	_ =	shalt  }
0x44: {  	_ =	shalt  }
0x45: {  	_ =	shalt  }
0x46: {  	_ =	shalt  }
0x47: {  	_ =	shalt  }
0x48: {  	_ =	shalt  }
0x49: {  	_ =	shalt  }
0x4a: {  	_ =	shalt  }
0x4b: {  	_ =	shalt  }
0x4c: {  	_ =	shalt  }
0x4d: {  	_ =	shalt  }
0x4e: {  	_ =	shalt  }
0x4f: {  	_ =	shalt  }
0x50: {  	_ =	shalt  }
0x51: {  	_ =	shalt  }
0x52: {  	_ =	shalt  }
0x53: {  	_ =	shalt  }
0x54: {  	_ =	shalt  }
0x55: {  	_ =	shalt  }
0x56: {  	_ =	shalt  }
0x57: {  	_ =	shalt  }
0x58: {  	_ =	shalt  }
0x59: {  	_ =	shalt  }
0x5a: {  	_ =	shalt  }
0x5b: {  	_ =	shalt  }
0x5c: {  	_ =	shalt  }
0x5d: {  	_ =	shalt  }
0x5e: {  	_ =	shalt  }
0x5f: {  	_ =	shalt  }
0x60: {  	_ =	shalt  }
0x61: {  	_ =	shalt  }
0x62: {  	_ =	shalt  }
0x63: {  	_ =	shalt  }
0x64: {  	_ =	shalt  }
0x65: {  	_ =	shalt  }
0x66: {  	_ =	shalt  }
0x67: {  	_ =	shalt  }
0x68: {  	_ =	shalt  }
0x69: {  	_ =	shalt  }
0x6a: {  	_ =	shalt  }
0x6b: {  	_ =	shalt  }
0x6c: {  	_ =	shalt  }
0x6d: {  	_ =	shalt  }
0x6e: {  	_ =	shalt  }
0x6f: {  	_ =	shalt  }
0x70: {  	_ =	shalt  }
0x71: {  	_ =	shalt  }
0x72: {  	_ =	shalt  }
0x73: {  	_ =	shalt  }
0x74: {  	_ =	shalt  }
0x75: {  	_ =	shalt  }
0x76: {  	_ =	shalt  }
0x77: {  	_ =	shalt  }
0x78: {  	_ =	shalt  }
0x79: {  	_ =	shalt  }
0x7a: {  	_ =	shalt  }
0x7b: {  	_ =	shalt  }
0x7c: {  	_ =	shalt  }
0x7d: {  	_ =	shalt  }
0x7e: {  	_ =	shalt  }
0x7f: {  	_ =	shalt  }
0x80: {  	_ =	shalt  }
0x81: {  	_ =	shalt  }
0x82: {  	_ =	shalt  }
0x83: {  	_ =	shalt  }
0x84: {  	_ =	shalt  }
0x85: {  	_ =	shalt  }
0x86: {  	_ =	shalt  }
0x87: {  	_ =	shalt  }
.Lfunc_end0:
.L_simem_size_0:
called_computation_lowered:
.L_overlay_start_0:
0x88: {  	s2 =	sld [smem:$0x3FD9]  }
0x89: {  	s3 =	sld [smem:$0x3FFE];
	_ =	sdelay $0x1  }
0x8a: {  	s1 =	srdreg.scid  }
0x8b: {  	s0 =	sand.u32 $0x1, s1  }
0x8c: {  	s18 =	sshll.u32 s0, $0xA;
	s2 =	sadd.s32 s3, s2  }
0x8d: {  	s2 =	sadd.s32 s2, s18  }
0x8e: {  	[smem:$0x3FC6] =	sst s2  }
0x8f: {  	_ = 	snop  }
0x90: {  	s2 =	sld [smem:$0x3FC9]  }
0x91: {  	s19 =	sld [smem:$0x3FC8]  }
0x92: {  	s4 =	sld [smem:$0x3FD0];
	(tm) =	ssettm $0x1  }
0x93: {  	s5 =	sld [smem:$0x3FFB];
	_ =	sdelay $0x3  }
0x94: {  	_ =	strace s5  }
0x95: {  	s5 =	sld [smem:$0x3FFC];
	_ =	sdelay $0x3  }
0x96: {  	_ =	strace s5  }
0x97: {  	s5 =	sld [smem:$0x3FFD];
	_ =	sdelay $0x3  }
0x98: {  	_ =	strace s5  }
0x99: {  	_ =	strace $0x8FFFFFFF  }
0x9a: {  	s20 =	sld [smem:$0x3FDB];
	_ =	sdelay $0x1  }
0x9b: {  	s6 =	simm.s32 $_scs_section_size  }
0x9c: {  	s7 =	simm.s32 $_size__tile_overlayer_lowered;
	s8 =	simm.s32 $_tile_overlayer_lowered  }
0x9d: {  	s23 =	simm.s32 $0x1BFF;
	s22 =	sshll.u32 s8, $0x1;
	s5 =	sadd.s32 s6, s20  }
0x9e: {  	s9 =	simm.s32 $0x0;
	s21 =	sshll.u32 s7, $0x1;
	s7 =	sadd.s32 s22, s5  }
0x9f: {  	[timem:s9], [sflag:s23] =	dma.local [hbm:s7], s21  }
0xa0: {  	_ =	swait.ge [sflag:s23], s21  }
0xa1: {  	s6 =	ssub.s32 $0x0, s21;
	[sflag:s23] =	ssyncset.done $0x0  }
0xa2: {  	[sflag:s23] =	ssyncadd.s32 s6;
	_ =	sdelay $0x1  }
0xa3: {  	s24 =	simm.s32 $0x1B8B  }
0xa4: {  	_ =	swait.ge [sflag:s24], $0x1  }
0xa5: {  	[sflag:s24] =	ssyncset.done $0x0  }
0xa6: {  	s25 =	simm.s32 $0x1B8E;
	[sflag:s24] =	ssyncadd.s32 $0xFFFFFFFF  }
0xa7: {  	s26 =	simm.s32 $execute0_lowered;
	[smem:$0x3FD2] =	sst s25  }
0xa8: {  	s6 =	sshll.u32 s26, $0x1;
	_ =	strace $0x80000046;
	[dreg:$0x1] =	wrdreg $0xFFFFFFFF  }
0xa9: {  	s28 =	simm.s32 $_size_execute0_lowered;
	s5 =	sadd.s32 s5, s6;
	[dreg:$0x0] =	wrdreg $0x0  }
0xaa: {  	s6 =	sshll.u32 s28, $0x1;
	[dreg:$0x2] =	wrdreg s5  }
0xab: {  	[dreg:$0x3] =	wrdreg s6  }
0xac: {  	[dreg:$0x4] =	wrdreg $0xC0  }
0xad: {  	_ =	task [dreg:s9], $0x5FFFF  }
0xae: {  	[dreg:$0x1] =	wrdreg $0xFFFFFFFF  }
0xaf: {  	[dreg:$0x0] =	wrdreg $0x60  }
0xb0: {  	[dreg:$0x2] =	wrdreg s2  }
0xb1: {  	[dreg:$0x3] =	wrdreg s19  }
0xb2: {  	[dreg:$0x4] =	wrdreg s4  }
0xb3: {  	[dreg:$0x5] =	wrdreg $0x9  }
0xb4: {  	_ =	task.clear_ibuf [dreg:s9], $0x6FFFF;
	_ =	strace $0x90000046  }
0xb5: {  	s29 =	simm.s32 $0x9;
	_ =	strace $0x80000048  }
0xb6: {  	_ =	swait.ge [sflag:s29], $0x1  }
0xb7: {  	[sflag:s29] =	ssyncadd.s32 $0xFFFFFFFF  }
0xb8: {  	_ =	strace $0x90000048  }
0xb9: {  	_ =	sfence  }
0xba: {  	s30 =	sld [smem:$0x0];
	_ =	sdelay $0x2  }
0xbb: {  	s31 =	sshll.u32 s1, $0xD;
	s1 =	sshrl.u32 s1, $0x2  }
0xbc: {  	s3 =	sand.u32 $0x4000, s31;
	s1 =	sadd.s32 s1, s30  }
0xbd: {  	s0 =	sor.u32 s3, s0;
	s1 =	sshll.u32 s1, $0x11  }
0xbe: {  	s0 =	sor.u32 s1, s0  }
0xbf: {  	s0 =	sadd.s32 $0x8F2B, s0  }
0xc0: {  	[sflag:s0] =	ssyncadd.remote.s32 $0x1  }
0xc1: {  	_ =	sfence.sel $0xFFFF  }
0xc2: {  	[dreg:$0x0] =	wrdreg $0xFFFFFFFF;
	(pc) =	sbr.abs _section_cstart, $3  }
0xc3: {  	[dreg:$0x1] =	wrdreg $0xFFFFFFFF  }
0xc4: {  	_ =	task.clear_ibuf [dreg:s9], $0x2FFFF;
	_ =	strace $0x9FFFFFFF  }
0xc5: {  	(tm) =	ssettm $0x7FFFFFFF  }
tec
execute0_lowered:
.L_overlay_start_1:
0x0: {  	(tag) =	ssettag $0x1  }
0x1: {  	s5 =	rddreg [dreg:$0x0];
	s1 =	srdreg.scid  }
0x2: {  	s2 =	rddreg [dreg:$0x1];
	s0 =	stileid.u32  }
0x3: {  	s8 =	rddreg [dreg:$0x2];
	s12 =	simm.s32 $0x2180;
	s13 =	simm.s32 $0x2  }
0x4: {  	s14 =	simm.s32 $0x3;
	s15 =	simm.s32 $0x4180;
	s16 =	simm.s32 $0x4  }
0x5: {  	s17 =	simm.s32 $0x0;
	s4 =	sand.u32 $0x1, s1;
	s3 =	sshll.u32 s0, $0x5  }
0x6: {  	v0 =	vlaneseq.u32;
	s1 =	rddreg [dreg:$0x3];
	s6 =	sshll.u32 s4, $0x4;
	s7 =	ssub.s32 $0x2, s4  }
0x7: {  	v62 =	vmul.u32 $0x80, v0;
	s6 =	sor.u32 s6, s3;
	s3 =	simm.s32 $0x0;
	s29 =	sshrl.u32 s7, $0x1  }
0x8: {  	s9 =	smin.u32 s6, $0x1E8;
	[smem:$0x7FF] =	sst s3;
	s10 =	ssub.s32 s7, s29  }
0x9: {  	v0 =	vor.u32 $0x800, v62;
	s4 =	sor.u32 $0xE00, s9;
	_ =	strace $0x80000047;
	s11 =	sshll.u32 s9, $0x4;
	[tilespmem:$0x1FFC0] =	vst v62  }
0xa: {  	v1 =	vor.u32 $0x1000, v62;
	s7 =	sor.u32 $0xE02, s9;
	s9 =	smax.u32 s10, $0x1;
	s10 =	simm.s32 $0x1;
	[tilespmem:$0x1FFD0] =	vst v0  }
0xb: {  	v2 =	vor.u32 $0x1800, v62;
	[tilespmem:$0x1FFE0] =	vst v1;
	s30 =	sshll.u32 s4, $0x1;
	s31 =	sshll.u32 s4, $0xA;
	s8 =	sadd.s32 s8, s11  }
0xc: {  	[tilespmem:$0x1FFF0] =	vst v2;
	s11 =	simm.s32 $0x180;
	s5 =	sadd.s32 s5, s30;
	s6 =	sadd.s32 s2, s31  }
.LBB2_1:
0xd: {  	[tilespmem:s3], [sflag:$0x1] =	stream.linear.gather [hbm4b:s5+s3], $0x180, $0x38;
	[tilespmem:$0x4980] =	vst v63  }
0xe: {  	_ =	swait.ge [sflag:s10], $0x180  }
0xf: {  	[sflag:s10] =	ssyncset.done $0x0  }
0x10: {  	s18 =	simm.s32 $0x0;
	s19 =	simm.s32 $0x40;
	[sflag:s10] =	ssyncadd.s32 $0xFFFFFE80  }
.LBB2_2:
0x11: {  	p0 =	sne.s32 s19, $0x5C0;
	v4 =	vld [tilespmem:s18+$0x0];
	_ =	sdelay $0x4  }
0x12: {  	v5 =	vshrl.u32 v4, $0x10  }
.Ltmp0:
0x13: {  	v5 =	vand.u32 $0x1, v5;
	(pc) =	sbr.rel @p0 .LBB2_2-.Ltmp0, $4  }
0x14: {  	v4 =	vadd.s32 v5, v4  }
0x15: {  	v4 =	vadd.s32 $0x7FFF, v4  }
0x16: {  	v4 =	vand.u32 $0xFFFF0000, v4  }
0x17: {  	[tilespmem:s18+$0x0] =	vst v4;
	s18 =	sshra.s32 s19, $0x2;
	s19 =	sadd.s32 $0x40, s19  }
0x18: {  	v4 =	vld [tilespmem:s18+$0x0];
	_ =	sdelay $0x4  }
0x19: {  	v5 =	vshrl.u32 v4, $0x10  }
0x1a: {  	v5 =	vand.u32 $0x1, v5  }
0x1b: {  	v4 =	vadd.s32 v5, v4  }
0x1c: {  	v4 =	vadd.s32 $0x7FFF, v4  }
0x1d: {  	v4 =	vand.u32 $0xFFFF0000, v4  }
0x1e: {  	[tilespmem:s18+$0x0] =	vst v4;
	s18 =	simm.s32 $0x0  }
0x1f: {  	[tilespmem:s11], [sflag:$0x2] =	stream.linear.gather [hbm4b:s6+s18], $0x2000, $0x38;
	[tilespmem:$0x4980] =	vst v63  }
.LBB2_4:
0x20: {  	s19 =	sshllo.u32 s18, $0x1  }
0x21: {  	s20 =	sadd.s32 s4, s19  }
0x22: {  	s21 =	simm.s32 $0x7;
	s20 =	sshll.u32 s20, $0xA  }
0x23: {  	v4 =	vor.u32 s21, v62;
	s20 =	sadd.s32 s2, s20  }
0x24: {  	v5 =	vor.u32 s21, v0;
	[tilespmem:s12], [sflag:$0x3] =	stream.linear.gather [hbm4b:s20+s3], $0x2000, $0x38;
	[tilespmem:$0x4980] =	vst v63  }
0x25: {  	v6 =	vor.u32 s21, v1;
	_ =	swait.ge [sflag:s13], $0x2000  }
0x26: {  	s26 =	simm.s32 $0x5;
	v7 =	vor.u32 s21, v2;
	[sflag:s13] =	ssyncset.done $0x0  }
0x27: {  	v8 =	vor.u32 s26, v62;
	[sflag:s13] =	ssyncadd.s32 $0xFFFFE000  }
0x28: {  	s22 =	simm.s32 $0x3;
	v9 =	vor.u32 s26, v0;
	v10 =	vld.idx.msk [tilespmem:v4+s11+$0x0], $0xffff  }
0x29: {  	v12 =	vor.u32 s22, v62;
	v11 =	vld.idx.msk [tilespmem:v5+s11+$0x0], $0xffff  }
0x2a: {  	v13 =	vor.u32 s22, v0;
	v6 =	vld.idx.msk [tilespmem:v6+s11+$0x0], $0xffff  }
0x2b: {  	v14 =	vor.u32 s22, v1;
	v7 =	vld.idx.msk [tilespmem:v7+s11+$0x0], $0xffff  }
0x2c: {  	s23 =	simm.s32 $0x1;
	v15 =	vor.u32 s22, v2;
	v8 =	vld.idx.msk [tilespmem:v8+s11+$0x0], $0xffff  }
0x2d: {  	v17 =	vor.u32 s23, v62;
	v9 =	vld.idx.msk [tilespmem:v9+s11+$0x0], $0xffff  }
0x2e: {  	v19 =	vor.u32 s23, v0;
	v12 =	vld.idx.msk [tilespmem:v12+s11+$0x0], $0xffff  }
0x2f: {  	v20 =	vor.u32 s23, v1;
	v13 =	vld.idx.msk [tilespmem:v13+s11+$0x0], $0xffff  }
0x30: {  	s30 =	simm.s32 $0x2;
	v21 =	vor.u32 s23, v2;
	v14 =	vld.idx.msk [tilespmem:v14+s11+$0x0], $0xffff  }
0x31: {  	v56 =	vor.u32 s30, v1;
	v15 =	vld.idx.msk [tilespmem:v15+s11+$0x0], $0xffff  }
0x32: {  	v17 =	vld.idx.msk [tilespmem:v17+s11+$0x0], $0xffff  }
0x33: {  	s24 =	sshll.u32 s18, $0x5;
	v19 =	vld.idx.msk [tilespmem:v19+s11+$0x0], $0xffff  }
0x34: {  	v63 =	vimm.f32 $0.0e+00;
	v3 =	vmov s24;
	v20 =	vld.idx.msk [tilespmem:v20+s11+$0x0], $0xffff  }
0x35: {  	v22 =	vadd.s32 s21, v3;
	v23 =	vadd.s32 s23, v3;
	v24 =	vadd.s32 s22, v3;
	v21 =	vld.idx.msk [tilespmem:v21+s11+$0x0], $0xffff  }
0x36: {  	v25 =	vadd.s32 s26, v3;
	v4 =	vor.u32 s26, v1;
	v5 =	vor.u32 s26, v2;
	v45 =	vld.idx.msk [tilespmem:v56+s11+$0x0], $0xffff  }
0x37: {  	v26 =	vshrl.u32 v10, $0x10;
	v27 =	vshrl.u32 v11, $0x10;
	v28 =	vshrl.u32 v6, $0x10  }
0x38: {  	v29 =	vshrl.u32 v7, $0x10;
	v30 =	vshrl.u32 v8, $0x10;
	v31 =	vshrl.u32 v9, $0x10  }
0x39: {  	v34 =	vshrl.u32 v12, $0x10;
	v35 =	vshrl.u32 v13, $0x10;
	v36 =	vshrl.u32 v14, $0x10  }
0x3a: {  	v37 =	vshrl.u32 v17, $0x10;
	v38 =	vshrl.u32 v19, $0x10;
	v39 =	vshrl.u32 v15, $0x10  }
0x3b: {  	v40 =	vshrl.u32 v20, $0x10;
	v41 =	vshrl.u32 v21, $0x10;
	v56 =	vshrl.u32 v45, $0x10  }
0x3c: {  	v26 =	vand.u32 $0x1, v26;
	v27 =	vand.u32 $0x1, v27;
	v28 =	vand.u32 $0x1, v28  }
0x3d: {  	v29 =	vand.u32 $0x1, v29;
	v47 =	vand.u32 $0x1, v37;
	v48 =	vand.u32 $0x1, v36  }
0x3e: {  	v49 =	vand.u32 $0x1, v39;
	v50 =	vand.u32 $0x1, v38;
	v51 =	vand.u32 $0x1, v40  }
0x3f: {  	v52 =	vand.u32 $0x1, v41;
	v56 =	vand.u32 $0x1, v56;
	v10 =	vadd.s32 v26, v10  }
0x40: {  	v11 =	vadd.s32 v27, v11;
	v6 =	vadd.s32 v28, v6;
	v7 =	vadd.s32 v29, v7  }
0x41: {  	v26 =	vand.u32 $0x1, v30;
	v27 =	vand.u32 $0x1, v31;
	v29 =	vand.u32 $0x1, v34  }
0x42: {  	v30 =	vand.u32 $0x1, v35;
	v14 =	vadd.s32 v48, v14;
	v17 =	vadd.s32 v47, v17  }
0x43: {  	v19 =	vadd.s32 v50, v19;
	v20 =	vadd.s32 v51, v20;
	v21 =	vadd.s32 v52, v21  }
0x44: {  	v16 =	vld.idx.msk [tilespmem:v4+s11+$0x0], $0xffff;
	v34 =	vadd.s32 s30, v3;
	v53 =	vadd.s32 $0x7FFF, v10;
	v11 =	vadd.s32 $0x7FFF, v11  }
0x45: {  	v18 =	vld.idx.msk [tilespmem:v5+s11+$0x0], $0xffff;
	v54 =	vadd.s32 $0x7FFF, v6;
	v26 =	vadd.s32 v26, v8;
	v27 =	vadd.s32 v27, v9  }
0x46: {  	s28 =	simm.s32 $0x6;
	v9 =	vadd.s32 $0x7FFF, v7;
	v12 =	vadd.s32 v29, v12;
	v13 =	vadd.s32 v30, v13;
	v6 =	vld.idx.msk [tilespmem:v22+s3+$0x0], $0xffff  }
0x47: {  	s29 =	simm.s32 $0x4;
	v29 =	vadd.s32 v49, v15;
	v30 =	vor.u32 s28, v0;
	v22 =	vor.u32 s28, v1;
	v10 =	vld.idx.msk [tilespmem:v24+s3+$0x0], $0xffff  }
0x48: {  	v24 =	vor.u32 s28, v2;
	v15 =	vld.idx.msk [tilespmem:v23+s3+$0x0], $0xffff;
	v23 =	vor.u32 s29, v0;
	v14 =	vadd.s32 $0x7FFF, v14  }
0x49: {  	v17 =	vadd.s32 $0x7FFF, v17;
	v55 =	vadd.s32 $0x7FFF, v20;
	v57 =	vadd.s32 $0x7FFF, v21  }
0x4a: {  	v7 =	vld.idx.msk [tilespmem:v25+s3+$0x0], $0xffff;
	v25 =	vand.u32 $0xFFFF0000, v53;
	v11 =	vand.u32 $0xFFFF0000, v11;
	v8 =	vand.u32 $0xFFFF0000, v54  }
0x4b: {  	v26 =	vadd.s32 $0x7FFF, v26;
	v9 =	vand.u32 $0xFFFF0000, v9;
	v27 =	vadd.s32 $0x7FFF, v27  }
0x4c: {  	v12 =	vadd.s32 $0x7FFF, v12;
	v13 =	vadd.s32 $0x7FFF, v13;
	v32 =	vshrl.u32 v16, $0x10  }
0x4d: {  	v29 =	vadd.s32 $0x7FFF, v29;
	v33 =	vshrl.u32 v18, $0x10;
	v28 =	vand.u32 $0x1, v32  }
0x4e: {  	v31 =	vand.u32 $0x1, v33;
	v16 =	vadd.s32 v28, v16;
	v28 =	vor.u32 s28, v62  }
0x4f: {  	v53 =	vadd.s32 s29, v3;
	v18 =	vadd.s32 v31, v18;
	v31 =	vor.u32 s29, v62;
	v36 =	vld.idx.msk [tilespmem:v30+s11+$0x0], $0xffff  }
0x50: {  	s31 =	simm.s32 $0x0;
	v27 =	vand.u32 $0xFFFF0000, v27;
	v12 =	vand.u32 $0xFFFF0000, v12;
	v30 =	vor.u32 s29, v2;
	v37 =	vld.idx.msk [tilespmem:v22+s11+$0x0], $0xffff  }
0x51: {  	v13 =	vand.u32 $0xFFFF0000, v13;
	v33 =	vadd.s32 s31, v3;
	v22 =	vor.u32 s30, v62;
	v38 =	vld.idx.msk [tilespmem:v24+s11+$0x0], $0xffff  }
0x52: {  	v16 =	vadd.s32 $0x7FFF, v16;
	v18 =	vadd.s32 $0x7FFF, v18;
	v24 =	vor.u32 s30, v0;
	v40 =	vld.idx.msk [tilespmem:v23+s11+$0x0], $0xffff  }
0x53: {  	v23 =	vor.u32 s30, v2;
	v20 =	vmul.f32 v11, v6;
	v11 =	vor.u32 s31, v0;
	v35 =	vld.idx.msk [tilespmem:v28+s11+$0x0], $0xffff  }
0x54: {  	v21 =	vand.u32 $0xFFFF0000, v16;
	v16 =	vor.u32 s31, v1;
	v28 =	vor.u32 s29, v1;
	v39 =	vld.idx.msk [tilespmem:v31+s11+$0x0], $0xffff  }
0x55: {  	v31 =	vadd.s32 $0x7FFF, v19;
	v19 =	vmul.f32 v25, v6;
	v25 =	vand.u32 $0xFFFF0000, v14;
	v42 =	vld.idx.msk [tilespmem:v30+s11+$0x0], $0xffff  }
0x56: {  	v14 =	vand.u32 $0xFFFF0000, v17;
	v30 =	vand.u32 $0xFFFF0000, v26;
	v43 =	vld.idx.msk [tilespmem:v22+s11+$0x0], $0xffff;
	v22 =	vand.u32 $0xFFFF0000, v18  }
0x57: {  	v18 =	vor.u32 s31, v2;
	v17 =	vand.u32 $0xFFFF0000, v31;
	v26 =	vand.u32 $0xFFFF0000, v29  }
0x58: {  	v44 =	vld.idx.msk [tilespmem:v24+s11+$0x0], $0xffff;
	v29 =	vand.u32 $0xFFFF0000, v55;
	v24 =	vmul.f32 v27, v7;
	v27 =	vmul.f32 v12, v10  }
0x59: {  	v46 =	vld.idx.msk [tilespmem:v23+s11+$0x0], $0xffff;
	v31 =	vmul.f32 v14, v15;
	v49 =	vshrl.u32 v40, $0x10;
	v50 =	vshrl.u32 v38, $0x10  }
0x5a: {  	v11 =	vld.idx.msk [tilespmem:v11+s11+$0x0], $0xffff;
	v23 =	vmul.f32 v30, v7;
	v32 =	vmul.f32 v17, v15;
	v17 =	vshrl.u32 v36, $0x10  }
0x5b: {  	v30 =	vand.u32 $0xFFFF0000, v57;
	v12 =	vld.idx.msk [tilespmem:v16+s11+$0x0], $0xffff;
	v50 =	vand.u32 $0x1, v50;
	v17 =	vand.u32 $0x1, v17  }
0x5c: {  	v49 =	vand.u32 $0x1, v49;
	v17 =	vadd.s32 v17, v36;
	v41 =	vld.idx.msk [tilespmem:v28+s11+$0x0], $0xffff;
	v28 =	vor.u32 s31, v62  }
0x5d: {  	v16 =	vshrl.u32 v35, $0x10;
	v48 =	vshrl.u32 v39, $0x10;
	v14 =	vld.idx.msk [tilespmem:v18+s11+$0x0], $0xffff;
	v18 =	vshrl.u32 v37, $0x10  }
0x5e: {  	v51 =	vshrl.u32 v43, $0x10;
	v54 =	vshrl.u32 v42, $0x10;
	v55 =	vshrl.u32 v44, $0x10  }
0x5f: {  	v57 =	vshrl.u32 v46, $0x10;
	v59 =	vshrl.u32 v11, $0x10;
	v16 =	vand.u32 $0x1, v16  }
0x60: {  	v48 =	vand.u32 $0x1, v48;
	v60 =	vshrl.u32 v12, $0x10;
	v18 =	vand.u32 $0x1, v18  }
0x61: {  	v54 =	vand.u32 $0x1, v54;
	v51 =	vand.u32 $0x1, v51;
	v55 =	vand.u32 $0x1, v55  }
0x62: {  	v59 =	vand.u32 $0x1, v59;
	v57 =	vand.u32 $0x1, v57;
	v16 =	vadd.s32 v16, v35  }
0x63: {  	v35 =	vadd.s32 v50, v38;
	v36 =	vadd.s32 v48, v39;
	v60 =	vand.u32 $0x1, v60  }
0x64: {  	v18 =	vadd.s32 v18, v37;
	v37 =	vadd.s32 v49, v40;
	v39 =	vadd.s32 v51, v43  }
0x65: {  	v43 =	vadd.s32 v55, v44;
	v42 =	vadd.s32 v54, v42;
	v44 =	vadd.s32 v56, v45  }
0x66: {  	v11 =	vadd.s32 v59, v11;
	v48 =	vadd.s32 $0x7FFF, v16;
	v49 =	vadd.s32 $0x7FFF, v17  }
0x67: {  	v50 =	vadd.s32 $0x7FFF, v36;
	v51 =	vadd.s32 $0x7FFF, v35;
	v16 =	vimm.f32 $0.0e+00  }
0x68: {  	v17 =	vimm.f32 $0.0e+00;
	v12 =	vadd.s32 v60, v12;
	v40 =	vadd.s32 $0x7FFF, v37;
	v47 =	vld.idx.msk [tilespmem:v28+s11+$0x0], $0xffff  }
0x69: {  	v39 =	vadd.s32 $0x7FFF, v39;
	v28 =	vmul.f32 v13, v10;
	v13 =	vadd.s32 s28, v3  }
0x6a: {  	v43 =	vadd.s32 $0x7FFF, v43;
	v52 =	vshrl.u32 v41, $0x10;
	v61 =	vshrl.u32 v14, $0x10  }
0x6b: {  	v44 =	vadd.s32 $0x7FFF, v44;
	v52 =	vand.u32 $0x1, v52;
	v61 =	vand.u32 $0x1, v61  }
0x6c: {  	v38 =	vadd.s32 v52, v41;
	v41 =	vadd.s32 $0x7FFF, v18;
	v18 =	vimm.f32 $0.0e+00  }
0x6d: {  	[tilespmem:$0x1FFB0] =	vst v3;
	v45 =	vadd.s32 $0x7FFF, v38;
	v38 =	vadd.s32 $0x7FFF, v12;
	v58 =	vshrl.u32 v47, $0x10  }
0x6e: {  	v12 =	vimm.f32 $0.0e+00;
	v35 =	vld.idx.msk [tilespmem:v13+s3+$0x0], $0xffff;
	v13 =	vimm.f32 $0.0e+00;
	v58 =	vand.u32 $0x1, v58  }
0x6f: {  	v52 =	vadd.s32 v58, v47;
	v58 =	vadd.s32 v57, v46;
	v47 =	vadd.s32 v61, v14  }
0x70: {  	v5 =	vmovc v0;
	v46 =	vadd.s32 $0x7FFF, v42;
	v42 =	vadd.s32 $0x7FFF, v11;
	v11 =	vimm.f32 $0.0e+00  }
0x71: {  	s21 =	simm.s32 $0xF;
	s20 =	sshll.u32 s18, $0x1;
	v54 =	vmovc v1;
	v55 =	vmovc v2;
	v36 =	vld.idx.msk [tilespmem:v53+s3+$0x0], $0xffff;
	v14 =	vimm.f32 $0.0e+00;
	v37 =	vadd.s32 $0x7FFF, v58;
	v52 =	vadd.s32 $0x7FFF, v52  }
.LBB2_5:
0x72: {  	v47 =	vadd.s32 $0x7FFF, v47;
	v48 =	vand.u32 $0xFFFF0000, v48;
	v49 =	vand.u32 $0xFFFF0000, v49  }
0x73: {  	v50 =	vand.u32 $0xFFFF0000, v50;
	v41 =	vand.u32 $0xFFFF0000, v41;
	v51 =	vand.u32 $0xFFFF0000, v51  }
0x74: {  	v40 =	vand.u32 $0xFFFF0000, v40;
	v45 =	vand.u32 $0xFFFF0000, v45;
	v46 =	vand.u32 $0xFFFF0000, v46  }
0x75: {  	v39 =	vand.u32 $0xFFFF0000, v39;
	v43 =	vand.u32 $0xFFFF0000, v43;
	v44 =	vand.u32 $0xFFFF0000, v44  }
0x76: {  	v52 =	vand.u32 $0xFFFF0000, v52;
	v42 =	vand.u32 $0xFFFF0000, v42;
	v38 =	vand.u32 $0xFFFF0000, v38  }
0x77: {  	v37 =	vand.u32 $0xFFFF0000, v37;
	v29 =	vmul.f32 v29, v15;
	v15 =	vmul.f32 v30, v15  }
0x78: {  	v14 =	vadd.f32 v32, v14;
	v25 =	vmul.f32 v25, v10;
	v10 =	vmul.f32 v26, v10  }
0x79: {  	v8 =	vmul.f32 v8, v6;
	v6 =	vmul.f32 v9, v6;
	s24 =	sadd.s32 $0xFFFFFFFA, s21;
	v47 =	vand.u32 $0xFFFF0000, v47  }
0x7a: {  	v34 =	vld.idx.msk [tilespmem:v34+s3+$0x0], $0xffff;
	v26 =	vor.u32 s24, v5;
	v13 =	vadd.f32 v15, v13;
	v15 =	vmul.f32 v21, v7  }
0x7b: {  	v33 =	vld.idx.msk [tilespmem:v33+s3+$0x0], $0xffff;
	s23 =	sadd.s32 $0xFFFFFFFC, s21;
	v14 =	vadd.f32 v28, v14;
	v7 =	vmul.f32 v22, v7;
	v48 =	vmul.f32 v48, v35  }
0x7c: {  	v22 =	vor.u32 s23, v5;
	v49 =	vmul.f32 v49, v35;
	v50 =	vmul.f32 v50, v36  }
0x7d: {  	v28 =	vor.u32 s24, v55;
	v40 =	vmul.f32 v40, v36;
	v2 =	vmul.f32 v45, v36  }
0x7e: {  	v45 =	vmul.f32 v51, v35;
	v11 =	vadd.f32 v31, v11;
	v12 =	vadd.f32 v29, v12  }
0x7f: {  	v10 =	vadd.f32 v10, v13;
	v13 =	vadd.f32 v24, v14;
	v39 =	vmul.f32 v39, v34  }
0x80: {  	v9 =	vor.u32 s21, v62;
	v43 =	vmul.f32 v43, v34;
	v52 =	vmul.f32 v52, v33  }
0x81: {  	v21 =	vor.u32 s23, v62;
	v42 =	vmul.f32 v42, v33;
	v38 =	vmul.f32 v38, v33  }
0x82: {  	v24 =	vor.u32 s23, v55;
	v33 =	vmul.f32 v47, v33;
	v0 =	vmul.f32 v44, v34  }
0x83: {  	v1 =	vmul.f32 v37, v34;
	v11 =	vadd.f32 v27, v11;
	v12 =	vadd.f32 v25, v12  }
0x84: {  	s22 =	sadd.s32 $0xFFFFFFFE, s21;
	v44 =	vmul.f32 v41, v35;
	v7 =	vadd.f32 v7, v10;
	v14 =	vadd.f32 v20, v13;
	v26 =	vld.idx.msk [tilespmem:v26+s11+$0x0], $0xffff  }
0x85: {  	v10 =	vor.u32 s21, v5;
	v20 =	vor.u32 s22, v55;
	v4 =	vadd.f32 v52, v63;
	v22 =	vld.idx.msk [tilespmem:v22+s11+$0x0], $0xffff  }
0x86: {  	v25 =	vor.u32 s24, v62;
	v16 =	vadd.f32 v42, v16;
	v17 =	vadd.f32 v38, v17;
	v28 =	vld.idx.msk [tilespmem:v28+s11+$0x0], $0xffff  }
0x87: {  	v27 =	vor.u32 s24, v54;
	v18 =	vadd.f32 v33, v18;
	v11 =	vadd.f32 v23, v11;
	v9 =	vld.idx.msk [tilespmem:v9+s11+$0x0], $0xffff  }
0x88: {  	v12 =	vadd.f32 v15, v12;
	v13 =	vadd.f32 v6, v7;
	v6 =	vor.u32 s21, v54;
	v21 =	vld.idx.msk [tilespmem:v21+s11+$0x0], $0xffff  }
0x89: {  	v7 =	vor.u32 s21, v55;
	v15 =	vor.u32 s22, v5;
	v4 =	vadd.f32 v39, v4;
	v24 =	vld.idx.msk [tilespmem:v24+s11+$0x0], $0xffff  }
0x8a: {  	v23 =	vor.u32 s23, v54;
	v16 =	vadd.f32 v43, v16;
	v17 =	vadd.f32 v0, v17;
	v10 =	vld.idx.msk [tilespmem:v10+s11+$0x0], $0xffff  }
0x8b: {  	v18 =	vadd.f32 v1, v18;
	v43 =	vmul.f32 v46, v36;
	v46 =	vadd.f32 v19, v11;
	v20 =	vld.idx.msk [tilespmem:v20+s11+$0x0], $0xffff  }
0x8c: {  	v47 =	vadd.f32 v8, v12;
	v8 =	vor.u32 s22, v62;
	v4 =	vadd.f32 v50, v4;
	v25 =	vld.idx.msk [tilespmem:v25+s11+$0x0], $0xffff  }
0x8d: {  	v19 =	vor.u32 s22, v54;
	v16 =	vadd.f32 v40, v16;
	v17 =	vadd.f32 v2, v17;
	v27 =	vld.idx.msk [tilespmem:v27+s11+$0x0], $0xffff  }
0x8e: {  	v18 =	vadd.f32 v43, v18;
	v61 =	vshrl.u32 v26, $0x10;
	v58 =	vshrl.u32 v22, $0x10;
	v6 =	vld.idx.msk [tilespmem:v6+s11+$0x0], $0xffff  }
0x8f: {  	v2 =	vshrl.u32 v28, $0x10;
	v0 =	vadd.f32 v48, v4;
	v16 =	vadd.f32 v49, v16;
	v7 =	vld.idx.msk [tilespmem:v7+s11+$0x0], $0xffff  }
0x90: {  	v61 =	vand.u32 $0x1, v61;
	v17 =	vadd.f32 v44, v17;
	v18 =	vadd.f32 v45, v18;
	v15 =	vld.idx.msk [tilespmem:v15+s11+$0x0], $0xffff  }
0x91: {  	v23 =	vld.idx.msk [tilespmem:v23+s11+$0x0], $0xffff;
	v26 =	vadd.s32 v61, v26;
	v48 =	vshrl.u32 v9, $0x10;
	v57 =	vshrl.u32 v21, $0x10  }
0x92: {  	v63 =	vshrl.u32 v24, $0x10;
	v26 =	vadd.s32 $0x7FFF, v26;
	v33 =	vand.u32 $0x1, v48  }
0x93: {  	v8 =	vld.idx.msk [tilespmem:v8+s11+$0x0], $0xffff;
	v49 =	vshrl.u32 v10, $0x10;
	v40 =	vshrl.u32 v20, $0x10;
	v60 =	vshrl.u32 v25, $0x10  }
0x94: {  	[tilespmem:$0x1FF80] =	vst v0;
	v0 =	vld [tilespmem:$0x1FFB0];
	v1 =	vshrl.u32 v27, $0x10;
	v9 =	vadd.s32 v33, v9;
	v34 =	vand.u32 $0x1, v49  }
0x95: {  	v19 =	vld.idx.msk [tilespmem:v19+s11+$0x0], $0xffff;
	v9 =	vadd.s32 $0x7FFF, v9;
	v50 =	vshrl.u32 v6, $0x10;
	v51 =	vshrl.u32 v7, $0x10  }
0x96: {  	v53 =	vshrl.u32 v15, $0x10;
	v59 =	vshrl.u32 v23, $0x10;
	v10 =	vadd.s32 v34, v10  }
0x97: {  	v35 =	vand.u32 $0x1, v50;
	v36 =	vand.u32 $0x1, v51;
	v51 =	vand.u32 $0x1, v53  }
0x98: {  	v53 =	vand.u32 $0x1, v57;
	v57 =	vand.u32 $0x1, v40;
	v59 =	vand.u32 $0x1, v59  }
0x99: {  	v29 =	vadd.s32 s21, v0;
	v30 =	vadd.s32 s24, v0;
	v31 =	vadd.s32 s23, v0  }
0x9a: {  	v32 =	vadd.s32 s22, v0;
	v52 =	vshrl.u32 v8, $0x10;
	v56 =	vshrl.u32 v19, $0x10  }
0x9b: {  	v6 =	vadd.s32 v35, v6;
	v7 =	vadd.s32 v36, v7;
	v34 =	vadd.s32 v51, v15  }
0x9c: {  	s29 =	sadd.s32 $0xFFFFFFFF, s21;
	s30 =	sadd.s32 $0xFFFFFFFD, s21;
	v21 =	vadd.s32 v53, v21;
	v20 =	vadd.s32 v57, v20;
	v23 =	vadd.s32 v59, v23  }
0x9d: {  	v51 =	vor.u32 s29, v5;
	v57 =	vor.u32 s30, v54;
	v50 =	vand.u32 $0x1, v52  }
0x9e: {  	v52 =	vand.u32 $0x1, v56;
	v56 =	vand.u32 $0x1, v58;
	v58 =	vand.u32 $0x1, v60  }
0x9f: {  	v60 =	vand.u32 $0x1, v63;
	v63 =	vand.u32 $0x1, v1;
	v1 =	vand.u32 $0x1, v2  }
0xa0: {  	v2 =	vadd.s32 $0x7FFF, v10;
	v48 =	vadd.s32 $0x7FFF, v6;
	v49 =	vadd.s32 $0x7FFF, v7  }
0xa1: {  	v34 =	vadd.s32 $0x7FFF, v34;
	v59 =	vadd.s32 $0x7FFF, v21;
	v21 =	vor.u32 s30, v55  }
0xa2: {  	v23 =	vadd.s32 $0x7FFF, v23;
	v33 =	vadd.s32 v50, v8;
	v19 =	vadd.s32 v52, v19  }
0xa3: {  	v22 =	vadd.s32 v56, v22;
	v50 =	vor.u32 s29, v62;
	v25 =	vadd.s32 v58, v25;
	v6 =	vld.idx.msk [tilespmem:v29+s3+$0x0], $0xffff  }
0xa4: {  	v24 =	vadd.s32 v60, v24;
	v27 =	vadd.s32 v63, v27;
	v28 =	vadd.s32 v1, v28;
	v7 =	vld.idx.msk [tilespmem:v32+s3+$0x0], $0xffff  }
0xa5: {  	s25 =	sadd.s32 $0xFFFFFFF9, s21;
	v52 =	vand.u32 $0xFFFF0000, v9;
	v53 =	vand.u32 $0xFFFF0000, v2;
	v56 =	vor.u32 s30, v5;
	v10 =	vld.idx.msk [tilespmem:v31+s3+$0x0], $0xffff  }
0xa6: {  	v11 =	vand.u32 $0xFFFF0000, v48;
	v12 =	vand.u32 $0xFFFF0000, v49;
	v1 =	vor.u32 s25, v5;
	v15 =	vld.idx.msk [tilespmem:v30+s3+$0x0], $0xffff  }
0xa7: {  	s31 =	sadd.s32 $0xFFFFFFFB, s21;
	v60 =	vadd.s32 $0x7FFF, v20;
	v63 =	vor.u32 s25, v62;
	v2 =	vor.u32 s25, v54;
	v39 =	vld.idx.msk [tilespmem:v57+s11+$0x0], $0xffff  }
0xa8: {  	[tilespmem:$0x1FFA0] =	vst v47;
	v34 =	vand.u32 $0xFFFF0000, v34;
	v61 =	vadd.s32 $0x7FFF, v22;
	v22 =	vor.u32 s31, v5;
	v47 =	vld.idx.msk [tilespmem:v21+s11+$0x0], $0xffff  }
0xa9: {  	v41 =	vand.u32 $0xFFFF0000, v59;
	v8 =	vadd.s32 s29, v0;
	v29 =	vor.u32 s29, v54;
	v35 =	vld.idx.msk [tilespmem:v50+s11+$0x0], $0xffff  }
0xaa: {  	v9 =	vadd.s32 s30, v0;
	v33 =	vadd.s32 $0x7FFF, v33;
	v31 =	vor.u32 s29, v55;
	v38 =	vld.idx.msk [tilespmem:v56+s11+$0x0], $0xffff  }
0xab: {  	v58 =	vadd.s32 $0x7FFF, v19;
	v24 =	vadd.s32 $0x7FFF, v24;
	v30 =	vor.u32 s30, v62;
	v37 =	vld.idx.msk [tilespmem:v1+s11+$0x0], $0xffff  }
0xac: {  	v27 =	vadd.s32 $0x7FFF, v27;
	v28 =	vadd.s32 $0x7FFF, v28;
	v33 =	vand.u32 $0xFFFF0000, v33;
	v40 =	vld.idx.msk [tilespmem:v2+s11+$0x0], $0xffff  }
0xad: {  	v44 =	vand.u32 $0xFFFF0000, v61;
	v57 =	vand.u32 $0xFFFF0000, v26;
	v26 =	vand.u32 $0xFFFF0000, v24;
	v49 =	vld.idx.msk [tilespmem:v22+s11+$0x0], $0xffff  }
0xae: {  	v21 =	vand.u32 $0xFFFF0000, v58;
	v56 =	vor.u32 s25, v55;
	v22 =	vand.u32 $0xFFFF0000, v60;
	v43 =	vld.idx.msk [tilespmem:v29+s11+$0x0], $0xffff  }
0xaf: {  	v29 =	vor.u32 s31, v62;
	v45 =	vld.idx.msk [tilespmem:v31+s11+$0x0], $0xffff;
	v31 =	vadd.s32 $0x7FFF, v25;
	v25 =	vor.u32 s31, v54  }
0xb0: {  	[tilespmem:$0x1FF90] =	vst v46;
	v46 =	vld.idx.msk [tilespmem:v30+s11+$0x0], $0xffff;
	v30 =	vor.u32 s31, v55;
	v19 =	vmul.f32 v52, v6;
	v20 =	vmul.f32 v53, v6  }
0xb1: {  	v24 =	vmul.f32 v34, v7;
	v32 =	vmul.f32 v57, v15;
	v34 =	vadd.s32 s31, v0  }
0xb2: {  	v60 =	vshrl.u32 v39, $0x10;
	v31 =	vand.u32 $0xFFFF0000, v31;
	v61 =	vshrl.u32 v47, $0x10  }
0xb3: {  	v60 =	vand.u32 $0x1, v60;
	v31 =	vmul.f32 v31, v15;
	v42 =	vshrl.u32 v35, $0x10  }
0xb4: {  	v57 =	vshrl.u32 v38, $0x10;
	v2 =	vshrl.u32 v37, $0x10;
	v3 =	vshrl.u32 v40, $0x10  }
0xb5: {  	v36 =	vld.idx.msk [tilespmem:v51+s11+$0x0], $0xffff;
	v61 =	vand.u32 $0x1, v61;
	v62 =	vshrl.u32 v49, $0x10;
	v42 =	vand.u32 $0x1, v42  }
0xb6: {  	v53 =	vld.idx.msk [tilespmem:v63+s11+$0x0], $0xffff;
	v57 =	vand.u32 $0x1, v57;
	v2 =	vand.u32 $0x1, v2;
	v3 =	vand.u32 $0x1, v3  }
0xb7: {  	v62 =	vand.u32 $0x1, v62;
	v35 =	vadd.s32 v42, v35;
	v38 =	vadd.s32 v57, v38;
	v48 =	vld.idx.msk [tilespmem:v29+s11+$0x0], $0xffff  }
0xb8: {  	v2 =	vadd.s32 v2, v37;
	v3 =	vadd.s32 v3, v40;
	v50 =	vld.idx.msk [tilespmem:v25+s11+$0x0], $0xffff;
	v25 =	vand.u32 $0xFFFF0000, v23  }
0xb9: {  	v52 =	vld.idx.msk [tilespmem:v30+s11+$0x0], $0xffff;
	v29 =	vand.u32 $0xFFFF0000, v27;
	v23 =	vmul.f32 v33, v7;
	v30 =	vand.u32 $0xFFFF0000, v28  }
0xba: {  	v27 =	vmul.f32 v41, v10;
	v28 =	vmul.f32 v44, v10;
	v33 =	vadd.s32 s25, v0  }
0xbb: {  	v41 =	vld.idx.msk [tilespmem:v56+s11+$0x0], $0xffff;
	v44 =	vshrl.u32 v36, $0x10;
	v51 =	vshrl.u32 v43, $0x10;
	v56 =	vshrl.u32 v46, $0x10  }
0xbc: {  	v58 =	vshrl.u32 v45, $0x10;
	v1 =	vshrl.u32 v53, $0x10;
	v40 =	vadd.s32 $0x7FFF, v38  }
0xbd: {  	v38 =	vadd.s32 $0x7FFF, v3;
	v44 =	vand.u32 $0x1, v44;
	v56 =	vand.u32 $0x1, v56  }
0xbe: {  	v51 =	vand.u32 $0x1, v51;
	v58 =	vand.u32 $0x1, v58;
	v1 =	vand.u32 $0x1, v1  }
0xbf: {  	v36 =	vadd.s32 v44, v36;
	v42 =	vadd.s32 v51, v43;
	v43 =	vadd.s32 v58, v45  }
0xc0: {  	v44 =	vadd.s32 v56, v46;
	v45 =	vadd.s32 v60, v39;
	v56 =	vadd.s32 v62, v49  }
0xc1: {  	v58 =	vadd.s32 v61, v47;
	v1 =	vadd.s32 v1, v53;
	v49 =	vadd.s32 $0x7FFF, v36  }
0xc2: {  	v51 =	vadd.s32 $0x7FFF, v43;
	v45 =	vadd.s32 $0x7FFF, v45;
	v46 =	vadd.s32 $0x7FFF, v58  }
0xc3: {  	v43 =	vadd.s32 $0x7FFF, v56;
	v59 =	vshrl.u32 v48, $0x10;
	v63 =	vshrl.u32 v50, $0x10  }
0xc4: {  	p0 =	sne.s32 s21, $0x7F;
	v62 =	vld [tilespmem:$0x1FFC0];
	v0 =	vshrl.u32 v52, $0x10;
	v4 =	vshrl.u32 v41, $0x10;
	v59 =	vand.u32 $0x1, v59  }
.Ltmp1:
0xc5: {  	v36 =	vld.idx.msk [tilespmem:v9+s3+$0x0], $0xffff;
	v63 =	vand.u32 $0x1, v63;
	v0 =	vand.u32 $0x1, v0;
	v4 =	vand.u32 $0x1, v4;
	(pc) =	sbr.rel @p0 .LBB2_5-.Ltmp1, $4  }
0xc6: {  	v9 =	vmovc v12;
	v12 =	vld [tilespmem:$0x1FFA0];
	v39 =	vadd.s32 v59, v48;
	v59 =	vadd.s32 v63, v50;
	v0 =	vadd.s32 v0, v52  }
0xc7: {  	v63 =	vld [tilespmem:$0x1FF80];
	v47 =	vadd.s32 v4, v41;
	v48 =	vadd.s32 $0x7FFF, v35;
	v41 =	vadd.s32 $0x7FFF, v42  }
0xc8: {  	v50 =	vadd.s32 $0x7FFF, v44;
	v35 =	vld.idx.msk [tilespmem:v8+s3+$0x0], $0xffff;
	v52 =	vadd.s32 $0x7FFF, v1;
	v42 =	vadd.s32 $0x7FFF, v2  }
0xc9: {  	s21 =	sadd.s32 $0x8, s21;
	v8 =	vmovc v11;
	v11 =	vld [tilespmem:$0x1FF90];
	v39 =	vadd.s32 $0x7FFF, v39;
	v44 =	vadd.s32 $0x7FFF, v59;
	v37 =	vadd.s32 $0x7FFF, v0  }
0xca: {  	_ =	sdelay $0x1  }
0xcb: {  	v0 =	vadd.s32 $0x7FFF, v47;
	v1 =	vand.u32 $0xFFFF0000, v48;
	v2 =	vand.u32 $0xFFFF0000, v49  }
0xcc: {  	v4 =	vand.u32 $0xFFFF0000, v50;
	v5 =	vand.u32 $0xFFFF0000, v41;
	v56 =	vand.u32 $0xFFFF0000, v51  }
0xcd: {  	v3 =	vld.idx.msk [tilespmem:v34+s3+$0x0], $0xffff;
	v40 =	vand.u32 $0xFFFF0000, v40;
	v57 =	vand.u32 $0xFFFF0000, v45;
	v58 =	vand.u32 $0xFFFF0000, v46  }
0xce: {  	v33 =	vld.idx.msk [tilespmem:v33+s3+$0x0], $0xffff;
	v39 =	vand.u32 $0xFFFF0000, v39;
	v43 =	vand.u32 $0xFFFF0000, v43;
	v44 =	vand.u32 $0xFFFF0000, v44  }
0xcf: {  	v59 =	vand.u32 $0xFFFF0000, v52;
	v42 =	vand.u32 $0xFFFF0000, v42;
	v47 =	vmul.f32 v21, v7  }
0xd0: {  	v38 =	vand.u32 $0xFFFF0000, v38;
	v4 =	vmul.f32 v4, v36;
	v40 =	vmul.f32 v40, v36  }
0xd1: {  	v60 =	vand.u32 $0xFFFF0000, v37;
	v41 =	vmul.f32 v57, v36;
	v1 =	vmul.f32 v1, v35  }
0xd2: {  	v2 =	vmul.f32 v2, v35;
	v45 =	vadd.f32 v31, v11;
	v39 =	vmul.f32 v39, v3  }
0xd3: {  	v11 =	vadd.f32 v32, v14;
	v43 =	vmul.f32 v43, v3;
	v46 =	vmul.f32 v59, v33  }
0xd4: {  	v0 =	vand.u32 $0xFFFF0000, v0;
	v42 =	vmul.f32 v42, v33;
	v38 =	vmul.f32 v38, v33  }
0xd5: {  	v0 =	vmul.f32 v0, v33;
	v11 =	vadd.f32 v28, v11;
	v61 =	vadd.f32 v46, v63  }
0xd6: {  	v16 =	vadd.f32 v42, v16;
	v63 =	vmul.f32 v44, v3;
	v17 =	vadd.f32 v38, v17  }
0xd7: {  	v0 =	vadd.f32 v0, v18;
	v3 =	vmul.f32 v60, v3;
	v39 =	vadd.f32 v39, v61  }
0xd8: {  	v44 =	vmul.f32 v29, v15;
	v16 =	vadd.f32 v43, v16;
	v17 =	vadd.f32 v63, v17  }
0xd9: {  	v42 =	vmul.f32 v58, v36;
	v0 =	vadd.f32 v3, v0;
	v4 =	vadd.f32 v4, v39  }
0xda: {  	v46 =	vmul.f32 v25, v10;
	v12 =	vadd.f32 v44, v12;
	v3 =	vadd.f32 v27, v45  }
0xdb: {  	v16 =	vadd.f32 v40, v16;
	v1 =	vadd.f32 v1, v4;
	v4 =	vmul.f32 v30, v15  }
0xdc: {  	v5 =	vmul.f32 v5, v35;
	v17 =	vadd.f32 v41, v17;
	v0 =	vadd.f32 v42, v0  }
0xdd: {  	v10 =	vmul.f32 v26, v10;
	v12 =	vadd.f32 v46, v12;
	v4 =	vadd.f32 v4, v13  }
0xde: {  	v43 =	vmul.f32 v56, v35;
	v3 =	vadd.f32 v23, v3;
	v2 =	vadd.f32 v2, v16  }
0xdf: {  	v7 =	vmul.f32 v22, v7;
	v5 =	vadd.f32 v5, v17;
	v4 =	vadd.f32 v10, v4  }
0xe0: {  	v8 =	vmul.f32 v8, v6;
	v0 =	vadd.f32 v43, v0;
	v10 =	vadd.f32 v24, v11  }
0xe1: {  	v6 =	vmul.f32 v9, v6;
	v11 =	vadd.f32 v47, v12;
	v4 =	vadd.f32 v7, v4  }
0xe2: {  	v3 =	vadd.f32 v19, v3;
	v7 =	vadd.f32 v20, v10  }
0xe3: {  	v8 =	vadd.f32 v8, v11;
	v4 =	vadd.f32 v6, v4  }
0xe4: {  	v1 =	vadd.f32 v3, v1;
	v2 =	vadd.f32 v7, v2  }
0xe5: {  	v48 =	vadd.f32 v8, v5;
	v0 =	vadd.f32 v4, v0;
	_ =	sdelay $0x1  }
0xe6: {  	v4 =	vmax.f32 v1, v2;
	v5 =	vmax.f32 v48, v0  }
0xe7: {  	v4 =	vmax.f32 v4, v5  }
0xe8: {  	(xrf0) =	vmax.scan.msk.f32 $0xffff, v4;
	_ =	sdelay $0x5  }
0xe9: {  	v4, _, _ =	vpop (xrf0)  }
0xea: {  	v4 =	vbroadcast v4, $0xF;
	_ =	sdelay $0x1  }
0xeb: {  	vm0 =	veq.f32 v1, v4;
	vm10 =	veq.f32 v2, v4  }
0xec: {  	vm1 =	veq.f32 v48, v4;
	vm2 =	veq.f32 v0, v4;
	v5 =	vsel vm0, $0xFF800000, v1  }
0xed: {  	v4 =	vsel vm10, $0xFF800000, v2;
	v6 =	vsel vm1, $0xFF800000, v48;
	v7 =	vsel vm2, $0xFF800000, v0  }
0xee: {  	v8 =	vmax.f32 v5, v4;
	v9 =	vmax.f32 v6, v7  }
0xef: {  	v8 =	vmax.f32 v8, v9  }
0xf0: {  	(xrf0) =	vmax.scan.msk.f32 $0xffff, v8;
	_ =	sdelay $0x5  }
0xf1: {  	v8, _, _ =	vpop (xrf0)  }
0xf2: {  	v8 =	vbroadcast v8, $0xF;
	_ =	sdelay $0x1  }
0xf3: {  	vm11 =	veq.f32 v5, v8;
	vm12 =	veq.f32 v4, v8  }
0xf4: {  	vm1 =	veq.f32 v6, v8;
	vm2 =	veq.f32 v7, v8;
	v5 =	vsel vm11, $0xFF800000, v5  }
0xf5: {  	v4 =	vsel vm12, $0xFF800000, v4;
	v6 =	vsel vm1, $0xFF800000, v6;
	v7 =	vsel vm2, $0xFF800000, v7  }
0xf6: {  	v8 =	vmax.f32 v5, v4;
	v9 =	vmax.f32 v6, v7  }
0xf7: {  	v8 =	vmax.f32 v8, v9  }
0xf8: {  	(xrf0) =	vmax.scan.msk.f32 $0xffff, v8;
	_ =	sdelay $0x5  }
0xf9: {  	v8, _, _ =	vpop (xrf0)  }
0xfa: {  	v8 =	vbroadcast v8, $0xF;
	_ =	sdelay $0x1  }
0xfb: {  	vm13 =	veq.f32 v5, v8;
	vm14 =	veq.f32 v4, v8  }
0xfc: {  	vm1 =	veq.f32 v6, v8;
	vm2 =	veq.f32 v7, v8;
	v5 =	vsel vm13, $0xFF800000, v5  }
0xfd: {  	v4 =	vsel vm14, $0xFF800000, v4;
	v6 =	vsel vm1, $0xFF800000, v6;
	v7 =	vsel vm2, $0xFF800000, v7  }
0xfe: {  	v8 =	vmax.f32 v5, v4;
	v9 =	vmax.f32 v6, v7  }
0xff: {  	v8 =	vmax.f32 v8, v9  }
0x100: {  	(xrf0) =	vmax.scan.msk.f32 $0xffff, v8;
	_ =	sdelay $0x5  }
0x101: {  	v8, _, _ =	vpop (xrf0)  }
0x102: {  	v8 =	vbroadcast v8, $0xF;
	_ =	sdelay $0x1  }
0x103: {  	vm15 =	veq.f32 v5, v8;
	vm4 =	veq.f32 v4, v8  }
0x104: {  	vm1 =	veq.f32 v6, v8;
	vm2 =	veq.f32 v7, v8;
	v5 =	vsel vm15, $0xFF800000, v5  }
0x105: {  	v4 =	vsel vm4, $0xFF800000, v4;
	v6 =	vsel vm1, $0xFF800000, v6;
	v7 =	vsel vm2, $0xFF800000, v7  }
0x106: {  	v8 =	vmax.f32 v5, v4;
	v9 =	vmax.f32 v6, v7  }
0x107: {  	v8 =	vmax.f32 v8, v9  }
0x108: {  	(xrf0) =	vmax.scan.msk.f32 $0xffff, v8;
	_ =	sdelay $0x5  }
0x109: {  	v8, _, _ =	vpop (xrf0)  }
0x10a: {  	v8 =	vbroadcast v8, $0xF;
	_ =	sdelay $0x1  }
0x10b: {  	vm5 =	veq.f32 v5, v8;
	vm6 =	veq.f32 v4, v8  }
0x10c: {  	vm1 =	veq.f32 v6, v8;
	vm2 =	veq.f32 v7, v8;
	v5 =	vsel vm5, $0xFF800000, v5  }
0x10d: {  	v4 =	vsel vm6, $0xFF800000, v4;
	v6 =	vsel vm1, $0xFF800000, v6;
	v7 =	vsel vm2, $0xFF800000, v7  }
0x10e: {  	v8 =	vmax.f32 v5, v4;
	v9 =	vmax.f32 v6, v7  }
0x10f: {  	v8 =	vmax.f32 v8, v9  }
0x110: {  	(xrf0) =	vmax.scan.msk.f32 $0xffff, v8;
	_ =	sdelay $0x5  }
0x111: {  	v8, _, _ =	vpop (xrf0)  }
0x112: {  	v8 =	vbroadcast v8, $0xF;
	_ =	sdelay $0x1  }
0x113: {  	vm7 =	veq.f32 v5, v8;
	vm8 =	veq.f32 v4, v8  }
0x114: {  	vm1 =	veq.f32 v6, v8;
	vm2 =	veq.f32 v7, v8;
	v5 =	vsel vm7, $0xFF800000, v5  }
0x115: {  	v4 =	vsel vm8, $0xFF800000, v4;
	v6 =	vsel vm1, $0xFF800000, v6;
	v7 =	vsel vm2, $0xFF800000, v7  }
0x116: {  	v8 =	vmax.f32 v5, v4;
	v9 =	vmax.f32 v6, v7  }
0x117: {  	v8 =	vmax.f32 v8, v9  }
0x118: {  	(xrf0) =	vmax.scan.msk.f32 $0xffff, v8;
	_ =	sdelay $0x5  }
0x119: {  	v8, _, _ =	vpop (xrf0)  }
0x11a: {  	v8 =	vbroadcast v8, $0xF;
	_ =	sdelay $0x1  }
0x11b: {  	vm0 =	veq.f32 v4, v8;
	vm9 =	veq.f32 v7, v8  }
0x11c: {  	vm10 =	veq.f32 v5, v8;
	v4 =	vsel vm0, $0xFF800000, v4;
	v7 =	vsel vm9, $0xFF800000, v7  }
0x11d: {  	vm11 =	veq.f32 v6, v8;
	v5 =	vmax.f32 v5, v4;
	v6 =	vmax.f32 v6, v7  }
0x11e: {  	v4 =	vsel vm10, v4, v5;
	v5 =	vsel vm11, v7, v6  }
0x11f: {  	v4 =	vmax.f32 v4, v5  }
0x120: {  	(xrf0) =	vmax.scan.msk.f32 $0xffff, v4;
	_ =	sdelay $0x5  }
0x121: {  	v4, _, _ =	vpop (xrf0)  }
0x122: {  	v4 =	vbroadcast v4, $0xF;
	_ =	sdelay $0x1  }
0x123: {  	s21 =	sshll.u32 s18, $0x8;
	vm12 =	vge.f32 v1, v4  }
0x124: {  	s21 =	sand.u32 $0x3FFFFF00, s21;
	vm13 =	vge.f32 v2, v4;
	v1 =	vnsel vm12, $0x0, v1  }
0x125: {  	p0 =	seq.s32 s18, $0x7;
	vm14 =	vge.f32 v48, v4;
	v49 =	vnsel vm13, $0x0, v2;
	[tilespmem:s21+$0x4180] =	vst v1  }
0x126: {  	s22 =	sshll.u32 s19, $0x4;
	s20 =	sadd.s32 @!p0 s20, s7;
	vm15 =	vge.f32 v0, v4;
	v50 =	vnsel vm14, $0x0, v48;
	[tilespmem:s21+$0x4190] =	vst v49  }
0x127: {  	s20 =	sshll.u32 @!p0 s20, $0xA;
	v5 =	vor.u32 $0x2000, v62;
	v4 =	vmov s22;
	s22 =	simm.s32 $0x6;
	v0 =	vnsel vm15, $0x0, v0;
	[tilespmem:s21+$0x41A0] =	vst v50  }
0x128: {  	s23 =	simm.s32 @!p0 $0x180;
	s20 =	sadd.s32 @!p0 s2, s20;
	v6 =	vor.u32 $0x2800, v62;
	v51 =	vor.u32 s22, v5;
	[tilespmem:s21+$0x41B0] =	vst v0;
	s21 =	simm.s32 @!p0 $0x0  }
0x129: {  	v7 =	vor.u32 $0x3000, v62;
	v52 =	vor.u32 s22, v6;
	[tilespmem:s23], [sflag:$0x2] =	stream.linear.gather @!p0 [hbm4b:s20+s21], $0x2000, $0x38;
	[tilespmem:$0x4980] =	vst v63  }
0x12a: {  	v8 =	vor.u32 $0x3800, v62;
	v53 =	vor.u32 s22, v7;
	_ =	swait.ge [sflag:s14], $0x2000  }
0x12b: {  	s29 =	simm.s32 $0x7;
	v54 =	vor.u32 s22, v8;
	[sflag:s14] =	ssyncset.done $0x0  }
0x12c: {  	v10 =	vor.u32 s29, v5;
	[sflag:s14] =	ssyncadd.s32 $0xFFFFE000  }
0x12d: {  	s30 =	simm.s32 $0x4;
	v63 =	vimm.f32 $0.0e+00;
	v11 =	vor.u32 s29, v6;
	v0 =	vld.idx.msk [tilespmem:v51+s11+$0x0], $0xffff  }
0x12e: {  	s31 =	simm.s32 $0x5;
	s24 =	simm.s32 $0x2;
	v56 =	vor.u32 s29, v8;
	v21 =	vor.u32 s30, v8;
	v55 =	vor.u32 s29, v7;
	v1 =	vld.idx.msk [tilespmem:v52+s11+$0x0], $0xffff  }
0x12f: {  	s25 =	simm.s32 $0x3;
	s26 =	simm.s32 $0x0;
	v25 =	vor.u32 s31, v8;
	v29 =	vor.u32 s24, v8;
	v57 =	vor.u32 s30, v5;
	v2 =	vld.idx.msk [tilespmem:v53+s11+$0x0], $0xffff  }
0x130: {  	s28 =	simm.s32 $0x1;
	v33 =	vor.u32 s25, v8;
	v39 =	vor.u32 s26, v8;
	v58 =	vor.u32 s30, v6;
	v3 =	vld.idx.msk [tilespmem:v54+s11+$0x0], $0xffff  }
0x131: {  	v45 =	vor.u32 s28, v8;
	v59 =	vor.u32 s30, v7;
	v23 =	vor.u32 s31, v6;
	v34 =	vld.idx.msk [tilespmem:v10+s11+$0x0], $0xffff  }
0x132: {  	v24 =	vor.u32 s31, v7;
	v27 =	vor.u32 s24, v6;
	v28 =	vor.u32 s24, v7;
	v38 =	vld.idx.msk [tilespmem:v11+s11+$0x0], $0xffff;
	[tilespmem:$0x1FF00] =	vst v5  }
0x133: {  	v31 =	vor.u32 s25, v6;
	v32 =	vor.u32 s25, v7;
	v36 =	vor.u32 s26, v6;
	v41 =	vld.idx.msk [tilespmem:v55+s11+$0x0], $0xffff;
	[tilespmem:$0x1FF10] =	vst v6  }
0x134: {  	v22 =	vor.u32 s31, v5;
	v26 =	vor.u32 s24, v5;
	v30 =	vor.u32 s25, v5;
	v43 =	vld.idx.msk [tilespmem:v57+s11+$0x0], $0xffff  }
0x135: {  	v35 =	vor.u32 s26, v5;
	v40 =	vor.u32 s28, v5;
	v5 =	vadd.s32 s25, v4;
	v17 =	vld.idx.msk [tilespmem:v58+s11+$0x0], $0xffff;
	[tilespmem:$0x1FF20] =	vst v7  }
0x136: {  	v37 =	vor.u32 s26, v7;
	v42 =	vor.u32 s28, v6;
	v44 =	vor.u32 s28, v7;
	[tilespmem:$0x1FF30] =	vst v5  }
0x137: {  	v12 =	vadd.s32 s29, v4;
	v14 =	vadd.s32 s22, v4;
	v13 =	vadd.s32 s31, v4;
	[tilespmem:$0x1FF40] =	vst v4  }
0x138: {  	v9 =	vadd.s32 s26, v4;
	v62 =	vadd.s32 s28, v4;
	v11 =	vadd.s32 s30, v4;
	v16 =	vld.idx.msk [tilespmem:v56+s11+$0x0], $0xffff;
	[tilespmem:$0x1FF50] =	vst v8  }
0x139: {  	v6 =	vadd.s32 s24, v4;
	v18 =	vld.idx.msk [tilespmem:v59+s11+$0x0], $0xffff;
	v60 =	vshrl.u32 v0, $0x10;
	v61 =	vshrl.u32 v1, $0x10  }
0x13a: {  	v21 =	vld.idx.msk [tilespmem:v21+s11+$0x0], $0xffff;
	v15 =	vshrl.u32 v2, $0x10;
	v19 =	vshrl.u32 v3, $0x10;
	v56 =	vshrl.u32 v34, $0x10  }
0x13b: {  	v22 =	vld.idx.msk [tilespmem:v22+s11+$0x0], $0xffff;
	v57 =	vshrl.u32 v38, $0x10;
	v58 =	vshrl.u32 v41, $0x10;
	v46 =	vand.u32 $0x1, v60  }
0x13c: {  	v23 =	vld.idx.msk [tilespmem:v23+s11+$0x0], $0xffff;
	v47 =	vand.u32 $0x1, v61;
	v48 =	vand.u32 $0x1, v15;
	v49 =	vand.u32 $0x1, v19  }
0x13d: {  	v24 =	vld.idx.msk [tilespmem:v24+s11+$0x0], $0xffff;
	v50 =	vand.u32 $0x1, v56;
	v51 =	vand.u32 $0x1, v57;
	v0 =	vadd.s32 v46, v0  }
0x13e: {  	v25 =	vld.idx.msk [tilespmem:v25+s11+$0x0], $0xffff;
	v59 =	vshrl.u32 v43, $0x10;
	v1 =	vadd.s32 v47, v1;
	v47 =	vshrl.u32 v17, $0x10  }
0x13f: {  	v26 =	vld.idx.msk [tilespmem:v26+s11+$0x0], $0xffff;
	v2 =	vadd.s32 v48, v2;
	v3 =	vadd.s32 v49, v3;
	v34 =	vadd.s32 v50, v34  }
0x140: {  	v27 =	vld.idx.msk [tilespmem:v27+s11+$0x0], $0xffff;
	v38 =	vadd.s32 v51, v38;
	v52 =	vand.u32 $0x1, v58;
	v60 =	vshrl.u32 v16, $0x10  }
0x141: {  	v28 =	vld.idx.msk [tilespmem:v28+s11+$0x0], $0xffff;
	v46 =	vand.u32 $0x1, v59;
	v41 =	vadd.s32 v52, v41;
	v47 =	vand.u32 $0x1, v47  }
0x142: {  	v29 =	vld.idx.msk [tilespmem:v29+s11+$0x0], $0xffff;
	v0 =	vadd.s32 $0x7FFF, v0;
	v1 =	vadd.s32 $0x7FFF, v1;
	v2 =	vadd.s32 $0x7FFF, v2  }
0x143: {  	v30 =	vld.idx.msk [tilespmem:v30+s11+$0x0], $0xffff;
	v3 =	vadd.s32 $0x7FFF, v3;
	v61 =	vshrl.u32 v18, $0x10;
	v50 =	vshrl.u32 v21, $0x10  }
0x144: {  	v31 =	vld.idx.msk [tilespmem:v31+s11+$0x0], $0xffff;
	v56 =	vshrl.u32 v22, $0x10;
	v43 =	vadd.s32 v46, v43;
	v57 =	vshrl.u32 v23, $0x10  }
0x145: {  	v32 =	vld.idx.msk [tilespmem:v32+s11+$0x0], $0xffff;
	v58 =	vshrl.u32 v24, $0x10;
	v48 =	vand.u32 $0x1, v60;
	v59 =	vshrl.u32 v25, $0x10  }
0x146: {  	v33 =	vld.idx.msk [tilespmem:v33+s11+$0x0], $0xffff;
	v17 =	vadd.s32 v47, v17;
	v60 =	vshrl.u32 v26, $0x10;
	v15 =	vshrl.u32 v28, $0x10  }
0x147: {  	v36 =	vld.idx.msk [tilespmem:v36+s11+$0x0], $0xffff;
	v19 =	vshrl.u32 v29, $0x10;
	v41 =	vadd.s32 $0x7FFF, v41;
	v53 =	vand.u32 $0xFFFF0000, v0  }
0x148: {  	v54 =	vand.u32 $0xFFFF0000, v1;
	v16 =	vadd.s32 v48, v16;
	v49 =	vand.u32 $0x1, v61  }
0x149: {  	v35 =	vld.idx.msk [tilespmem:v35+s11+$0x0], $0xffff;
	v61 =	vshrl.u32 v27, $0x10;
	v50 =	vand.u32 $0x1, v50;
	v51 =	vand.u32 $0x1, v56  }
0x14a: {  	v37 =	vld.idx.msk [tilespmem:v37+s11+$0x0], $0xffff;
	v46 =	vand.u32 $0x1, v57;
	v56 =	vshrl.u32 v30, $0x10;
	v52 =	vand.u32 $0x1, v58  }
0x14b: {  	v39 =	vld.idx.msk [tilespmem:v39+s11+$0x0], $0xffff;
	v57 =	vshrl.u32 v31, $0x10;
	v47 =	vand.u32 $0x1, v60;
	v58 =	vshrl.u32 v32, $0x10  }
0x14c: {  	v40 =	vld.idx.msk [tilespmem:v40+s11+$0x0], $0xffff;
	v48 =	vand.u32 $0x1, v59;
	v59 =	vshrl.u32 v33, $0x10;
	v60 =	vshrl.u32 v36, $0x10  }
0x14d: {  	v42 =	vld.idx.msk [tilespmem:v42+s11+$0x0], $0xffff;
	v43 =	vadd.s32 $0x7FFF, v43;
	v17 =	vadd.s32 $0x7FFF, v17;
	v18 =	vadd.s32 v49, v18  }
0x14e: {  	v44 =	vld.idx.msk [tilespmem:v44+s11+$0x0], $0xffff;
	v21 =	vadd.s32 v50, v21;
	v22 =	vadd.s32 v51, v22;
	v23 =	vadd.s32 v46, v23  }
0x14f: {  	v24 =	vadd.s32 v52, v24;
	v26 =	vadd.s32 v47, v26;
	v47 =	vshrl.u32 v35, $0x10  }
0x150: {  	v49 =	vand.u32 $0x1, v61;
	v25 =	vadd.s32 v48, v25;
	v50 =	vand.u32 $0x1, v15  }
0x151: {  	v51 =	vand.u32 $0x1, v19;
	v61 =	vshrl.u32 v37, $0x10;
	v46 =	vand.u32 $0x1, v56  }
0x152: {  	v45 =	vld.idx.msk [tilespmem:v45+s11+$0x0], $0xffff;
	v15 =	vshrl.u32 v39, $0x10;
	v52 =	vand.u32 $0x1, v57;
	v19 =	vshrl.u32 v40, $0x10  }
0x153: {  	v56 =	vshrl.u32 v42, $0x10;
	v48 =	vand.u32 $0x1, v59;
	v57 =	vshrl.u32 v44, $0x10  }
0x154: {  	v16 =	vadd.s32 $0x7FFF, v16;
	v27 =	vadd.s32 v49, v27;
	v28 =	vadd.s32 v50, v28  }
0x155: {  	v29 =	vadd.s32 v51, v29;
	v30 =	vadd.s32 v46, v30;
	v31 =	vadd.s32 v52, v31  }
0x156: {  	v49 =	vand.u32 $0x1, v58;
	v33 =	vadd.s32 v48, v33;
	v47 =	vand.u32 $0x1, v47  }
0x157: {  	v58 =	vshrl.u32 v45, $0x10;
	v50 =	vand.u32 $0x1, v60;
	v51 =	vand.u32 $0x1, v61  }
0x158: {  	v46 =	vand.u32 $0x1, v15;
	v52 =	vand.u32 $0x1, v19;
	v48 =	vand.u32 $0x1, v57  }
0x159: {  	v18 =	vadd.s32 $0x7FFF, v18;
	v55 =	vadd.s32 $0x7FFF, v21;
	v23 =	vadd.s32 $0x7FFF, v23  }
0x15a: {  	v24 =	vadd.s32 $0x7FFF, v24;
	v25 =	vadd.s32 $0x7FFF, v25;
	v26 =	vadd.s32 $0x7FFF, v26  }
0x15b: {  	v21 =	vand.u32 $0xFFFF0000, v16;
	v32 =	vadd.s32 v49, v32;
	v35 =	vadd.s32 v47, v35  }
0x15c: {  	v49 =	vand.u32 $0x1, v56;
	v47 =	vand.u32 $0x1, v58;
	v36 =	vadd.s32 v50, v36  }
0x15d: {  	v37 =	vadd.s32 v51, v37;
	v39 =	vadd.s32 v46, v39;
	v46 =	vadd.s32 v52, v40  }
0x15e: {  	v44 =	vadd.s32 v48, v44;
	v48 =	vadd.s32 $0x7FFF, v38;
	v56 =	vadd.s32 $0x7FFF, v22  }
0x15f: {  	v27 =	vadd.s32 $0x7FFF, v27;
	v57 =	vadd.s32 $0x7FFF, v28;
	v58 =	vadd.s32 $0x7FFF, v29  }
0x160: {  	v59 =	vadd.s32 $0x7FFF, v30;
	v60 =	vadd.s32 $0x7FFF, v31;
	v40 =	vadd.s32 $0x7FFF, v33  }
0x161: {  	v50 =	vand.u32 $0xFFFF0000, v3;
	v22 =	vand.u32 $0xFFFF0000, v41;
	v51 =	vand.u32 $0xFFFF0000, v43  }
0x162: {  	v52 =	vand.u32 $0xFFFF0000, v17;
	v43 =	vand.u32 $0xFFFF0000, v23;
	v41 =	vand.u32 $0xFFFF0000, v26  }
0x163: {  	v26 =	vand.u32 $0xFFFF0000, v24;
	v25 =	vand.u32 $0xFFFF0000, v25;
	v42 =	vadd.s32 v49, v42  }
0x164: {  	v45 =	vadd.s32 v47, v45;
	v47 =	vadd.s32 $0x7FFF, v34;
	v38 =	vadd.s32 $0x7FFF, v35  }
0x165: {  	v61 =	vadd.s32 $0x7FFF, v32;
	v36 =	vadd.s32 $0x7FFF, v36;
	v34 =	vadd.s32 $0x7FFF, v37  }
0x166: {  	v32 =	vadd.s32 $0x7FFF, v39;
	v31 =	vadd.s32 $0x7FFF, v46;
	v29 =	vadd.s32 $0x7FFF, v44  }
0x167: {  	v49 =	vand.u32 $0xFFFF0000, v2;
	v46 =	vand.u32 $0xFFFF0000, v48;
	v48 =	vand.u32 $0xFFFF0000, v27  }
0x168: {  	v39 =	vand.u32 $0xFFFF0000, v57;
	v37 =	vand.u32 $0xFFFF0000, v58;
	v35 =	vand.u32 $0xFFFF0000, v59  }
0x169: {  	v24 =	vld.idx.msk [tilespmem:v12+s3+$0x0], $0xffff;
	v33 =	vand.u32 $0xFFFF0000, v60;
	v59 =	vimm.f32 $0.0e+00;
	v60 =	vimm.f32 $0.0e+00  }
0x16a: {  	v57 =	vimm.f32 $0.0e+00;
	v44 =	vand.u32 $0xFFFF0000, v47;
	v47 =	vand.u32 $0xFFFF0000, v55;
	v55 =	vld.idx.msk [tilespmem:v14+s3+$0x0], $0xffff  }
0x16b: {  	v58 =	vimm.f32 $0.0e+00;
	v30 =	vadd.s32 $0x7FFF, v42;
	v42 =	vand.u32 $0xFFFF0000, v56;
	v56 =	vld.idx.msk [tilespmem:v11+s3+$0x0], $0xffff;
	[tilespmem:$0x1FF60] =	vst v59  }
0x16c: {  	v28 =	vadd.s32 $0x7FFF, v45;
	v45 =	vand.u32 $0xFFFF0000, v18;
	v27 =	vand.u32 $0xFFFF0000, v61;
	[tilespmem:$0x1FF70] =	vst v60  }
0x16d: {  	s20 =	simm.s32 $0xF;
	v61 =	vimm.f32 $0.0e+00;
	v60 =	vimm.f32 $0.0e+00;
	v59 =	vimm.f32 $0.0e+00;
	v23 =	vld.idx.msk [tilespmem:v13+s3+$0x0], $0xffff  }
.LBB2_7:
0x16e: {  	_ =	sdelay $0x3  }
0x16f: {  	v1 =	vand.u32 $0xFFFF0000, v40;
	v4 =	vld [tilespmem:$0x1FF30];
	v2 =	vmul.f32 v53, v55;
	v3 =	vmul.f32 v54, v55  }
0x170: {  	v20 =	vand.u32 $0xFFFF0000, v38;
	v0 =	vld.idx.msk [tilespmem:v6+s3+$0x0], $0xffff;
	v38 =	vmul.f32 v49, v55;
	v53 =	vmul.f32 v50, v55  }
0x171: {  	v36 =	vand.u32 $0xFFFF0000, v36;
	v19 =	vld.idx.msk [tilespmem:v9+s3+$0x0], $0xffff;
	v44 =	vmul.f32 v44, v24;
	v46 =	vmul.f32 v46, v24  }
0x172: {  	v34 =	vand.u32 $0xFFFF0000, v34;
	v7 =	vld [tilespmem:$0x1FF20];
	v54 =	vmul.f32 v51, v56;
	v55 =	vmul.f32 v52, v56  }
0x173: {  	v32 =	vand.u32 $0xFFFF0000, v32;
	v45 =	vmul.f32 v45, v56;
	v47 =	vmul.f32 v47, v56;
	v10 =	vld.idx.msk [tilespmem:v62+s3+$0x0], $0xffff  }
0x174: {  	v31 =	vand.u32 $0xFFFF0000, v31;
	v8 =	vld [tilespmem:$0x1FF50];
	v42 =	vmul.f32 v42, v23;
	v43 =	vmul.f32 v43, v23  }
0x175: {  	v30 =	vand.u32 $0xFFFF0000, v30;
	v12 =	vmul.f32 v26, v23;
	v6 =	vld [tilespmem:$0x1FF10];
	v41 =	vmul.f32 v41, v0  }
0x176: {  	v29 =	vand.u32 $0xFFFF0000, v29;
	v5 =	vld [tilespmem:$0x1FF60];
	v48 =	vmul.f32 v48, v0;
	v20 =	vmul.f32 v20, v19  }
0x177: {  	v28 =	vand.u32 $0xFFFF0000, v28;
	s23 =	sadd.s32 $0xFFFFFFFE, s20;
	v36 =	vmul.f32 v36, v19;
	v34 =	vmul.f32 v34, v19  }
0x178: {  	s26 =	sadd.s32 $0xFFFFFFF9, s20;
	v51 =	vor.u32 s23, v7;
	v19 =	vmul.f32 v32, v19;
	v31 =	vmul.f32 v31, v10  }
0x179: {  	s21 =	sadd.s32 $0xFFFFFFFF, s20;
	v62 =	vor.u32 s26, v8;
	v30 =	vmul.f32 v30, v10;
	v29 =	vmul.f32 v29, v10  }
0x17a: {  	v15 =	vld.idx.msk [tilespmem:v4+s3+$0x0], $0xffff;
	v40 =	vor.u32 s21, v6;
	v50 =	vor.u32 s23, v6;
	v4 =	vadd.f32 v20, v63  }
0x17b: {  	v16 =	vadd.f32 v36, v61;
	v20 =	vmul.f32 v39, v0;
	v17 =	vadd.f32 v34, v5  }
0x17c: {  	s25 =	sadd.s32 $0xFFFFFFFC, s20;
	v0 =	vmul.f32 v37, v0;
	v32 =	vadd.f32 v31, v57;
	v11 =	vadd.f32 v29, v58  }
0x17d: {  	v34 =	vmul.f32 v25, v23;
	v57 =	vor.u32 s25, v7;
	v58 =	vor.u32 s25, v8  }
0x17e: {  	v5 =	vld [tilespmem:$0x1FF70];
	v61 =	vor.u32 s26, v7;
	v4 =	vadd.f32 v41, v4;
	v16 =	vadd.f32 v48, v16  }
0x17f: {  	v13 =	vmul.f32 v35, v15;
	v17 =	vadd.f32 v20, v17;
	v20 =	vmul.f32 v33, v15  }
0x180: {  	v33 =	vadd.f32 v30, v60;
	v1 =	vmul.f32 v1, v15;
	v16 =	vadd.f32 v55, v16  }
0x181: {  	s22 =	sadd.s32 $0xFFFFFFFD, s20;
	v35 =	vmul.f32 v21, v24;
	v41 =	vor.u32 s21, v7;
	v4 =	vadd.f32 v54, v4  }
0x182: {  	v48 =	vor.u32 s22, v8;
	v26 =	vld.idx.msk [tilespmem:v40+s11+$0x0], $0xffff;
	v14 =	vadd.f32 v3, v16;
	v3 =	vadd.f32 v20, v33  }
0x183: {  	v60 =	vor.u32 s26, v6;
	v40 =	vld.idx.msk [tilespmem:v51+s11+$0x0], $0xffff;
	v17 =	vadd.f32 v45, v17;
	v18 =	vadd.f32 v19, v5  }
0x184: {  	s28 =	sadd.s32 $0xFFFFFFFA, s20;
	v51 =	vld.idx.msk [tilespmem:v62+s11+$0x0], $0xffff;
	v45 =	vor.u32 s20, v8;
	v2 =	vadd.f32 v2, v4;
	v3 =	vadd.f32 v43, v3  }
0x185: {  	v5 =	vld [tilespmem:$0x1FF00];
	v0 =	vadd.f32 v0, v18;
	v18 =	vadd.f32 v38, v17;
	v17 =	vor.u32 s28, v7  }
0x186: {  	s24 =	sadd.s32 $0xFFFFFFFB, s20;
	v16 =	vmul.f32 v28, v10;
	v4 =	vld [tilespmem:$0x1FF40];
	v43 =	vor.u32 s20, v6;
	v36 =	vadd.f32 v46, v3  }
0x187: {  	v54 =	vor.u32 s24, v7;
	v55 =	vor.u32 s24, v8;
	v10 =	vmul.f32 v27, v15;
	v27 =	vld.idx.msk [tilespmem:v41+s11+$0x0], $0xffff;
	[tilespmem:$0x1FE90] =	vst v2  }
0x188: {  	v19 =	vor.u32 s28, v8;
	v2 =	vadd.f32 v16, v59;
	v0 =	vadd.f32 v47, v0;
	[tilespmem:$0x1FE50] =	vst v36;
	v36 =	vld.idx.msk [tilespmem:v48+s11+$0x0], $0xffff  }
0x189: {  	v10 =	vadd.f32 v10, v11;
	v16 =	vor.u32 s28, v6;
	v9 =	vshrl.u32 v51, $0x10;
	v48 =	vld.idx.msk [tilespmem:v58+s11+$0x0], $0xffff  }
0x18a: {  	v47 =	vor.u32 s22, v6;
	v9 =	vand.u32 $0x1, v9;
	v0 =	vadd.f32 v53, v0;
	v21 =	vld.idx.msk [tilespmem:v17+s11+$0x0], $0xffff  }
0x18b: {  	v1 =	vadd.f32 v1, v2;
	v10 =	vadd.f32 v12, v10;
	v39 =	vor.u32 s21, v5;
	v30 =	vld.idx.msk [tilespmem:v43+s11+$0x0], $0xffff  }
0x18c: {  	v46 =	vor.u32 s22, v5;
	v49 =	vor.u32 s23, v5;
	[tilespmem:$0x1FF70] =	vst v0;
	v0 =	vadd.f32 v13, v32;
	v32 =	vld.idx.msk [tilespmem:v45+s11+$0x0], $0xffff  }
0x18d: {  	v52 =	vor.u32 s24, v5;
	v56 =	vor.u32 s25, v5;
	v59 =	vor.u32 s26, v5;
	v43 =	vld.idx.msk [tilespmem:v54+s11+$0x0], $0xffff  }
0x18e: {  	v12 =	vor.u32 s28, v5;
	v9 =	vadd.s32 v9, v51;
	v13 =	vmul.f32 v22, v24;
	v24 =	vld.idx.msk [tilespmem:v61+s11+$0x0], $0xffff  }
0x18f: {  	[tilespmem:$0x1FE80] =	vst v14;
	v53 =	vor.u32 s24, v6;
	v63 =	vadd.s32 s20, v4;
	v1 =	vadd.f32 v34, v1;
	v22 =	vld.idx.msk [tilespmem:v16+s11+$0x0], $0xffff  }
0x190: {  	[tilespmem:$0x1FF60] =	vst v18;
	v14 =	vadd.s32 s21, v4;
	v18 =	vadd.s32 s28, v4;
	v54 =	vshrl.u32 v26, $0x10;
	v33 =	vld.idx.msk [tilespmem:v47+s11+$0x0], $0xffff  }
0x191: {  	v38 =	vadd.f32 v35, v1;
	v47 =	vld.idx.msk [tilespmem:v57+s11+$0x0], $0xffff;
	v54 =	vand.u32 $0x1, v54;
	v0 =	vadd.f32 v42, v0  }
0x192: {  	v37 =	vadd.f32 v13, v10;
	v42 =	vor.u32 s21, v8;
	v10 =	vor.u32 s20, v5;
	v25 =	vld.idx.msk [tilespmem:v39+s11+$0x0], $0xffff  }
0x193: {  	v13 =	vadd.s32 s22, v4;
	v5 =	vadd.s32 s24, v4;
	v23 =	vld.idx.msk [tilespmem:v12+s11+$0x0], $0xffff;
	v12 =	vshrl.u32 v40, $0x10  }
0x194: {  	v34 =	vld.idx.msk [tilespmem:v46+s11+$0x0], $0xffff;
	v26 =	vadd.s32 v54, v26;
	[tilespmem:$0x1FEA0] =	vst v5;
	v5 =	vadd.s32 s23, v4;
	v12 =	vand.u32 $0x1, v12  }
0x195: {  	v41 =	vld.idx.msk [tilespmem:v52+s11+$0x0], $0xffff;
	v0 =	vadd.f32 v44, v0;
	v44 =	vor.u32 s20, v7;
	[tilespmem:$0x1FEF0] =	vst v5;
	v5 =	vadd.s32 s26, v4  }
0x196: {  	v45 =	vld.idx.msk [tilespmem:v56+s11+$0x0], $0xffff;
	v2 =	vshrl.u32 v21, $0x10;
	v12 =	vadd.s32 v12, v40;
	[tilespmem:$0x1FEB0] =	vst v5;
	v5 =	vadd.s32 s25, v4  }
0x197: {  	v52 =	vld.idx.msk [tilespmem:v19+s11+$0x0], $0xffff;
	v58 =	vshrl.u32 v30, $0x10;
	v62 =	vshrl.u32 v32, $0x10;
	v4 =	vshrl.u32 v36, $0x10  }
0x198: {  	[tilespmem:$0x1FE60] =	vst v38;
	v38 =	vld.idx.msk [tilespmem:v50+s11+$0x0], $0xffff;
	v16 =	vshrl.u32 v43, $0x10;
	v3 =	vshrl.u32 v22, $0x10;
	v2 =	vand.u32 $0x1, v2  }
0x199: {  	v50 =	vld.idx.msk [tilespmem:v60+s11+$0x0], $0xffff;
	v12 =	vadd.s32 $0x7FFF, v12;
	[tilespmem:$0x1FF30] =	vst v5;
	v61 =	vshrl.u32 v33, $0x10;
	v5 =	vshrl.u32 v47, $0x10  }
0x19a: {  	v58 =	vand.u32 $0x1, v58;
	v62 =	vand.u32 $0x1, v62;
	v4 =	vand.u32 $0x1, v4;
	v28 =	vld.idx.msk [tilespmem:v42+s11+$0x0], $0xffff  }
0x19b: {  	[tilespmem:$0x1FEC0] =	vst v14;
	v16 =	vand.u32 $0x1, v16;
	v3 =	vand.u32 $0x1, v3;
	v2 =	vadd.s32 v2, v21;
	v29 =	vld.idx.msk [tilespmem:v10+s11+$0x0], $0xffff  }
0x19c: {  	[tilespmem:$0x1FE70] =	vst v18;
	v10 =	vor.u32 s22, v7;
	v42 =	vld.idx.msk [tilespmem:v53+s11+$0x0], $0xffff;
	v53 =	vshrl.u32 v25, $0x10;
	v60 =	vshrl.u32 v34, $0x10  }
0x19d: {  	[tilespmem:$0x1FE30] =	vst v0;
	v14 =	vshrl.u32 v41, $0x10;
	v18 =	vshrl.u32 v45, $0x10;
	v0 =	vshrl.u32 v23, $0x10  }
0x19e: {  	v1 =	vshrl.u32 v52, $0x10;
	v61 =	vand.u32 $0x1, v61;
	v5 =	vand.u32 $0x1, v5  }
0x19f: {  	v30 =	vadd.s32 v58, v30;
	v32 =	vadd.s32 v62, v32;
	v4 =	vadd.s32 v4, v36  }
0x1a0: {  	[tilespmem:$0x1FE40] =	vst v37;
	v37 =	vld.idx.msk [tilespmem:v49+s11+$0x0], $0xffff;
	v16 =	vadd.s32 v16, v43;
	v3 =	vadd.s32 v3, v22;
	v22 =	vadd.s32 $0x7FFF, v26  }
0x1a1: {  	v49 =	vld.idx.msk [tilespmem:v59+s11+$0x0], $0xffff;
	v11 =	vshrl.u32 v38, $0x10;
	v7 =	vshrl.u32 v50, $0x10;
	v53 =	vand.u32 $0x1, v53  }
0x1a2: {  	v60 =	vand.u32 $0x1, v60;
	v14 =	vand.u32 $0x1, v14;
	v18 =	vand.u32 $0x1, v18  }
0x1a3: {  	v0 =	vand.u32 $0x1, v0;
	v1 =	vand.u32 $0x1, v1;
	v33 =	vadd.s32 v61, v33  }
0x1a4: {  	v5 =	vadd.s32 v5, v47;
	v26 =	vadd.s32 $0x7FFF, v30;
	v4 =	vadd.s32 $0x7FFF, v4  }
0x1a5: {  	v16 =	vadd.s32 $0x7FFF, v16;
	v30 =	vadd.s32 $0x7FFF, v3;
	v54 =	vand.u32 $0xFFFF0000, v22;
	v31 =	vld.idx.msk [tilespmem:v44+s11+$0x0], $0xffff  }
0x1a6: {  	v44 =	vld.idx.msk [tilespmem:v55+s11+$0x0], $0xffff;
	v55 =	vshrl.u32 v27, $0x10;
	v20 =	vshrl.u32 v49, $0x10;
	v11 =	vand.u32 $0x1, v11  }
0x1a7: {  	v7 =	vand.u32 $0x1, v7;
	v25 =	vadd.s32 v53, v25;
	v34 =	vadd.s32 v60, v34  }
0x1a8: {  	v14 =	vadd.s32 v14, v41;
	v18 =	vadd.s32 v18, v45;
	v0 =	vadd.s32 v0, v23  }
0x1a9: {  	v1 =	vadd.s32 v1, v52;
	v33 =	vadd.s32 $0x7FFF, v33;
	v5 =	vadd.s32 $0x7FFF, v5  }
0x1aa: {  	v47 =	vand.u32 $0xFFFF0000, v4;
	v55 =	vand.u32 $0x1, v55;
	v20 =	vand.u32 $0x1, v20  }
0x1ab: {  	v11 =	vadd.s32 v11, v38;
	v7 =	vadd.s32 v7, v50;
	v35 =	vld.idx.msk [tilespmem:v10+s11+$0x0], $0xffff;
	v10 =	vor.u32 s23, v8  }
0x1ac: {  	v21 =	vadd.s32 $0x7FFF, v25;
	v14 =	vadd.s32 $0x7FFF, v14;
	v18 =	vadd.s32 $0x7FFF, v18  }
0x1ad: {  	v52 =	vand.u32 $0xFFFF0000, v33;
	v27 =	vadd.s32 v55, v27;
	v20 =	vadd.s32 v20, v49  }
0x1ae: {  	v11 =	vadd.s32 $0x7FFF, v11;
	v36 =	vadd.s32 $0x7FFF, v7;
	v53 =	vand.u32 $0xFFFF0000, v21  }
0x1af: {  	v41 =	vand.u32 $0xFFFF0000, v14;
	v56 =	vshrl.u32 v28, $0x10;
	v57 =	vshrl.u32 v29, $0x10  }
0x1b0: {  	v15 =	vshrl.u32 v42, $0x10;
	v8 =	vshrl.u32 v24, $0x10;
	v39 =	vld.idx.msk [tilespmem:v10+s11+$0x0], $0xffff;
	v10 =	vor.u32 s25, v6  }
0x1b1: {  	v23 =	vadd.s32 $0x7FFF, v27;
	v38 =	vadd.s32 $0x7FFF, v20;
	v43 =	vand.u32 $0xFFFF0000, v11  }
0x1b2: {  	v56 =	vand.u32 $0x1, v56;
	v57 =	vand.u32 $0x1, v57;
	v15 =	vand.u32 $0x1, v15  }
0x1b3: {  	v8 =	vand.u32 $0x1, v8;
	v49 =	vand.u32 $0xFFFF0000, v23;
	v59 =	vshrl.u32 v31, $0x10  }
0x1b4: {  	v17 =	vshrl.u32 v44, $0x10;
	v28 =	vadd.s32 v56, v28;
	v29 =	vadd.s32 v57, v29  }
0x1b5: {  	v15 =	vadd.s32 v15, v42;
	v8 =	vadd.s32 v8, v24;
	v59 =	vand.u32 $0x1, v59;
	v46 =	vld.idx.msk [tilespmem:v10+s11+$0x0], $0xffff  }
0x1b6: {  	v58 =	vld [tilespmem:$0x1FE40];
	v17 =	vand.u32 $0x1, v17;
	v24 =	vadd.s32 $0x7FFF, v28;
	v25 =	vadd.s32 $0x7FFF, v29  }
0x1b7: {  	v62 =	vld [tilespmem:$0x1FE70];
	v15 =	vadd.s32 $0x7FFF, v15;
	v29 =	vadd.s32 $0x7FFF, v2;
	v28 =	vadd.s32 $0x7FFF, v1  }
0x1b8: {  	v61 =	vld [tilespmem:$0x1FE80];
	v31 =	vadd.s32 v59, v31;
	v17 =	vadd.s32 v17, v44;
	v50 =	vand.u32 $0xFFFF0000, v24  }
0x1b9: {  	[tilespmem:$0x1FED0] =	vst v63;
	v55 =	vld [tilespmem:$0x1FEC0];
	v44 =	vand.u32 $0xFFFF0000, v25;
	v63 =	vshrl.u32 v35, $0x10;
	v6 =	vshrl.u32 v48, $0x10  }
0x1ba: {  	v60 =	vld [tilespmem:$0x1FE50];
	v27 =	vadd.s32 $0x7FFF, v31;
	v17 =	vadd.s32 $0x7FFF, v17;
	v19 =	vshrl.u32 v46, $0x10  }
0x1bb: {  	[tilespmem:$0x1FEE0] =	vst v13;
	v56 =	vld [tilespmem:$0x1FED0];
	v31 =	vadd.s32 $0x7FFF, v0;
	v63 =	vand.u32 $0x1, v63;
	v19 =	vand.u32 $0x1, v19  }
0x1bc: {  	v14 =	vld [tilespmem:$0x1FEE0];
	v6 =	vand.u32 $0x1, v6;
	v22 =	vand.u32 $0xFFFF0000, v27;
	v19 =	vadd.s32 v19, v46  }
0x1bd: {  	v57 =	vld [tilespmem:$0x1FE30];
	v27 =	vand.u32 $0xFFFF0000, v5;
	v35 =	vadd.s32 v63, v35;
	v19 =	vadd.s32 $0x7FFF, v19  }
0x1be: {  	v6 =	vadd.s32 v6, v48;
	v48 =	vand.u32 $0xFFFF0000, v15;
	v33 =	vand.u32 $0xFFFF0000, v19;
	v19 =	vld [tilespmem:$0x1FEF0]  }
0x1bf: {  	v59 =	vld [tilespmem:$0x1FE60];
	v35 =	vadd.s32 $0x7FFF, v35;
	v40 =	vadd.s32 $0x7FFF, v6;
	v10 =	vshrl.u32 v37, $0x10  }
0x1c0: {  	v63 =	vld [tilespmem:$0x1FE90];
	v45 =	vand.u32 $0xFFFF0000, v35;
	v13 =	vshrl.u32 v39, $0x10;
	v10 =	vand.u32 $0x1, v10  }
0x1c1: {  	p0 =	sne.s32 s20, $0x7F;
	v55 =	vld.idx.msk [tilespmem:v55+s3+$0x0], $0xffff;
	v35 =	vand.u32 $0xFFFF0000, v18;
	v13 =	vand.u32 $0x1, v13;
	v10 =	vadd.s32 v10, v37  }
.Ltmp2:
0x1c2: {  	v6 =	vld [tilespmem:$0x1FEA0];
	v13 =	vadd.s32 v13, v39;
	v37 =	vadd.s32 $0x7FFF, v34;
	v39 =	vadd.s32 $0x7FFF, v32;
	(pc) =	sbr.rel @p0 .LBB2_7-.Ltmp2, $4  }
0x1c3: {  	v24 =	vld.idx.msk [tilespmem:v56+s3+$0x0], $0xffff;
	v34 =	vadd.s32 $0x7FFF, v8;
	v32 =	vadd.s32 $0x7FFF, v9;
	v10 =	vadd.s32 $0x7FFF, v10  }
0x1c4: {  	v56 =	vld.idx.msk [tilespmem:v14+s3+$0x0], $0xffff;
	v13 =	vadd.s32 $0x7FFF, v13;
	v21 =	vand.u32 $0xFFFF0000, v39;
	v51 =	vand.u32 $0xFFFF0000, v37  }
0x1c5: {  	v9 =	vld [tilespmem:$0x1FEB0];
	v39 =	vand.u32 $0xFFFF0000, v16;
	v37 =	vand.u32 $0xFFFF0000, v17;
	v42 =	vand.u32 $0xFFFF0000, v10  }
0x1c6: {  	s20 =	sadd.s32 $0x8, s20;
	v25 =	vand.u32 $0xFFFF0000, v13;
	v46 =	vand.u32 $0xFFFF0000, v26;
	v26 =	vand.u32 $0xFFFF0000, v12;
	v23 =	vld.idx.msk [tilespmem:v19+s3+$0x0], $0xffff  }
0x1c7: {  	_ =	sdelay $0x3  }
0x1c8: {  	v3 =	vld.idx.msk [tilespmem:v6+s3+$0x0], $0xffff  }
0x1c9: {  	v0 =	vand.u32 $0xFFFF0000, v40;
	v1 =	vmul.f32 v53, v55;
	v2 =	vmul.f32 v54, v55;
	v20 =	vld [tilespmem:$0x1FF30]  }
0x1ca: {  	v4 =	vand.u32 $0xFFFF0000, v38;
	v5 =	vmul.f32 v49, v55;
	v49 =	vmul.f32 v50, v55;
	v54 =	vld.idx.msk [tilespmem:v62+s3+$0x0], $0xffff  }
0x1cb: {  	v8 =	vand.u32 $0xFFFF0000, v36;
	v50 =	vmul.f32 v44, v24;
	v12 =	vmul.f32 v51, v56;
	v7 =	vld.idx.msk [tilespmem:v9+s3+$0x0], $0xffff  }
0x1cc: {  	v11 =	vand.u32 $0xFFFF0000, v34;
	v13 =	vmul.f32 v52, v56;
	v15 =	vmul.f32 v45, v56  }
0x1cd: {  	v14 =	vand.u32 $0xFFFF0000, v32;
	v16 =	vmul.f32 v47, v56;
	v52 =	vmul.f32 v41, v3  }
0x1ce: {  	v17 =	vand.u32 $0xFFFF0000, v31;
	v53 =	vmul.f32 v48, v3;
	v56 =	vmul.f32 v39, v3  }
0x1cf: {  	v30 =	vand.u32 $0xFFFF0000, v30;
	v62 =	vld [tilespmem:$0x1FF70];
	v3 =	vmul.f32 v37, v3;
	v17 =	vmul.f32 v17, v54  }
0x1d0: {  	v29 =	vand.u32 $0xFFFF0000, v29;
	v4 =	vmul.f32 v4, v7;
	v8 =	vmul.f32 v8, v7  }
0x1d1: {  	v55 =	vand.u32 $0xFFFF0000, v28;
	v36 =	vmul.f32 v30, v54;
	v20 =	vld.idx.msk [tilespmem:v20+s3+$0x0], $0xffff;
	v11 =	vmul.f32 v11, v7  }
0x1d2: {  	v7 =	vmul.f32 v14, v7;
	v4 =	vadd.f32 v4, v63;
	v8 =	vadd.f32 v8, v61;
	v61 =	vld [tilespmem:$0x1FF60]  }
0x1d3: {  	v37 =	vmul.f32 v29, v54;
	v39 =	vadd.f32 v17, v57;
	v40 =	vadd.f32 v36, v60  }
0x1d4: {  	v10 =	vmul.f32 v46, v24;
	v7 =	vadd.f32 v7, v62;
	v4 =	vadd.f32 v52, v4  }
0x1d5: {  	v18 =	vmul.f32 v42, v23;
	v42 =	vadd.f32 v37, v58;
	v8 =	vadd.f32 v53, v8  }
0x1d6: {  	v3 =	vadd.f32 v3, v7;
	v63 =	vmul.f32 v35, v20;
	v4 =	vadd.f32 v12, v4  }
0x1d7: {  	v35 =	vmul.f32 v33, v20;
	v8 =	vadd.f32 v13, v8;
	v11 =	vadd.f32 v11, v61  }
0x1d8: {  	v38 =	vmul.f32 v55, v54;
	v3 =	vadd.f32 v16, v3;
	v6 =	vadd.f32 v63, v39  }
0x1d9: {  	v19 =	vmul.f32 v43, v23;
	v7 =	vadd.f32 v35, v40;
	v11 =	vadd.f32 v56, v11  }
0x1da: {  	v0 =	vmul.f32 v0, v20;
	v1 =	vadd.f32 v1, v4;
	v4 =	vadd.f32 v38, v59  }
0x1db: {  	v41 =	vmul.f32 v27, v20;
	v2 =	vadd.f32 v2, v8;
	v11 =	vadd.f32 v15, v11  }
0x1dc: {  	v43 =	vmul.f32 v26, v23;
	v3 =	vadd.f32 v49, v3;
	v0 =	vadd.f32 v0, v4  }
0x1dd: {  	v44 =	vmul.f32 v25, v23;
	v5 =	vadd.f32 v5, v11;
	v11 =	vadd.f32 v41, v42  }
0x1de: {  	v46 =	vmul.f32 v21, v24;
	v6 =	vadd.f32 v18, v6;
	v7 =	vadd.f32 v19, v7  }
0x1df: {  	v45 =	vmul.f32 v22, v24;
	v0 =	vadd.f32 v44, v0;
	v8 =	vadd.f32 v43, v11  }
0x1e0: {  	v6 =	vadd.f32 v50, v6;
	v7 =	vadd.f32 v10, v7  }
0x1e1: {  	v0 =	vadd.f32 v46, v0;
	v8 =	vadd.f32 v45, v8  }
0x1e2: {  	v1 =	vadd.f32 v6, v1;
	v2 =	vadd.f32 v7, v2  }
0x1e3: {  	v0 =	vadd.f32 v0, v3;
	v47 =	vadd.f32 v8, v5;
	_ =	sdelay $0x1  }
0x1e4: {  	v3 =	vmax.f32 v1, v2;
	v5 =	vmax.f32 v47, v0  }
0x1e5: {  	v3 =	vmax.f32 v3, v5  }
0x1e6: {  	(xrf0) =	vmax.scan.msk.f32 $0xffff, v3;
	_ =	sdelay $0x5  }
0x1e7: {  	v3, _, _ =	vpop (xrf0)  }
0x1e8: {  	v3 =	vbroadcast v3, $0xF;
	_ =	sdelay $0x1  }
0x1e9: {  	vm0 =	veq.f32 v1, v3;
	vm10 =	veq.f32 v2, v3  }
0x1ea: {  	vm1 =	veq.f32 v47, v3;
	vm2 =	veq.f32 v0, v3;
	v48 =	vsel vm0, $0xFF800000, v1  }
0x1eb: {  	v3 =	vsel vm10, $0xFF800000, v2;
	v49 =	vsel vm1, $0xFF800000, v47;
	v50 =	vsel vm2, $0xFF800000, v0  }
0x1ec: {  	v51 =	vmax.f32 v48, v3;
	v52 =	vmax.f32 v49, v50  }
0x1ed: {  	v8 =	vmax.f32 v51, v52  }
0x1ee: {  	(xrf0) =	vmax.scan.msk.f32 $0xffff, v8;
	_ =	sdelay $0x5  }
0x1ef: {  	v8, _, _ =	vpop (xrf0)  }
0x1f0: {  	v8 =	vbroadcast v8, $0xF;
	_ =	sdelay $0x1  }
0x1f1: {  	vm11 =	veq.f32 v48, v8;
	vm12 =	veq.f32 v3, v8  }
0x1f2: {  	vm1 =	veq.f32 v49, v8;
	vm2 =	veq.f32 v50, v8;
	v5 =	vsel vm11, $0xFF800000, v48  }
0x1f3: {  	v3 =	vsel vm12, $0xFF800000, v3;
	v6 =	vsel vm1, $0xFF800000, v49;
	v7 =	vsel vm2, $0xFF800000, v50  }
0x1f4: {  	v53 =	vmax.f32 v5, v3;
	v54 =	vmax.f32 v6, v7  }
0x1f5: {  	v8 =	vmax.f32 v53, v54  }
0x1f6: {  	(xrf0) =	vmax.scan.msk.f32 $0xffff, v8;
	_ =	sdelay $0x5  }
0x1f7: {  	v8, _, _ =	vpop (xrf0)  }
0x1f8: {  	v8 =	vbroadcast v8, $0xF;
	_ =	sdelay $0x1  }
0x1f9: {  	vm13 =	veq.f32 v5, v8;
	vm14 =	veq.f32 v3, v8  }
0x1fa: {  	vm1 =	veq.f32 v6, v8;
	vm2 =	veq.f32 v7, v8;
	v5 =	vsel vm13, $0xFF800000, v5  }
0x1fb: {  	v3 =	vsel vm14, $0xFF800000, v3;
	v6 =	vsel vm1, $0xFF800000, v6;
	v7 =	vsel vm2, $0xFF800000, v7  }
0x1fc: {  	v55 =	vmax.f32 v5, v3;
	v56 =	vmax.f32 v6, v7  }
0x1fd: {  	v8 =	vmax.f32 v55, v56  }
0x1fe: {  	(xrf0) =	vmax.scan.msk.f32 $0xffff, v8;
	_ =	sdelay $0x5  }
0x1ff: {  	v8, _, _ =	vpop (xrf0)  }
0x200: {  	v8 =	vbroadcast v8, $0xF;
	_ =	sdelay $0x1  }
0x201: {  	vm15 =	veq.f32 v5, v8;
	vm4 =	veq.f32 v3, v8  }
0x202: {  	vm1 =	veq.f32 v6, v8;
	vm2 =	veq.f32 v7, v8;
	v5 =	vsel vm15, $0xFF800000, v5  }
0x203: {  	v3 =	vsel vm4, $0xFF800000, v3;
	v6 =	vsel vm1, $0xFF800000, v6;
	v7 =	vsel vm2, $0xFF800000, v7  }
0x204: {  	v57 =	vmax.f32 v5, v3;
	v58 =	vmax.f32 v6, v7  }
0x205: {  	v8 =	vmax.f32 v57, v58  }
0x206: {  	(xrf0) =	vmax.scan.msk.f32 $0xffff, v8;
	_ =	sdelay $0x5  }
0x207: {  	v8, _, _ =	vpop (xrf0)  }
0x208: {  	v8 =	vbroadcast v8, $0xF;
	_ =	sdelay $0x1  }
0x209: {  	vm5 =	veq.f32 v5, v8;
	vm6 =	veq.f32 v3, v8  }
0x20a: {  	vm1 =	veq.f32 v6, v8;
	vm2 =	veq.f32 v7, v8;
	v5 =	vsel vm5, $0xFF800000, v5  }
0x20b: {  	v3 =	vsel vm6, $0xFF800000, v3;
	v6 =	vsel vm1, $0xFF800000, v6;
	v7 =	vsel vm2, $0xFF800000, v7  }
0x20c: {  	v59 =	vmax.f32 v5, v3;
	v60 =	vmax.f32 v6, v7  }
0x20d: {  	v8 =	vmax.f32 v59, v60  }
0x20e: {  	(xrf0) =	vmax.scan.msk.f32 $0xffff, v8;
	_ =	sdelay $0x5  }
0x20f: {  	v8, _, _ =	vpop (xrf0)  }
0x210: {  	v8 =	vbroadcast v8, $0xF;
	_ =	sdelay $0x1  }
0x211: {  	vm7 =	veq.f32 v5, v8;
	vm8 =	veq.f32 v3, v8  }
0x212: {  	vm1 =	veq.f32 v6, v8;
	vm2 =	veq.f32 v7, v8;
	v5 =	vsel vm7, $0xFF800000, v5  }
0x213: {  	v3 =	vsel vm8, $0xFF800000, v3;
	v6 =	vsel vm1, $0xFF800000, v6;
	v7 =	vsel vm2, $0xFF800000, v7  }
0x214: {  	v61 =	vmax.f32 v5, v3;
	v62 =	vmax.f32 v6, v7  }
0x215: {  	v8 =	vmax.f32 v61, v62  }
0x216: {  	(xrf0) =	vmax.scan.msk.f32 $0xffff, v8;
	_ =	sdelay $0x5  }
0x217: {  	v8, _, _ =	vpop (xrf0)  }
0x218: {  	v8 =	vbroadcast v8, $0xF;
	_ =	sdelay $0x1  }
0x219: {  	vm0 =	veq.f32 v3, v8;
	vm9 =	veq.f32 v7, v8  }
0x21a: {  	vm10 =	veq.f32 v5, v8;
	v3 =	vsel vm0, $0xFF800000, v3;
	v7 =	vsel vm9, $0xFF800000, v7  }
0x21b: {  	vm11 =	veq.f32 v6, v8;
	v5 =	vmax.f32 v5, v3;
	v6 =	vmax.f32 v6, v7  }
0x21c: {  	v3 =	vsel vm10, v3, v5;
	v63 =	vsel vm11, v7, v6  }
0x21d: {  	v3 =	vmax.f32 v3, v63  }
0x21e: {  	(xrf0) =	vmax.scan.msk.f32 $0xffff, v3;
	_ =	sdelay $0x5  }
0x21f: {  	v3, _, _ =	vpop (xrf0)  }
0x220: {  	v3 =	vbroadcast v3, $0xF  }
0x221: {  	s18 =	sadd.s32 $0x1, s18  }
0x222: {  	s19 =	sshll.u32 s19, $0x7;
	p0 =	sne.s32 s18, $0x8;
	vm12 =	vge.f32 v1, v3  }
.Ltmp3:
0x223: {  	s19 =	sand.u32 $0x3FFFFF80, s19;
	vm15 =	vge.f32 v0, v3;
	v1 =	vnsel vm12, $0x0, v1;
	(pc) =	sbr.rel @p0 .LBB2_4-.Ltmp3, $4  }
0x224: {  	v62 =	vld [tilespmem:$0x1FFC0];
	vm13 =	vge.f32 v2, v3;
	v0 =	vnsel vm15, $0x0, v0;
	[tilespmem:s19+$0x4180] =	vst v1  }
0x225: {  	vm14 =	vge.f32 v47, v3;
	v1 =	vnsel vm13, $0x0, v2;
	[tilespmem:s19+$0x41B0] =	vst v0;
	v0 =	vld [tilespmem:$0x1FFD0]  }
0x226: {  	v2 =	vld [tilespmem:$0x1FFF0];
	[tilespmem:s19+$0x4190] =	vst v1;
	v1 =	vnsel vm14, $0x0, v47  }
0x227: {  	[tilespmem:s19+$0x41A0] =	vst v1;
	v1 =	vld [tilespmem:$0x1FFE0]  }
0x228: {  	s17 =	sadd.s32 $0x1, s17  }
0x229: {  	p0 =	sne.s32 s17, s9  }
.Ltmp4:
0x22a: {  	_ = 	snop;
	(pc) =	sbr.rel @p0 .LBB2_1-.Ltmp4, $4  }
0x22b: {  	[hbm4b:s8+s3] =	stream.linear.scatter [tilespmem:s15], [sflag:$0x4], $0x800, $0x38;
	[tilespmem:$0x4980] =	vst v63  }
0x22c: {  	_ =	swait.ge [sflag:s16], $0x800  }
0x22d: {  	[sflag:s16] =	ssyncset.done $0x0  }
0x22e: {  	[sflag:s16] =	ssyncadd.s32 $0xFFFFF800  }
0x22f: {  	_ =	sfence.sel $0x180000  }
0x230: {  	[bflag:$0x0] =	sbarrier.arrive $0xFFFF  }
0x231: {  	p0 =	sne.s32 s0, $0x0;
	_ =	strace $0x90000047  }
0x232: {  	s0 =	sadd.s32 @!p0 $0x100000, s1;
	[bflag:$0x2] =	sbarrier.arrive $0xFFFF  }
0x233: {  	[sflag:s0] =	ssyncadd.tile.s32 @!p0 $0x1;
	_ =	shalt  }
.Lfunc_end2:
_tile_overlayer_lowered:
.L_overlay_start_2:
0x234: {  	(tag) =	ssettag $0x2  }
0x235: {  	s0 =	rddreg [dreg:$0x0];
	s2 =	stileid.u32  }
0x236: {  	s1 =	rddreg [dreg:$0x1];
	p0 =	sne.s32 s2, $0x0  }
0x237: {  	s3 =	rddreg [dreg:$0x2];
	[bflag:$0x3] =	sbarrier.arrive $0xFFFF;
	s2 =	simm.s32 @!p0 $0x1C05  }
0x238: {  	[timem:s3], [sflag:s2] =	dma.local @!p0 [hbm:s0], s1  }
0x239: {  	s0 =	simm.s32 @!p0 $0x5  }
0x23a: {  	_ =	swait.ge @!p0 [sflag:s0], s1  }
0x23b: {  	s1 =	ssub.s32 @!p0 $0x0, s1;
	[sflag:s0] =	ssyncset.done @!p0 $0x0  }
0x23c: {  	[sflag:s0] =	ssyncadd.s32 @!p0 s1  }
0x23d: {  	[bflag:$0x3] =	sbarrier.arrive $0xFFFF  }
0x23e: {  	_ =	shalt  }

</sc_bundles>
